<compile_context>
chip_gen: v7x
topology: tpu7x:2x2x1
jax: 0.10.2.dev20260603
libtpu: 0.0.44.dev20260713+nightly
codegen_flags: <defaults>
</compile_context>

<pallas_src>
import functools
import math

import jax
import jax.numpy as jnp
from jax import lax
from jax.experimental import pallas as pl
from jax.experimental.pallas import tpu as pltpu
from jax.experimental.pallas import tpu_sc as plsc

_LANES = 16
_C = 64
_IB = 1280


def _make_sc_call(N, D, V):
    info = plsc.get_sparse_core_info()
    nc, ns = info.num_cores, info.num_subcores
    nw = nc * ns
    rows_per_w = N // nw
    n_chunks = rows_per_w // _C
    n_iblocks = rows_per_w // _IB
    chunks_per_ib = _IB // _C
    pad = V - 1
    scale = jnp.float32(math.sqrt(float(D)))
    groups = D // _LANES
    mesh = plsc.VectorSubcoreMesh(core_axis_name="c", subcore_axis_name="s")

    @functools.partial(
        pl.kernel,
        out_type=jax.ShapeDtypeStruct((N, D), jnp.float32),
        mesh=mesh,
        scratch_types=[
            pltpu.VMEM((rows_per_w // 2,), jnp.int32),
            pltpu.VMEM((_IB,), jnp.int32),
            pltpu.VMEM((_IB,), jnp.int32),
            pltpu.VMEM((_C, D), jnp.float32),
            pltpu.VMEM((_C, D), jnp.float32),
            pltpu.VMEM((_C, D), jnp.float32),
            pltpu.VMEM((_C, D), jnp.float32),
            pltpu.VMEM((_C, D), jnp.float32),
            pltpu.VMEM((_C, D), jnp.float32),
            pltpu.VMEM((_C, D), jnp.float32),
            pltpu.VMEM((_C, D), jnp.float32),
            pltpu.VMEM_SHARED((V, D), jnp.float32),
            pltpu.SemaphoreType.DMA,
            pltpu.SemaphoreType.DMA,
            pltpu.SemaphoreType.DMA,
            pltpu.SemaphoreType.DMA,
            pltpu.SemaphoreType.DMA,
            pltpu.SemaphoreType.DMA,
            pltpu.SemaphoreType.DMA,
            pltpu.SemaphoreType.DMA,
            pltpu.SemaphoreType.DMA,
            pltpu.SemaphoreType.DMA,
            pltpu.SemaphoreType.DMA,
            pltpu.SemaphoreType.DMA,
        ],
    )
    def sc_call(x_hbm, m_hbm, idx_hbm, pe_hbm, out_hbm, idxall, sidx, smsk,
                xv0, xv1, xv2, xv3, pv0, pv1, pv2, pv3, pe_sh,
                semx0, semx1, semx2, semx3, semg0, semg1, semg2, semg3,
                semo0, semo1, semo2, semo3):
        xv = (xv0, xv1, xv2, xv3)
        pv = (pv0, pv1, pv2, pv3)
        semx = (semx0, semx1, semx2, semx3)
        semg = (semg0, semg1, semg2, semg3)
        semo = (semo0, semo1, semo2, semo3)
        wid = lax.axis_index("s") * nc + lax.axis_index("c")
        base0 = wid * rows_per_w

        @pl.when(lax.axis_index("s") == 0)
        def _stage():
            pltpu.sync_copy(pe_hbm, pe_sh)

        plsc.subcore_barrier()

        half_rows = rows_per_w // 2
        half_chunks = half_rows // _C
        n_iblocks_h = half_rows // _IB
        n_outer = half_chunks // 4

        for half in range(2):
            hbase = base0 + half * half_rows

            def iblock(b, _):
                off = hbase + b * _IB
                pltpu.sync_copy(idx_hbm.at[pl.ds(off, _IB)], sidx)
                pltpu.sync_copy(m_hbm.at[pl.ds(off, _IB)], smsk)

                @plsc.parallel_loop(0, _IB // _LANES, unroll=4)
                def _pad(t):
                    s = pl.ds(t * _LANES, _LANES)
                    v = jnp.minimum(sidx[s], pad)
                    v = jnp.where(smsk[s] != 0, pad, v)
                    idxall[pl.ds(b * _IB + t * _LANES, _LANES)] = v

                return 0

            lax.fori_loop(0, n_iblocks_h, iblock, 0)

            def start_x(g, slot):
                return pltpu.async_copy(
                    x_hbm.at[pl.ds(hbase + g * _C, _C)], xv[slot], semx[slot])

            def start_gather(g, slot):
                return pltpu.async_copy(
                    pe_sh.at[idxall.at[pl.ds(g * _C, _C)]], pv[slot],
                    semg[slot])

            def wait_x(slot):
                pltpu.make_async_copy(
                    x_hbm.at[pl.ds(0, _C)], xv[slot], semx[slot]).wait()

            def wait_gather(slot):
                pltpu.make_async_copy(
                    pe_hbm.at[pl.ds(0, _C)], pv[slot], semg[slot]).wait()

            def start_out(g, slot):
                return pltpu.async_copy(
                    pv[slot], out_hbm.at[pl.ds(hbase + g * _C, _C)],
                    semo[slot])

            def wait_out(slot):
                pltpu.make_async_copy(
                    x_hbm.at[pl.ds(0, _C)], pv[slot], semo[slot]).wait()

            start_x(0, 0)
            start_x(1, 1)
            start_x(2, 2)
            start_gather(0, 0)
            start_gather(1, 1)

            def outer(k, _):
                for b in range(4):
                    g = k * 4 + b

                    if b == 0:
                        start_x(g + 3, 3)
                    else:
                        @pl.when(k < n_outer - 1)
                        def _px():
                            start_x(g + 3, b - 1)

                    wait_x(b)
                    wait_gather(b)

                    xr, pr = xv[b], pv[b]

                    @plsc.parallel_loop(0, _C, unroll=4)
                    def _fma(row):
                        for c in range(groups):
                            s = pl.ds(c * _LANES, _LANES)
                            plsc.addupdate(pr.at[row, s], xr[row, s] * scale)

                    start_out(g, b)

                    nslot = (b + 2) % 4
                    if b < 2:
                        @pl.when(k > 0)
                        def _wo():
                            wait_out(nslot)

                        start_gather(g + 2, nslot)
                    else:
                        wait_out(nslot)

                        @pl.when(k < n_outer - 1)
                        def _pg():
                            start_gather(g + 2, nslot)
                return 0

            lax.fori_loop(0, n_outer, outer, 0)

            wait_out(2)
            wait_out(3)

    return sc_call


def kernel(x, mask, indices, pe):
    B, L, D = x.shape
    N = B * L
    x2 = x.reshape(N, D)
    idx = indices.reshape(N)
    m32 = mask.reshape(N).astype(jnp.int32)
    out = _make_sc_call(N, D, pe.shape[0])(x2, m32, idx, pe)
    return out.reshape(B, L, D)

# --- scband reference (transcript-rebuilt; emitter-appended) ---
"""Pipeline reference for scband-fixed-positional-encoding-45964740002144 (READ-ONLY COPY).

The authoritative reference and input builder live on the scoring server;
editing this copy changes nothing except your own understanding.
"""

import math
import jax, jax.numpy as jnp
import numpy as np

B, L, D, MAX_LEN = 4096, 200, 128, 5000

def _build_pe():
    pe = np.zeros((MAX_LEN, D), dtype=np.float32)
    position = np.arange(0.0, MAX_LEN, dtype=np.float32)[:, None]
    div_term = np.exp(np.arange(0.0, D, 2, dtype=np.float32) * -(math.log(10000.0) / D))
    pe[:, 0::2] = np.sin(position * div_term)
    pe[:, 1::2] = np.cos(position * div_term)
    pe = np.concatenate([pe, np.zeros((1, D), dtype=np.float32)], axis=0)
    return jnp.asarray(pe)

def setup_inputs(seed: int = 0) -> dict:
    key = jax.random.key(seed)
    k1, k2, k3 = jax.random.split(key, 3)
    x = jax.random.normal(k1, (B, L, D), dtype=jnp.float32)
    mask = jax.random.randint(k2, (B, L), 0, 2).astype(bool)
    indices = jax.random.randint(k3, (B, L), 0, MAX_LEN).astype(jnp.int32)
    pe = _build_pe()
    return {"x": x, "mask": mask, "indices": indices, "pe": pe}

def reference(x, mask, indices, pe):
    padding_idx = pe.shape[0] - 1
    d_model = pe.shape[1]
    padded_indices = jnp.where(mask, padding_idx, indices)
    padded_indices = jnp.where(padded_indices > padding_idx, padding_idx, padded_indices)
    out = math.sqrt(float(d_model)) * x + jnp.take(pe, padded_indices, axis=0)
    return out

if __name__ == "__main__":
    import jax
    _d = setup_inputs()
    print(jax.jit(kernel)(*tuple(_d.values())))

</pallas_src>

<mosaic_0001>
#map = affine_map<(d0, d1) -> (0, 0)>
#map1 = affine_map<(d0, d1) -> (0)>
module attributes {stable_mosaic.version = 14 : i64} {
  func.func @_rewritten_body(%arg0: i32, %arg1: i32, %arg2: memref<819200x128xf32, #tpu.memory_space<hbm>>, %arg3: memref<819200xi32, #tpu.memory_space<hbm>>, %arg4: memref<819200xi32, #tpu.memory_space<hbm>>, %arg5: memref<5001x128xf32, #tpu.memory_space<hbm>>, %arg6: memref<1xf32, #tpu.memory_space<hbm>>, %arg7: memref<819200x128xf32, #tpu.memory_space<hbm>>, %arg8: memref<12800xi32, #tpu.memory_space<vmem>>, %arg9: memref<1280xi32, #tpu.memory_space<vmem>>, %arg10: memref<1280xi32, #tpu.memory_space<vmem>>, %arg11: memref<64x128xf32, #tpu.memory_space<vmem>>, %arg12: memref<64x128xf32, #tpu.memory_space<vmem>>, %arg13: memref<64x128xf32, #tpu.memory_space<vmem>>, %arg14: memref<64x128xf32, #tpu.memory_space<vmem>>, %arg15: memref<64x128xf32, #tpu.memory_space<vmem>>, %arg16: memref<64x128xf32, #tpu.memory_space<vmem>>, %arg17: memref<64x128xf32, #tpu.memory_space<vmem>>, %arg18: memref<64x128xf32, #tpu.memory_space<vmem>>, %arg19: memref<5001x128xf32, #tpu.memory_space<vmem_shared>>, %arg20: memref<!tpu.dma_semaphore, #tpu.memory_space<semaphore_mem>>, %arg21: memref<!tpu.dma_semaphore, #tpu.memory_space<semaphore_mem>>, %arg22: memref<!tpu.dma_semaphore, #tpu.memory_space<semaphore_mem>>, %arg23: memref<!tpu.dma_semaphore, #tpu.memory_space<semaphore_mem>>, %arg24: memref<!tpu.dma_semaphore, #tpu.memory_space<semaphore_mem>>, %arg25: memref<!tpu.dma_semaphore, #tpu.memory_space<semaphore_mem>>, %arg26: memref<!tpu.dma_semaphore, #tpu.memory_space<semaphore_mem>>, %arg27: memref<!tpu.dma_semaphore, #tpu.memory_space<semaphore_mem>>, %arg28: memref<!tpu.dma_semaphore, #tpu.memory_space<semaphore_mem>>, %arg29: memref<!tpu.dma_semaphore, #tpu.memory_space<semaphore_mem>>, %arg30: memref<!tpu.dma_semaphore, #tpu.memory_space<semaphore_mem>>, %arg31: memref<!tpu.dma_semaphore, #tpu.memory_space<semaphore_mem>>) attributes {dimension_semantics = [#tpu.dimension_semantics<core_parallel>, #tpu.dimension_semantics<subcore_parallel>], iteration_bounds = array<i64: 2, 16>, scalar_prefetch = 0 : i64, scratch_operands = 24 : i64, tpu.core_type = #tpu.core_type<sc_vector_subcore>, window_params = [{transform_indices = #map}, {transform_indices = #map1}, {transform_indices = #map1}, {transform_indices = #map}, {transform_indices = #map1}, {transform_indices = #map}]} {
    %empty_ref3A = memref.alloca() : memref<16xf32, #tpu.memory_space<vmem>>
    "tpu.region"() ({
      %run_scoped3A = tpu.sem_alloc : memref<!tpu.dma_semaphore, #tpu.memory_space<semaphore_mem>>
      %dma_start3A_116 = arith.constant 0 : i32
      %dma_start3A_117 = tpu.memref_slice %empty_ref3A[%dma_start3A_116] : memref<16xf32, #tpu.memory_space<vmem>> -> memref<1xf32, #tpu.memory_space<vmem>>
      %dma_start3A_118 = arith.constant 0 : i32
      %dma_start3A_119 = tpu.memref_slice %empty_ref3A[%dma_start3A_118] : memref<16xf32, #tpu.memory_space<vmem>> -> memref<1xf32, #tpu.memory_space<vmem>>
      tpu.enqueue_dma source(%arg6 : memref<1xf32, #tpu.memory_space<hbm>>) target(%dma_start3A_119 : memref<1xf32, #tpu.memory_space<vmem>>) target_semaphore(%run_scoped3A : memref<!tpu.dma_semaphore, #tpu.memory_space<semaphore_mem>>)
      %dma_wait3A_120 = arith.constant 0 : i32
      %dma_wait3A_121 = tpu.memref_slice %empty_ref3A[%dma_wait3A_120] : memref<16xf32, #tpu.memory_space<vmem>> -> memref<1xf32, #tpu.memory_space<vmem>>
      %dma_wait3A_122 = arith.constant 0 : i32
      %dma_wait3A_123 = tpu.memref_slice %empty_ref3A[%dma_wait3A_122] : memref<16xf32, #tpu.memory_space<vmem>> -> memref<1xf32, #tpu.memory_space<vmem>>
      tpu.wait_dma2 semaphore(%run_scoped3A : memref<!tpu.dma_semaphore, #tpu.memory_space<semaphore_mem>>) src(%arg6 : memref<1xf32, #tpu.memory_space<hbm>>) dst(%dma_wait3A_123 : memref<1xf32, #tpu.memory_space<vmem>>)
      tpu.yield
    }) : () -> ()
    %get3A = arith.constant 0 : index
    %get3A_0 = tpu.vector_load %empty_ref3A[%get3A] {strides = array<i32>} : memref<16xf32, #tpu.memory_space<vmem>>, vector<16xf32>,
    %get3A_1 = vector.shape_cast %get3A_0 : vector<16xf32> to vector<16xf32>
    %slice3A = vector.extract_strided_slice %get3A_1 {offsets = [0], sizes = [1], strides = [1]} : vector<16xf32> to vector<1xf32>
    %squeeze3A = vector.extract %slice3A[0] : f32 from vector<1xf32>
    %mul3A = arith.constant 2 : i32
    %mul3A_2 = arith.muli %arg1, %mul3A : i32
    %add3A = arith.addi %mul3A_2, %arg0 : i32
    %mul3A_3 = arith.constant 25600 : i32
    %mul3A_4 = arith.muli %add3A, %mul3A_3 : i32
    %eq3A = arith.constant 0 : i32
    %eq3A_5 = arith.cmpi eq, %arg1, %eq3A : i32
    %convert_element_type3A = arith.extui %eq3A_5 : i1 to i32
    %cond3A = arith.constant 0 : i32
    %cond3A_6 = arith.cmpi ne, %convert_element_type3A, %cond3A : i32
    scf.if %cond3A_6 {
      "tpu.region"() ({
        %run_scoped3A = tpu.sem_alloc : memref<!tpu.dma_semaphore, #tpu.memory_space<semaphore_mem>>
        tpu.enqueue_dma source(%arg5 : memref<5001x128xf32, #tpu.memory_space<hbm>>) target(%arg19 : memref<5001x128xf32, #tpu.memory_space<vmem_shared>>) target_semaphore(%run_scoped3A : memref<!tpu.dma_semaphore, #tpu.memory_space<semaphore_mem>>)
        tpu.wait_dma2 semaphore(%run_scoped3A : memref<!tpu.dma_semaphore, #tpu.memory_space<semaphore_mem>>) src(%arg5 : memref<5001x128xf32, #tpu.memory_space<hbm>>) dst(%arg19 : memref<5001x128xf32, #tpu.memory_space<vmem_shared>>)
        tpu.yield
      }) : () -> ()
    } else {
    }
    %barrier3A = arith.constant 0 : index
    tpu.barrier barrier_id(%barrier3A)
    %add3A_7 = arith.constant 0 : i32
    %add3A_8 = arith.addi %mul3A_4, %add3A_7 : i32
    %scan3A = arith.constant 0 : i32
    %scan3A_9 = arith.constant 0 : i32
    %scan3A_10 = arith.constant 10 : i32
    %scan3A_11 = arith.addi %scan3A_9, %scan3A_10 : i32
    %scan3A_12 = arith.constant 1 : i32
    %scan3A_13 = scf.for %scan3A_116 = %scan3A_9 to %scan3A_11 step %scan3A_12 iter_args(%scan3A_117 = %scan3A) -> (i32)  : i32 {
      %mul3A_118 = arith.constant 1280 : i32
      %mul3A_119 = arith.muli %scan3A_116, %mul3A_118 : i32
      %add3A_120 = arith.addi %add3A_8, %mul3A_119 : i32
      "tpu.region"() ({
        %run_scoped3A = tpu.sem_alloc : memref<!tpu.dma_semaphore, #tpu.memory_space<semaphore_mem>>
        %dma_start3A_124 = tpu.memref_slice %arg4[%add3A_120] : memref<819200xi32, #tpu.memory_space<hbm>> -> memref<1280xi32, #tpu.memory_space<hbm>>
        %dma_start3A_125 = tpu.memref_slice %arg4[%add3A_120] : memref<819200xi32, #tpu.memory_space<hbm>> -> memref<1280xi32, #tpu.memory_space<hbm>>
        tpu.enqueue_dma source(%dma_start3A_125 : memref<1280xi32, #tpu.memory_space<hbm>>) target(%arg9 : memref<1280xi32, #tpu.memory_space<vmem>>) target_semaphore(%run_scoped3A : memref<!tpu.dma_semaphore, #tpu.memory_space<semaphore_mem>>)
        %dma_wait3A_126 = tpu.memref_slice %arg4[%add3A_120] : memref<819200xi32, #tpu.memory_space<hbm>> -> memref<1280xi32, #tpu.memory_space<hbm>>
        %dma_wait3A_127 = tpu.memref_slice %arg4[%add3A_120] : memref<819200xi32, #tpu.memory_space<hbm>> -> memref<1280xi32, #tpu.memory_space<hbm>>
        tpu.wait_dma2 semaphore(%run_scoped3A : memref<!tpu.dma_semaphore, #tpu.memory_space<semaphore_mem>>) src(%dma_wait3A_127 : memref<1280xi32, #tpu.memory_space<hbm>>) dst(%arg9 : memref<1280xi32, #tpu.memory_space<vmem>>)
        tpu.yield
      }) : () -> ()
      "tpu.region"() ({
        %run_scoped3A = tpu.sem_alloc : memref<!tpu.dma_semaphore, #tpu.memory_space<semaphore_mem>>
        %dma_start3A_124 = tpu.memref_slice %arg3[%add3A_120] : memref<819200xi32, #tpu.memory_space<hbm>> -> memref<1280xi32, #tpu.memory_space<hbm>>
        %dma_start3A_125 = tpu.memref_slice %arg3[%add3A_120] : memref<819200xi32, #tpu.memory_space<hbm>> -> memref<1280xi32, #tpu.memory_space<hbm>>
        tpu.enqueue_dma source(%dma_start3A_125 : memref<1280xi32, #tpu.memory_space<hbm>>) target(%arg10 : memref<1280xi32, #tpu.memory_space<vmem>>) target_semaphore(%run_scoped3A : memref<!tpu.dma_semaphore, #tpu.memory_space<semaphore_mem>>)
        %dma_wait3A_126 = tpu.memref_slice %arg3[%add3A_120] : memref<819200xi32, #tpu.memory_space<hbm>> -> memref<1280xi32, #tpu.memory_space<hbm>>
        %dma_wait3A_127 = tpu.memref_slice %arg3[%add3A_120] : memref<819200xi32, #tpu.memory_space<hbm>> -> memref<1280xi32, #tpu.memory_space<hbm>>
        tpu.wait_dma2 semaphore(%run_scoped3A : memref<!tpu.dma_semaphore, #tpu.memory_space<semaphore_mem>>) src(%dma_wait3A_127 : memref<1280xi32, #tpu.memory_space<hbm>>) dst(%arg10 : memref<1280xi32, #tpu.memory_space<vmem>>)
        tpu.yield
      }) : () -> ()
      %parallel_loop3A = arith.constant 0 : i32
      %parallel_loop3A_121 = arith.constant 80 : i32
      %parallel_loop3A_122 = arith.constant 1 : i32
      scf.for %parallel_loop3A_124 = %parallel_loop3A to %parallel_loop3A_121 step %parallel_loop3A_122  : i32 {
        %parallel_loop3A_125 = arith.constant 16 : i32
        %parallel_loop3A_126 = arith.muli %parallel_loop3A_124, %parallel_loop3A_125 : i32
        %parallel_loop3A_127 = arith.index_cast %parallel_loop3A_126 : i32 to index
        %parallel_loop3A_128 = tpu.vector_load %arg9[%parallel_loop3A_127] {strides = array<i32>} : memref<1280xi32, #tpu.memory_space<vmem>>, vector<16xi32>,
        %parallel_loop3A_129 = vector.shape_cast %parallel_loop3A_128 : vector<16xi32> to vector<16xi32>
        %parallel_loop3A_130 = arith.constant 5000 : i32
        %parallel_loop3A_131 = vector.broadcast %parallel_loop3A_130 : i32 to vector<16xi32>
        %parallel_loop3A_132 = arith.minsi %parallel_loop3A_129, %parallel_loop3A_131 : vector<16xi32>
        %parallel_loop3A_133 = arith.index_cast %parallel_loop3A_126 : i32 to index
        %parallel_loop3A_134 = tpu.vector_load %arg10[%parallel_loop3A_133] {strides = array<i32>} : memref<1280xi32, #tpu.memory_space<vmem>>, vector<16xi32>,
        %parallel_loop3A_135 = vector.shape_cast %parallel_loop3A_134 : vector<16xi32> to vector<16xi32>
        %parallel_loop3A_136 = arith.constant 0 : i32
        %parallel_loop3A_137 = vector.broadcast %parallel_loop3A_136 : i32 to vector<16xi32>
        %parallel_loop3A_138 = arith.cmpi ne, %parallel_loop3A_135, %parallel_loop3A_137 : vector<16xi32>
        %parallel_loop3A_139 = arith.constant 5000 : i32
        %parallel_loop3A_140 = vector.broadcast %parallel_loop3A_139 : i32 to vector<16xi32>
        %parallel_loop3A_141 = arith.select %parallel_loop3A_138, %parallel_loop3A_140, %parallel_loop3A_132 : vector<16xi1>, vector<16xi32>
        %parallel_loop3A_142 = arith.constant 1280 : i32
        %parallel_loop3A_143 = arith.muli %scan3A_116, %parallel_loop3A_142 : i32
        %parallel_loop3A_144 = arith.constant 16 : i32
        %parallel_loop3A_145 = arith.muli %parallel_loop3A_124, %parallel_loop3A_144 : i32
        %parallel_loop3A_146 = arith.addi %parallel_loop3A_143, %parallel_loop3A_145 : i32
        %parallel_loop3A_147 = arith.index_cast %parallel_loop3A_146 : i32 to index
        %parallel_loop3A_148 = tpu.vector_load %arg8[%parallel_loop3A_147] {strides = array<i32>} : memref<12800xi32, #tpu.memory_space<vmem>>, vector<16xi32>,
        %parallel_loop3A_149 = vector.shape_cast %parallel_loop3A_148 : vector<16xi32> to vector<16xi32>
        %parallel_loop3A_150 = vector.shape_cast %parallel_loop3A_141 : vector<16xi32> to vector<16xi32>
        tpu.vector_store %arg8[%parallel_loop3A_147], %parallel_loop3A_150 {strides = array<i32>} : memref<12800xi32, #tpu.memory_space<vmem>>, vector<16xi32>,
      } {sc.loop_unroll_factor = 4 : i64, sc.parallel_access}
      %scan3A_123 = arith.constant 0 : i32
      scf.yield %scan3A_123 : i32
    }
    %scan3A_14 = arith.constant 10 : i32
    %add3A_15 = arith.constant 0 : i32
    %add3A_16 = arith.addi %add3A_8, %add3A_15 : i32
    %dma_start3A = arith.constant 0 : i32
    %dma_start3A_17 = tpu.memref_slice %arg2[%add3A_16, %dma_start3A] : memref<819200x128xf32, #tpu.memory_space<hbm>> -> memref<64x128xf32, #tpu.memory_space<hbm>>
    %dma_start3A_18 = arith.constant 0 : i32
    %dma_start3A_19 = tpu.memref_slice %arg2[%add3A_16, %dma_start3A_18] : memref<819200x128xf32, #tpu.memory_space<hbm>> -> memref<64x128xf32, #tpu.memory_space<hbm>>
    tpu.enqueue_dma source(%dma_start3A_19 : memref<64x128xf32, #tpu.memory_space<hbm>>) target(%arg11 : memref<64x128xf32, #tpu.memory_space<vmem>>) target_semaphore(%arg20 : memref<!tpu.dma_semaphore, #tpu.memory_space<semaphore_mem>>)
    %add3A_20 = arith.constant 64 : i32
    %add3A_21 = arith.addi %add3A_8, %add3A_20 : i32
    %dma_start3A_22 = arith.constant 0 : i32
    %dma_start3A_23 = tpu.memref_slice %arg2[%add3A_21, %dma_start3A_22] : memref<819200x128xf32, #tpu.memory_space<hbm>> -> memref<64x128xf32, #tpu.memory_space<hbm>>
    %dma_start3A_24 = arith.constant 0 : i32
    %dma_start3A_25 = tpu.memref_slice %arg2[%add3A_21, %dma_start3A_24] : memref<819200x128xf32, #tpu.memory_space<hbm>> -> memref<64x128xf32, #tpu.memory_space<hbm>>
    tpu.enqueue_dma source(%dma_start3A_25 : memref<64x128xf32, #tpu.memory_space<hbm>>) target(%arg12 : memref<64x128xf32, #tpu.memory_space<vmem>>) target_semaphore(%arg21 : memref<!tpu.dma_semaphore, #tpu.memory_space<semaphore_mem>>)
    %add3A_26 = arith.constant 128 : i32
    %add3A_27 = arith.addi %add3A_8, %add3A_26 : i32
    %dma_start3A_28 = arith.constant 0 : i32
    %dma_start3A_29 = tpu.memref_slice %arg2[%add3A_27, %dma_start3A_28] : memref<819200x128xf32, #tpu.memory_space<hbm>> -> memref<64x128xf32, #tpu.memory_space<hbm>>
    %dma_start3A_30 = arith.constant 0 : i32
    %dma_start3A_31 = tpu.memref_slice %arg2[%add3A_27, %dma_start3A_30] : memref<819200x128xf32, #tpu.memory_space<hbm>> -> memref<64x128xf32, #tpu.memory_space<hbm>>
    tpu.enqueue_dma source(%dma_start3A_31 : memref<64x128xf32, #tpu.memory_space<hbm>>) target(%arg13 : memref<64x128xf32, #tpu.memory_space<vmem>>) target_semaphore(%arg22 : memref<!tpu.dma_semaphore, #tpu.memory_space<semaphore_mem>>)
    %dma_start3A_32 = arith.constant 0 : i32
    %dma_start3A_33 = tpu.memref_slice %arg8[%dma_start3A_32] : memref<12800xi32, #tpu.memory_space<vmem>> -> memref<64xi32, #tpu.memory_space<vmem>>
    %dma_start3A_34 = arith.constant 0 : i32
    %dma_start3A_35 = arith.constant 0 : i32
    %dma_start3A_36 = tpu.memref_slice %arg19[%dma_start3A_34, %dma_start3A_35] : memref<5001x128xf32, #tpu.memory_space<vmem_shared>> -> memref<5001x128xf32, #tpu.memory_space<vmem_shared>>
    tpu.enqueue_indirect_dma source(%dma_start3A_36 : memref<5001x128xf32, #tpu.memory_space<vmem_shared>>) target(%arg15 : memref<64x128xf32, #tpu.memory_space<vmem>>) offsets(%dma_start3A_33 : memref<64xi32, #tpu.memory_space<vmem>>) semaphore(%arg24 : memref<!tpu.dma_semaphore, #tpu.memory_space<semaphore_mem>>)
    %dma_start3A_37 = arith.constant 64 : i32
    %dma_start3A_38 = tpu.memref_slice %arg8[%dma_start3A_37] : memref<12800xi32, #tpu.memory_space<vmem>> -> memref<64xi32, #tpu.memory_space<vmem>>
    %dma_start3A_39 = arith.constant 0 : i32
    %dma_start3A_40 = arith.constant 0 : i32
    %dma_start3A_41 = tpu.memref_slice %arg19[%dma_start3A_39, %dma_start3A_40] : memref<5001x128xf32, #tpu.memory_space<vmem_shared>> -> memref<5001x128xf32, #tpu.memory_space<vmem_shared>>
    tpu.enqueue_indirect_dma source(%dma_start3A_41 : memref<5001x128xf32, #tpu.memory_space<vmem_shared>>) target(%arg16 : memref<64x128xf32, #tpu.memory_space<vmem>>) offsets(%dma_start3A_38 : memref<64xi32, #tpu.memory_space<vmem>>) semaphore(%arg25 : memref<!tpu.dma_semaphore, #tpu.memory_space<semaphore_mem>>)
    %scan3A_42 = arith.constant 0 : i32
    %scan3A_43 = arith.constant 0 : i32
    %scan3A_44 = arith.constant 50 : i32
    %scan3A_45 = arith.addi %scan3A_43, %scan3A_44 : i32
    %scan3A_46 = arith.constant 1 : i32
    %scan3A_47 = scf.for %scan3A_116 = %scan3A_43 to %scan3A_45 step %scan3A_46 iter_args(%scan3A_117 = %scan3A_42) -> (i32)  : i32 {
      %mul3A_118 = arith.constant 4 : i32
      %mul3A_119 = arith.muli %scan3A_116, %mul3A_118 : i32
      %add3A_120 = arith.constant 0 : i32
      %add3A_121 = arith.addi %mul3A_119, %add3A_120 : i32
      %add3A_122 = arith.constant 3 : i32
      %add3A_123 = arith.addi %add3A_121, %add3A_122 : i32
      %mul3A_124 = arith.constant 64 : i32
      %mul3A_125 = arith.muli %add3A_123, %mul3A_124 : i32
      %add3A_126 = arith.addi %add3A_8, %mul3A_125 : i32
      %dma_start3A_127 = arith.constant 0 : i32
      %dma_start3A_128 = tpu.memref_slice %arg2[%add3A_126, %dma_start3A_127] : memref<819200x128xf32, #tpu.memory_space<hbm>> -> memref<64x128xf32, #tpu.memory_space<hbm>>
      %dma_start3A_129 = arith.constant 0 : i32
      %dma_start3A_130 = tpu.memref_slice %arg2[%add3A_126, %dma_start3A_129] : memref<819200x128xf32, #tpu.memory_space<hbm>> -> memref<64x128xf32, #tpu.memory_space<hbm>>
      tpu.enqueue_dma source(%dma_start3A_130 : memref<64x128xf32, #tpu.memory_space<hbm>>) target(%arg14 : memref<64x128xf32, #tpu.memory_space<vmem>>) target_semaphore(%arg23 : memref<!tpu.dma_semaphore, #tpu.memory_space<semaphore_mem>>)
      %dma_wait3A_131 = arith.constant 0 : i32
      %dma_wait3A_132 = arith.constant 0 : i32
      %dma_wait3A_133 = tpu.memref_slice %arg2[%dma_wait3A_131, %dma_wait3A_132] : memref<819200x128xf32, #tpu.memory_space<hbm>> -> memref<64x128xf32, #tpu.memory_space<hbm>>
      %dma_wait3A_134 = arith.constant 0 : i32
      %dma_wait3A_135 = arith.constant 0 : i32
      %dma_wait3A_136 = tpu.memref_slice %arg2[%dma_wait3A_134, %dma_wait3A_135] : memref<819200x128xf32, #tpu.memory_space<hbm>> -> memref<64x128xf32, #tpu.memory_space<hbm>>
      tpu.wait_dma2 semaphore(%arg20 : memref<!tpu.dma_semaphore, #tpu.memory_space<semaphore_mem>>) src(%dma_wait3A_136 : memref<64x128xf32, #tpu.memory_space<hbm>>) dst(%arg11 : memref<64x128xf32, #tpu.memory_space<vmem>>)
      %dma_wait3A_137 = arith.constant 0 : i32
      %dma_wait3A_138 = arith.constant 0 : i32
      %dma_wait3A_139 = tpu.memref_slice %arg5[%dma_wait3A_137, %dma_wait3A_138] : memref<5001x128xf32, #tpu.memory_space<hbm>> -> memref<64x128xf32, #tpu.memory_space<hbm>>
      %dma_wait3A_140 = arith.constant 0 : i32
      %dma_wait3A_141 = arith.constant 0 : i32
      %dma_wait3A_142 = tpu.memref_slice %arg5[%dma_wait3A_140, %dma_wait3A_141] : memref<5001x128xf32, #tpu.memory_space<hbm>> -> memref<64x128xf32, #tpu.memory_space<hbm>>
      tpu.wait_dma2 semaphore(%arg24 : memref<!tpu.dma_semaphore, #tpu.memory_space<semaphore_mem>>) src(%dma_wait3A_142 : memref<64x128xf32, #tpu.memory_space<hbm>>) dst(%arg15 : memref<64x128xf32, #tpu.memory_space<vmem>>)
      %parallel_loop3A = arith.constant 0 : i32
      %parallel_loop3A_143 = arith.constant 64 : i32
      %parallel_loop3A_144 = arith.constant 1 : i32
      scf.for %parallel_loop3A_292 = %parallel_loop3A to %parallel_loop3A_143 step %parallel_loop3A_144  : i32 {
        %parallel_loop3A_293 = arith.index_cast %parallel_loop3A_292 : i32 to index
        %parallel_loop3A_294 = arith.constant 0 : index
        %parallel_loop3A_295 = tpu.vector_load %arg11[%parallel_loop3A_293, %parallel_loop3A_294] {strides = array<i32>} : memref<64x128xf32, #tpu.memory_space<vmem>>, vector<1x16xf32>,
        %parallel_loop3A_296 = vector.shape_cast %parallel_loop3A_295 : vector<1x16xf32> to vector<16xf32>
        %parallel_loop3A_297 = vector.broadcast %squeeze3A : f32 to vector<16xf32>
        %parallel_loop3A_298 = arith.mulf %parallel_loop3A_296, %parallel_loop3A_297 : vector<16xf32>
        %parallel_loop3A_299 = arith.index_cast %parallel_loop3A_292 : i32 to index
        %parallel_loop3A_300 = arith.constant 0 : index
        %parallel_loop3A_301 = tpu.vector_load %arg15[%parallel_loop3A_299, %parallel_loop3A_300] {strides = array<i32>} : memref<64x128xf32, #tpu.memory_space<vmem>>, vector<1x16xf32>,
        %parallel_loop3A_302 = vector.shape_cast %parallel_loop3A_301 : vector<1x16xf32> to vector<16xf32>
        %parallel_loop3A_303 = vector.shape_cast %parallel_loop3A_298 : vector<16xf32> to vector<1x16xf32>
        tpu.vector_store %arg15[%parallel_loop3A_299, %parallel_loop3A_300], %parallel_loop3A_303 {add = true, strides = array<i32>} : memref<64x128xf32, #tpu.memory_space<vmem>>, vector<1x16xf32>,
        %parallel_loop3A_304 = arith.index_cast %parallel_loop3A_292 : i32 to index
        %parallel_loop3A_305 = arith.constant 16 : index
        %parallel_loop3A_306 = tpu.vector_load %arg11[%parallel_loop3A_304, %parallel_loop3A_305] {strides = array<i32>} : memref<64x128xf32, #tpu.memory_space<vmem>>, vector<1x16xf32>,
        %parallel_loop3A_307 = vector.shape_cast %parallel_loop3A_306 : vector<1x16xf32> to vector<16xf32>
        %parallel_loop3A_308 = vector.broadcast %squeeze3A : f32 to vector<16xf32>
        %parallel_loop3A_309 = arith.mulf %parallel_loop3A_307, %parallel_loop3A_308 : vector<16xf32>
        %parallel_loop3A_310 = arith.index_cast %parallel_loop3A_292 : i32 to index
        %parallel_loop3A_311 = arith.constant 16 : index
        %parallel_loop3A_312 = tpu.vector_load %arg15[%parallel_loop3A_310, %parallel_loop3A_311] {strides = array<i32>} : memref<64x128xf32, #tpu.memory_space<vmem>>, vector<1x16xf32>,
        %parallel_loop3A_313 = vector.shape_cast %parallel_loop3A_312 : vector<1x16xf32> to vector<16xf32>
        %parallel_loop3A_314 = vector.shape_cast %parallel_loop3A_309 : vector<16xf32> to vector<1x16xf32>
        tpu.vector_store %arg15[%parallel_loop3A_310, %parallel_loop3A_311], %parallel_loop3A_314 {add = true, strides = array<i32>} : memref<64x128xf32, #tpu.memory_space<vmem>>, vector<1x16xf32>,
        %parallel_loop3A_315 = arith.index_cast %parallel_loop3A_292 : i32 to index
        %parallel_loop3A_316 = arith.constant 32 : index
        %parallel_loop3A_317 = tpu.vector_load %arg11[%parallel_loop3A_315, %parallel_loop3A_316] {strides = array<i32>} : memref<64x128xf32, #tpu.memory_space<vmem>>, vector<1x16xf32>,
        %parallel_loop3A_318 = vector.shape_cast %parallel_loop3A_317 : vector<1x16xf32> to vector<16xf32>
        %parallel_loop3A_319 = vector.broadcast %squeeze3A : f32 to vector<16xf32>
        %parallel_loop3A_320 = arith.mulf %parallel_loop3A_318, %parallel_loop3A_319 : vector<16xf32>
        %parallel_loop3A_321 = arith.index_cast %parallel_loop3A_292 : i32 to index
        %parallel_loop3A_322 = arith.constant 32 : index
        %parallel_loop3A_323 = tpu.vector_load %arg15[%parallel_loop3A_321, %parallel_loop3A_322] {strides = array<i32>} : memref<64x128xf32, #tpu.memory_space<vmem>>, vector<1x16xf32>,
        %parallel_loop3A_324 = vector.shape_cast %parallel_loop3A_323 : vector<1x16xf32> to vector<16xf32>
        %parallel_loop3A_325 = vector.shape_cast %parallel_loop3A_320 : vector<16xf32> to vector<1x16xf32>
        tpu.vector_store %arg15[%parallel_loop3A_321, %parallel_loop3A_322], %parallel_loop3A_325 {add = true, strides = array<i32>} : memref<64x128xf32, #tpu.memory_space<vmem>>, vector<1x16xf32>,
        %parallel_loop3A_326 = arith.index_cast %parallel_loop3A_292 : i32 to index
        %parallel_loop3A_327 = arith.constant 48 : index
        %parallel_loop3A_328 = tpu.vector_load %arg11[%parallel_loop3A_326, %parallel_loop3A_327] {strides = array<i32>} : memref<64x128xf32, #tpu.memory_space<vmem>>, vector<1x16xf32>,
        %parallel_loop3A_329 = vector.shape_cast %parallel_loop3A_328 : vector<1x16xf32> to vector<16xf32>
        %parallel_loop3A_330 = vector.broadcast %squeeze3A : f32 to vector<16xf32>
        %parallel_loop3A_331 = arith.mulf %parallel_loop3A_329, %parallel_loop3A_330 : vector<16xf32>
        %parallel_loop3A_332 = arith.index_cast %parallel_loop3A_292 : i32 to index
        %parallel_loop3A_333 = arith.constant 48 : index
        %parallel_loop3A_334 = tpu.vector_load %arg15[%parallel_loop3A_332, %parallel_loop3A_333] {strides = array<i32>} : memref<64x128xf32, #tpu.memory_space<vmem>>, vector<1x16xf32>,
        %parallel_loop3A_335 = vector.shape_cast %parallel_loop3A_334 : vector<1x16xf32> to vector<16xf32>
        %parallel_loop3A_336 = vector.shape_cast %parallel_loop3A_331 : vector<16xf32> to vector<1x16xf32>
        tpu.vector_store %arg15[%parallel_loop3A_332, %parallel_loop3A_333], %parallel_loop3A_336 {add = true, strides = array<i32>} : memref<64x128xf32, #tpu.memory_space<vmem>>, vector<1x16xf32>,
        %parallel_loop3A_337 = arith.index_cast %parallel_loop3A_292 : i32 to index
        %parallel_loop3A_338 = arith.constant 64 : index
        %parallel_loop3A_339 = tpu.vector_load %arg11[%parallel_loop3A_337, %parallel_loop3A_338] {strides = array<i32>} : memref<64x128xf32, #tpu.memory_space<vmem>>, vector<1x16xf32>,
        %parallel_loop3A_340 = vector.shape_cast %parallel_loop3A_339 : vector<1x16xf32> to vector<16xf32>
        %parallel_loop3A_341 = vector.broadcast %squeeze3A : f32 to vector<16xf32>
        %parallel_loop3A_342 = arith.mulf %parallel_loop3A_340, %parallel_loop3A_341 : vector<16xf32>
        %parallel_loop3A_343 = arith.index_cast %parallel_loop3A_292 : i32 to index
        %parallel_loop3A_344 = arith.constant 64 : index
        %parallel_loop3A_345 = tpu.vector_load %arg15[%parallel_loop3A_343, %parallel_loop3A_344] {strides = array<i32>} : memref<64x128xf32, #tpu.memory_space<vmem>>, vector<1x16xf32>,
        %parallel_loop3A_346 = vector.shape_cast %parallel_loop3A_345 : vector<1x16xf32> to vector<16xf32>
        %parallel_loop3A_347 = vector.shape_cast %parallel_loop3A_342 : vector<16xf32> to vector<1x16xf32>
        tpu.vector_store %arg15[%parallel_loop3A_343, %parallel_loop3A_344], %parallel_loop3A_347 {add = true, strides = array<i32>} : memref<64x128xf32, #tpu.memory_space<vmem>>, vector<1x16xf32>,
        %parallel_loop3A_348 = arith.index_cast %parallel_loop3A_292 : i32 to index
        %parallel_loop3A_349 = arith.constant 80 : index
        %parallel_loop3A_350 = tpu.vector_load %arg11[%parallel_loop3A_348, %parallel_loop3A_349] {strides = array<i32>} : memref<64x128xf32, #tpu.memory_space<vmem>>, vector<1x16xf32>,
        %parallel_loop3A_351 = vector.shape_cast %parallel_loop3A_350 : vector<1x16xf32> to vector<16xf32>
        %parallel_loop3A_352 = vector.broadcast %squeeze3A : f32 to vector<16xf32>
        %parallel_loop3A_353 = arith.mulf %parallel_loop3A_351, %parallel_loop3A_352 : vector<16xf32>
        %parallel_loop3A_354 = arith.index_cast %parallel_loop3A_292 : i32 to index
        %parallel_loop3A_355 = arith.constant 80 : index
        %parallel_loop3A_356 = tpu.vector_load %arg15[%parallel_loop3A_354, %parallel_loop3A_355] {strides = array<i32>} : memref<64x128xf32, #tpu.memory_space<vmem>>, vector<1x16xf32>,
        %parallel_loop3A_357 = vector.shape_cast %parallel_loop3A_356 : vector<1x16xf32> to vector<16xf32>
        %parallel_loop3A_358 = vector.shape_cast %parallel_loop3A_353 : vector<16xf32> to vector<1x16xf32>
        tpu.vector_store %arg15[%parallel_loop3A_354, %parallel_loop3A_355], %parallel_loop3A_358 {add = true, strides = array<i32>} : memref<64x128xf32, #tpu.memory_space<vmem>>, vector<1x16xf32>,
        %parallel_loop3A_359 = arith.index_cast %parallel_loop3A_292 : i32 to index
        %parallel_loop3A_360 = arith.constant 96 : index
        %parallel_loop3A_361 = tpu.vector_load %arg11[%parallel_loop3A_359, %parallel_loop3A_360] {strides = array<i32>} : memref<64x128xf32, #tpu.memory_space<vmem>>, vector<1x16xf32>,
        %parallel_loop3A_362 = vector.shape_cast %parallel_loop3A_361 : vector<1x16xf32> to vector<16xf32>
        %parallel_loop3A_363 = vector.broadcast %squeeze3A : f32 to vector<16xf32>
        %parallel_loop3A_364 = arith.mulf %parallel_loop3A_362, %parallel_loop3A_363 : vector<16xf32>
        %parallel_loop3A_365 = arith.index_cast %parallel_loop3A_292 : i32 to index
        %parallel_loop3A_366 = arith.constant 96 : index
        %parallel_loop3A_367 = tpu.vector_load %arg15[%parallel_loop3A_365, %parallel_loop3A_366] {strides = array<i32>} : memref<64x128xf32, #tpu.memory_space<vmem>>, vector<1x16xf32>,
        %parallel_loop3A_368 = vector.shape_cast %parallel_loop3A_367 : vector<1x16xf32> to vector<16xf32>
        %parallel_loop3A_369 = vector.shape_cast %parallel_loop3A_364 : vector<16xf32> to vector<1x16xf32>
        tpu.vector_store %arg15[%parallel_loop3A_365, %parallel_loop3A_366], %parallel_loop3A_369 {add = true, strides = array<i32>} : memref<64x128xf32, #tpu.memory_space<vmem>>, vector<1x16xf32>,
        %parallel_loop3A_370 = arith.index_cast %parallel_loop3A_292 : i32 to index
        %parallel_loop3A_371 = arith.constant 112 : index
        %parallel_loop3A_372 = tpu.vector_load %arg11[%parallel_loop3A_370, %parallel_loop3A_371] {strides = array<i32>} : memref<64x128xf32, #tpu.memory_space<vmem>>, vector<1x16xf32>,
        %parallel_loop3A_373 = vector.shape_cast %parallel_loop3A_372 : vector<1x16xf32> to vector<16xf32>
        %parallel_loop3A_374 = vector.broadcast %squeeze3A : f32 to vector<16xf32>
        %parallel_loop3A_375 = arith.mulf %parallel_loop3A_373, %parallel_loop3A_374 : vector<16xf32>
        %parallel_loop3A_376 = arith.index_cast %parallel_loop3A_292 : i32 to index
        %parallel_loop3A_377 = arith.constant 112 : index
        %parallel_loop3A_378 = tpu.vector_load %arg15[%parallel_loop3A_376, %parallel_loop3A_377] {strides = array<i32>} : memref<64x128xf32, #tpu.memory_space<vmem>>, vector<1x16xf32>,
        %parallel_loop3A_379 = vector.shape_cast %parallel_loop3A_378 : vector<1x16xf32> to vector<16xf32>
        %parallel_loop3A_380 = vector.shape_cast %parallel_loop3A_375 : vector<16xf32> to vector<1x16xf32>
        tpu.vector_store %arg15[%parallel_loop3A_376, %parallel_loop3A_377], %parallel_loop3A_380 {add = true, strides = array<i32>} : memref<64x128xf32, #tpu.memory_space<vmem>>, vector<1x16xf32>,
      } {sc.loop_unroll_factor = 4 : i64, sc.parallel_access}
      %mul3A_145 = arith.constant 64 : i32
      %mul3A_146 = arith.muli %add3A_121, %mul3A_145 : i32
      %add3A_147 = arith.addi %add3A_8, %mul3A_146 : i32
      %dma_start3A_148 = arith.constant 0 : i32
      %dma_start3A_149 = tpu.memref_slice %arg7[%add3A_147, %dma_start3A_148] : memref<819200x128xf32, #tpu.memory_space<hbm>> -> memref<64x128xf32, #tpu.memory_space<hbm>>
      %dma_start3A_150 = arith.constant 0 : i32
      %dma_start3A_151 = tpu.memref_slice %arg7[%add3A_147, %dma_start3A_150] : memref<819200x128xf32, #tpu.memory_space<hbm>> -> memref<64x128xf32, #tpu.memory_space<hbm>>
      tpu.enqueue_dma source(%arg15 : memref<64x128xf32, #tpu.memory_space<vmem>>) target(%dma_start3A_151 : memref<64x128xf32, #tpu.memory_space<hbm>>) target_semaphore(%arg28 : memref<!tpu.dma_semaphore, #tpu.memory_space<semaphore_mem>>)
      %gt3A = arith.constant 0 : i32
      %gt3A_152 = arith.cmpi sgt, %scan3A_116, %gt3A : i32
      %convert_element_type3A_153 = arith.extui %gt3A_152 : i1 to i32
      %cond3A_154 = arith.constant 0 : i32
      %cond3A_155 = arith.cmpi ne, %convert_element_type3A_153, %cond3A_154 : i32
      scf.if %cond3A_155 {
        %dma_wait3A_292 = arith.constant 0 : i32
        %dma_wait3A_293 = arith.constant 0 : i32
        %dma_wait3A_294 = tpu.memref_slice %arg2[%dma_wait3A_292, %dma_wait3A_293] : memref<819200x128xf32, #tpu.memory_space<hbm>> -> memref<64x128xf32, #tpu.memory_space<hbm>>
        %dma_wait3A_295 = arith.constant 0 : i32
        %dma_wait3A_296 = arith.constant 0 : i32
        %dma_wait3A_297 = tpu.memref_slice %arg2[%dma_wait3A_295, %dma_wait3A_296] : memref<819200x128xf32, #tpu.memory_space<hbm>> -> memref<64x128xf32, #tpu.memory_space<hbm>>
        tpu.wait_dma2 semaphore(%arg30 : memref<!tpu.dma_semaphore, #tpu.memory_space<semaphore_mem>>) src(%dma_wait3A_297 : memref<64x128xf32, #tpu.memory_space<hbm>>) dst(%arg17 : memref<64x128xf32, #tpu.memory_space<vmem>>)
      } else {
      }
      %add3A_156 = arith.constant 2 : i32
      %add3A_157 = arith.addi %add3A_121, %add3A_156 : i32
      %mul3A_158 = arith.constant 64 : i32
      %mul3A_159 = arith.muli %add3A_157, %mul3A_158 : i32
      %dma_start3A_160 = tpu.memref_slice %arg8[%mul3A_159] : memref<12800xi32, #tpu.memory_space<vmem>> -> memref<64xi32, #tpu.memory_space<vmem>>
      %dma_start3A_161 = arith.constant 0 : i32
      %dma_start3A_162 = arith.constant 0 : i32
      %dma_start3A_163 = tpu.memref_slice %arg19[%dma_start3A_161, %dma_start3A_162] : memref<5001x128xf32, #tpu.memory_space<vmem_shared>> -> memref<5001x128xf32, #tpu.memory_space<vmem_shared>>
      tpu.enqueue_indirect_dma source(%dma_start3A_163 : memref<5001x128xf32, #tpu.memory_space<vmem_shared>>) target(%arg17 : memref<64x128xf32, #tpu.memory_space<vmem>>) offsets(%dma_start3A_160 : memref<64xi32, #tpu.memory_space<vmem>>) semaphore(%arg26 : memref<!tpu.dma_semaphore, #tpu.memory_space<semaphore_mem>>)
      %mul3A_164 = arith.constant 4 : i32
      %mul3A_165 = arith.muli %scan3A_116, %mul3A_164 : i32
      %add3A_166 = arith.constant 1 : i32
      %add3A_167 = arith.addi %mul3A_165, %add3A_166 : i32
      %lt3A = arith.constant 49 : i32
      %lt3A_168 = arith.cmpi slt, %scan3A_116, %lt3A : i32
      %convert_element_type3A_169 = arith.extui %lt3A_168 : i1 to i32
      %cond3A_170 = arith.constant 0 : i32
      %cond3A_171 = arith.cmpi ne, %convert_element_type3A_169, %cond3A_170 : i32
      scf.if %cond3A_171 {
        %add3A_292 = arith.constant 3 : i32
        %add3A_293 = arith.addi %add3A_167, %add3A_292 : i32
        %mul3A_294 = arith.constant 64 : i32
        %mul3A_295 = arith.muli %add3A_293, %mul3A_294 : i32
        %add3A_296 = arith.addi %add3A_8, %mul3A_295 : i32
        %dma_start3A_297 = arith.constant 0 : i32
        %dma_start3A_298 = tpu.memref_slice %arg2[%add3A_296, %dma_start3A_297] : memref<819200x128xf32, #tpu.memory_space<hbm>> -> memref<64x128xf32, #tpu.memory_space<hbm>>
        %dma_start3A_299 = arith.constant 0 : i32
        %dma_start3A_300 = tpu.memref_slice %arg2[%add3A_296, %dma_start3A_299] : memref<819200x128xf32, #tpu.memory_space<hbm>> -> memref<64x128xf32, #tpu.memory_space<hbm>>
        tpu.enqueue_dma source(%dma_start3A_300 : memref<64x128xf32, #tpu.memory_space<hbm>>) target(%arg11 : memref<64x128xf32, #tpu.memory_space<vmem>>) target_semaphore(%arg20 : memref<!tpu.dma_semaphore, #tpu.memory_space<semaphore_mem>>)
      } else {
      }
      %dma_wait3A_172 = arith.constant 0 : i32
      %dma_wait3A_173 = arith.constant 0 : i32
      %dma_wait3A_174 = tpu.memref_slice %arg2[%dma_wait3A_172, %dma_wait3A_173] : memref<819200x128xf32, #tpu.memory_space<hbm>> -> memref<64x128xf32, #tpu.memory_space<hbm>>
      %dma_wait3A_175 = arith.constant 0 : i32
      %dma_wait3A_176 = arith.constant 0 : i32
      %dma_wait3A_177 = tpu.memref_slice %arg2[%dma_wait3A_175, %dma_wait3A_176] : memref<819200x128xf32, #tpu.memory_space<hbm>> -> memref<64x128xf32, #tpu.memory_space<hbm>>
      tpu.wait_dma2 semaphore(%arg21 : memref<!tpu.dma_semaphore, #tpu.memory_space<semaphore_mem>>) src(%dma_wait3A_177 : memref<64x128xf32, #tpu.memory_space<hbm>>) dst(%arg12 : memref<64x128xf32, #tpu.memory_space<vmem>>)
      %dma_wait3A_178 = arith.constant 0 : i32
      %dma_wait3A_179 = arith.constant 0 : i32
      %dma_wait3A_180 = tpu.memref_slice %arg5[%dma_wait3A_178, %dma_wait3A_179] : memref<5001x128xf32, #tpu.memory_space<hbm>> -> memref<64x128xf32, #tpu.memory_space<hbm>>
      %dma_wait3A_181 = arith.constant 0 : i32
      %dma_wait3A_182 = arith.constant 0 : i32
      %dma_wait3A_183 = tpu.memref_slice %arg5[%dma_wait3A_181, %dma_wait3A_182] : memref<5001x128xf32, #tpu.memory_space<hbm>> -> memref<64x128xf32, #tpu.memory_space<hbm>>
      tpu.wait_dma2 semaphore(%arg25 : memref<!tpu.dma_semaphore, #tpu.memory_space<semaphore_mem>>) src(%dma_wait3A_183 : memref<64x128xf32, #tpu.memory_space<hbm>>) dst(%arg16 : memref<64x128xf32, #tpu.memory_space<vmem>>)
      %parallel_loop3A_184 = arith.constant 0 : i32
      %parallel_loop3A_185 = arith.constant 64 : i32
      %parallel_loop3A_186 = arith.constant 1 : i32
      scf.for %parallel_loop3A_292 = %parallel_loop3A_184 to %parallel_loop3A_185 step %parallel_loop3A_186  : i32 {
        %parallel_loop3A_293 = arith.index_cast %parallel_loop3A_292 : i32 to index
        %parallel_loop3A_294 = arith.constant 0 : index
        %parallel_loop3A_295 = tpu.vector_load %arg12[%parallel_loop3A_293, %parallel_loop3A_294] {strides = array<i32>} : memref<64x128xf32, #tpu.memory_space<vmem>>, vector<1x16xf32>,
        %parallel_loop3A_296 = vector.shape_cast %parallel_loop3A_295 : vector<1x16xf32> to vector<16xf32>
        %parallel_loop3A_297 = vector.broadcast %squeeze3A : f32 to vector<16xf32>
        %parallel_loop3A_298 = arith.mulf %parallel_loop3A_296, %parallel_loop3A_297 : vector<16xf32>
        %parallel_loop3A_299 = arith.index_cast %parallel_loop3A_292 : i32 to index
        %parallel_loop3A_300 = arith.constant 0 : index
        %parallel_loop3A_301 = tpu.vector_load %arg16[%parallel_loop3A_299, %parallel_loop3A_300] {strides = array<i32>} : memref<64x128xf32, #tpu.memory_space<vmem>>, vector<1x16xf32>,
        %parallel_loop3A_302 = vector.shape_cast %parallel_loop3A_301 : vector<1x16xf32> to vector<16xf32>
        %parallel_loop3A_303 = vector.shape_cast %parallel_loop3A_298 : vector<16xf32> to vector<1x16xf32>
        tpu.vector_store %arg16[%parallel_loop3A_299, %parallel_loop3A_300], %parallel_loop3A_303 {add = true, strides = array<i32>} : memref<64x128xf32, #tpu.memory_space<vmem>>, vector<1x16xf32>,
        %parallel_loop3A_304 = arith.index_cast %parallel_loop3A_292 : i32 to index
        %parallel_loop3A_305 = arith.constant 16 : index
        %parallel_loop3A_306 = tpu.vector_load %arg12[%parallel_loop3A_304, %parallel_loop3A_305] {strides = array<i32>} : memref<64x128xf32, #tpu.memory_space<vmem>>, vector<1x16xf32>,
        %parallel_loop3A_307 = vector.shape_cast %parallel_loop3A_306 : vector<1x16xf32> to vector<16xf32>
        %parallel_loop3A_308 = vector.broadcast %squeeze3A : f32 to vector<16xf32>
        %parallel_loop3A_309 = arith.mulf %parallel_loop3A_307, %parallel_loop3A_308 : vector<16xf32>
        %parallel_loop3A_310 = arith.index_cast %parallel_loop3A_292 : i32 to index
        %parallel_loop3A_311 = arith.constant 16 : index
        %parallel_loop3A_312 = tpu.vector_load %arg16[%parallel_loop3A_310, %parallel_loop3A_311] {strides = array<i32>} : memref<64x128xf32, #tpu.memory_space<vmem>>, vector<1x16xf32>,
        %parallel_loop3A_313 = vector.shape_cast %parallel_loop3A_312 : vector<1x16xf32> to vector<16xf32>
        %parallel_loop3A_314 = vector.shape_cast %parallel_loop3A_309 : vector<16xf32> to vector<1x16xf32>
        tpu.vector_store %arg16[%parallel_loop3A_310, %parallel_loop3A_311], %parallel_loop3A_314 {add = true, strides = array<i32>} : memref<64x128xf32, #tpu.memory_space<vmem>>, vector<1x16xf32>,
        %parallel_loop3A_315 = arith.index_cast %parallel_loop3A_292 : i32 to index
        %parallel_loop3A_316 = arith.constant 32 : index
        %parallel_loop3A_317 = tpu.vector_load %arg12[%parallel_loop3A_315, %parallel_loop3A_316] {strides = array<i32>} : memref<64x128xf32, #tpu.memory_space<vmem>>, vector<1x16xf32>,
        %parallel_loop3A_318 = vector.shape_cast %parallel_loop3A_317 : vector<1x16xf32> to vector<16xf32>
        %parallel_loop3A_319 = vector.broadcast %squeeze3A : f32 to vector<16xf32>
        %parallel_loop3A_320 = arith.mulf %parallel_loop3A_318, %parallel_loop3A_319 : vector<16xf32>
        %parallel_loop3A_321 = arith.index_cast %parallel_loop3A_292 : i32 to index
        %parallel_loop3A_322 = arith.constant 32 : index
        %parallel_loop3A_323 = tpu.vector_load %arg16[%parallel_loop3A_321, %parallel_loop3A_322] {strides = array<i32>} : memref<64x128xf32, #tpu.memory_space<vmem>>, vector<1x16xf32>,
        %parallel_loop3A_324 = vector.shape_cast %parallel_loop3A_323 : vector<1x16xf32> to vector<16xf32>
        %parallel_loop3A_325 = vector.shape_cast %parallel_loop3A_320 : vector<16xf32> to vector<1x16xf32>
        tpu.vector_store %arg16[%parallel_loop3A_321, %parallel_loop3A_322], %parallel_loop3A_325 {add = true, strides = array<i32>} : memref<64x128xf32, #tpu.memory_space<vmem>>, vector<1x16xf32>,
        %parallel_loop3A_326 = arith.index_cast %parallel_loop3A_292 : i32 to index
        %parallel_loop3A_327 = arith.constant 48 : index
        %parallel_loop3A_328 = tpu.vector_load %arg12[%parallel_loop3A_326, %parallel_loop3A_327] {strides = array<i32>} : memref<64x128xf32, #tpu.memory_space<vmem>>, vector<1x16xf32>,
        %parallel_loop3A_329 = vector.shape_cast %parallel_loop3A_328 : vector<1x16xf32> to vector<16xf32>
        %parallel_loop3A_330 = vector.broadcast %squeeze3A : f32 to vector<16xf32>
        %parallel_loop3A_331 = arith.mulf %parallel_loop3A_329, %parallel_loop3A_330 : vector<16xf32>
        %parallel_loop3A_332 = arith.index_cast %parallel_loop3A_292 : i32 to index
        %parallel_loop3A_333 = arith.constant 48 : index
        %parallel_loop3A_334 = tpu.vector_load %arg16[%parallel_loop3A_332, %parallel_loop3A_333] {strides = array<i32>} : memref<64x128xf32, #tpu.memory_space<vmem>>, vector<1x16xf32>,
        %parallel_loop3A_335 = vector.shape_cast %parallel_loop3A_334 : vector<1x16xf32> to vector<16xf32>
        %parallel_loop3A_336 = vector.shape_cast %parallel_loop3A_331 : vector<16xf32> to vector<1x16xf32>
        tpu.vector_store %arg16[%parallel_loop3A_332, %parallel_loop3A_333], %parallel_loop3A_336 {add = true, strides = array<i32>} : memref<64x128xf32, #tpu.memory_space<vmem>>, vector<1x16xf32>,
        %parallel_loop3A_337 = arith.index_cast %parallel_loop3A_292 : i32 to index
        %parallel_loop3A_338 = arith.constant 64 : index
        %parallel_loop3A_339 = tpu.vector_load %arg12[%parallel_loop3A_337, %parallel_loop3A_338] {strides = array<i32>} : memref<64x128xf32, #tpu.memory_space<vmem>>, vector<1x16xf32>,
        %parallel_loop3A_340 = vector.shape_cast %parallel_loop3A_339 : vector<1x16xf32> to vector<16xf32>
        %parallel_loop3A_341 = vector.broadcast %squeeze3A : f32 to vector<16xf32>
        %parallel_loop3A_342 = arith.mulf %parallel_loop3A_340, %parallel_loop3A_341 : vector<16xf32>
        %parallel_loop3A_343 = arith.index_cast %parallel_loop3A_292 : i32 to index
        %parallel_loop3A_344 = arith.constant 64 : index
        %parallel_loop3A_345 = tpu.vector_load %arg16[%parallel_loop3A_343, %parallel_loop3A_344] {strides = array<i32>} : memref<64x128xf32, #tpu.memory_space<vmem>>, vector<1x16xf32>,
        %parallel_loop3A_346 = vector.shape_cast %parallel_loop3A_345 : vector<1x16xf32> to vector<16xf32>
        %parallel_loop3A_347 = vector.shape_cast %parallel_loop3A_342 : vector<16xf32> to vector<1x16xf32>
        tpu.vector_store %arg16[%parallel_loop3A_343, %parallel_loop3A_344], %parallel_loop3A_347 {add = true, strides = array<i32>} : memref<64x128xf32, #tpu.memory_space<vmem>>, vector<1x16xf32>,
        %parallel_loop3A_348 = arith.index_cast %parallel_loop3A_292 : i32 to index
        %parallel_loop3A_349 = arith.constant 80 : index
        %parallel_loop3A_350 = tpu.vector_load %arg12[%parallel_loop3A_348, %parallel_loop3A_349] {strides = array<i32>} : memref<64x128xf32, #tpu.memory_space<vmem>>, vector<1x16xf32>,
        %parallel_loop3A_351 = vector.shape_cast %parallel_loop3A_350 : vector<1x16xf32> to vector<16xf32>
        %parallel_loop3A_352 = vector.broadcast %squeeze3A : f32 to vector<16xf32>
        %parallel_loop3A_353 = arith.mulf %parallel_loop3A_351, %parallel_loop3A_352 : vector<16xf32>
        %parallel_loop3A_354 = arith.index_cast %parallel_loop3A_292 : i32 to index
        %parallel_loop3A_355 = arith.constant 80 : index
        %parallel_loop3A_356 = tpu.vector_load %arg16[%parallel_loop3A_354, %parallel_loop3A_355] {strides = array<i32>} : memref<64x128xf32, #tpu.memory_space<vmem>>, vector<1x16xf32>,
        %parallel_loop3A_357 = vector.shape_cast %parallel_loop3A_356 : vector<1x16xf32> to vector<16xf32>
        %parallel_loop3A_358 = vector.shape_cast %parallel_loop3A_353 : vector<16xf32> to vector<1x16xf32>
        tpu.vector_store %arg16[%parallel_loop3A_354, %parallel_loop3A_355], %parallel_loop3A_358 {add = true, strides = array<i32>} : memref<64x128xf32, #tpu.memory_space<vmem>>, vector<1x16xf32>,
        %parallel_loop3A_359 = arith.index_cast %parallel_loop3A_292 : i32 to index
        %parallel_loop3A_360 = arith.constant 96 : index
        %parallel_loop3A_361 = tpu.vector_load %arg12[%parallel_loop3A_359, %parallel_loop3A_360] {strides = array<i32>} : memref<64x128xf32, #tpu.memory_space<vmem>>, vector<1x16xf32>,
        %parallel_loop3A_362 = vector.shape_cast %parallel_loop3A_361 : vector<1x16xf32> to vector<16xf32>
        %parallel_loop3A_363 = vector.broadcast %squeeze3A : f32 to vector<16xf32>
        %parallel_loop3A_364 = arith.mulf %parallel_loop3A_362, %parallel_loop3A_363 : vector<16xf32>
        %parallel_loop3A_365 = arith.index_cast %parallel_loop3A_292 : i32 to index
        %parallel_loop3A_366 = arith.constant 96 : index
        %parallel_loop3A_367 = tpu.vector_load %arg16[%parallel_loop3A_365, %parallel_loop3A_366] {strides = array<i32>} : memref<64x128xf32, #tpu.memory_space<vmem>>, vector<1x16xf32>,
        %parallel_loop3A_368 = vector.shape_cast %parallel_loop3A_367 : vector<1x16xf32> to vector<16xf32>
        %parallel_loop3A_369 = vector.shape_cast %parallel_loop3A_364 : vector<16xf32> to vector<1x16xf32>
        tpu.vector_store %arg16[%parallel_loop3A_365, %parallel_loop3A_366], %parallel_loop3A_369 {add = true, strides = array<i32>} : memref<64x128xf32, #tpu.memory_space<vmem>>, vector<1x16xf32>,
        %parallel_loop3A_370 = arith.index_cast %parallel_loop3A_292 : i32 to index
        %parallel_loop3A_371 = arith.constant 112 : index
        %parallel_loop3A_372 = tpu.vector_load %arg12[%parallel_loop3A_370, %parallel_loop3A_371] {strides = array<i32>} : memref<64x128xf32, #tpu.memory_space<vmem>>, vector<1x16xf32>,
        %parallel_loop3A_373 = vector.shape_cast %parallel_loop3A_372 : vector<1x16xf32> to vector<16xf32>
        %parallel_loop3A_374 = vector.broadcast %squeeze3A : f32 to vector<16xf32>
        %parallel_loop3A_375 = arith.mulf %parallel_loop3A_373, %parallel_loop3A_374 : vector<16xf32>
        %parallel_loop3A_376 = arith.index_cast %parallel_loop3A_292 : i32 to index
        %parallel_loop3A_377 = arith.constant 112 : index
        %parallel_loop3A_378 = tpu.vector_load %arg16[%parallel_loop3A_376, %parallel_loop3A_377] {strides = array<i32>} : memref<64x128xf32, #tpu.memory_space<vmem>>, vector<1x16xf32>,
        %parallel_loop3A_379 = vector.shape_cast %parallel_loop3A_378 : vector<1x16xf32> to vector<16xf32>
        %parallel_loop3A_380 = vector.shape_cast %parallel_loop3A_375 : vector<16xf32> to vector<1x16xf32>
        tpu.vector_store %arg16[%parallel_loop3A_376, %parallel_loop3A_377], %parallel_loop3A_380 {add = true, strides = array<i32>} : memref<64x128xf32, #tpu.memory_space<vmem>>, vector<1x16xf32>,
      } {sc.loop_unroll_factor = 4 : i64, sc.parallel_access}
      %mul3A_187 = arith.constant 64 : i32
      %mul3A_188 = arith.muli %add3A_167, %mul3A_187 : i32
      %add3A_189 = arith.addi %add3A_8, %mul3A_188 : i32
      %dma_start3A_190 = arith.constant 0 : i32
      %dma_start3A_191 = tpu.memref_slice %arg7[%add3A_189, %dma_start3A_190] : memref<819200x128xf32, #tpu.memory_space<hbm>> -> memref<64x128xf32, #tpu.memory_space<hbm>>
      %dma_start3A_192 = arith.constant 0 : i32
      %dma_start3A_193 = tpu.memref_slice %arg7[%add3A_189, %dma_start3A_192] : memref<819200x128xf32, #tpu.memory_space<hbm>> -> memref<64x128xf32, #tpu.memory_space<hbm>>
      tpu.enqueue_dma source(%arg16 : memref<64x128xf32, #tpu.memory_space<vmem>>) target(%dma_start3A_193 : memref<64x128xf32, #tpu.memory_space<hbm>>) target_semaphore(%arg29 : memref<!tpu.dma_semaphore, #tpu.memory_space<semaphore_mem>>)
      %gt3A_194 = arith.constant 0 : i32
      %gt3A_195 = arith.cmpi sgt, %scan3A_116, %gt3A_194 : i32
      %convert_element_type3A_196 = arith.extui %gt3A_195 : i1 to i32
      %cond3A_197 = arith.constant 0 : i32
      %cond3A_198 = arith.cmpi ne, %convert_element_type3A_196, %cond3A_197 : i32
      scf.if %cond3A_198 {
        %dma_wait3A_292 = arith.constant 0 : i32
        %dma_wait3A_293 = arith.constant 0 : i32
        %dma_wait3A_294 = tpu.memref_slice %arg2[%dma_wait3A_292, %dma_wait3A_293] : memref<819200x128xf32, #tpu.memory_space<hbm>> -> memref<64x128xf32, #tpu.memory_space<hbm>>
        %dma_wait3A_295 = arith.constant 0 : i32
        %dma_wait3A_296 = arith.constant 0 : i32
        %dma_wait3A_297 = tpu.memref_slice %arg2[%dma_wait3A_295, %dma_wait3A_296] : memref<819200x128xf32, #tpu.memory_space<hbm>> -> memref<64x128xf32, #tpu.memory_space<hbm>>
        tpu.wait_dma2 semaphore(%arg31 : memref<!tpu.dma_semaphore, #tpu.memory_space<semaphore_mem>>) src(%dma_wait3A_297 : memref<64x128xf32, #tpu.memory_space<hbm>>) dst(%arg18 : memref<64x128xf32, #tpu.memory_space<vmem>>)
      } else {
      }
      %add3A_199 = arith.constant 2 : i32
      %add3A_200 = arith.addi %add3A_167, %add3A_199 : i32
      %mul3A_201 = arith.constant 64 : i32
      %mul3A_202 = arith.muli %add3A_200, %mul3A_201 : i32
      %dma_start3A_203 = tpu.memref_slice %arg8[%mul3A_202] : memref<12800xi32, #tpu.memory_space<vmem>> -> memref<64xi32, #tpu.memory_space<vmem>>
      %dma_start3A_204 = arith.constant 0 : i32
      %dma_start3A_205 = arith.constant 0 : i32
      %dma_start3A_206 = tpu.memref_slice %arg19[%dma_start3A_204, %dma_start3A_205] : memref<5001x128xf32, #tpu.memory_space<vmem_shared>> -> memref<5001x128xf32, #tpu.memory_space<vmem_shared>>
      tpu.enqueue_indirect_dma source(%dma_start3A_206 : memref<5001x128xf32, #tpu.memory_space<vmem_shared>>) target(%arg18 : memref<64x128xf32, #tpu.memory_space<vmem>>) offsets(%dma_start3A_203 : memref<64xi32, #tpu.memory_space<vmem>>) semaphore(%arg27 : memref<!tpu.dma_semaphore, #tpu.memory_space<semaphore_mem>>)
      %mul3A_207 = arith.constant 4 : i32
      %mul3A_208 = arith.muli %scan3A_116, %mul3A_207 : i32
      %add3A_209 = arith.constant 2 : i32
      %add3A_210 = arith.addi %mul3A_208, %add3A_209 : i32
      %lt3A_211 = arith.constant 49 : i32
      %lt3A_212 = arith.cmpi slt, %scan3A_116, %lt3A_211 : i32
      %convert_element_type3A_213 = arith.extui %lt3A_212 : i1 to i32
      %cond3A_214 = arith.constant 0 : i32
      %cond3A_215 = arith.cmpi ne, %convert_element_type3A_213, %cond3A_214 : i32
      scf.if %cond3A_215 {
        %add3A_292 = arith.constant 3 : i32
        %add3A_293 = arith.addi %add3A_210, %add3A_292 : i32
        %mul3A_294 = arith.constant 64 : i32
        %mul3A_295 = arith.muli %add3A_293, %mul3A_294 : i32
        %add3A_296 = arith.addi %add3A_8, %mul3A_295 : i32
        %dma_start3A_297 = arith.constant 0 : i32
        %dma_start3A_298 = tpu.memref_slice %arg2[%add3A_296, %dma_start3A_297] : memref<819200x128xf32, #tpu.memory_space<hbm>> -> memref<64x128xf32, #tpu.memory_space<hbm>>
        %dma_start3A_299 = arith.constant 0 : i32
        %dma_start3A_300 = tpu.memref_slice %arg2[%add3A_296, %dma_start3A_299] : memref<819200x128xf32, #tpu.memory_space<hbm>> -> memref<64x128xf32, #tpu.memory_space<hbm>>
        tpu.enqueue_dma source(%dma_start3A_300 : memref<64x128xf32, #tpu.memory_space<hbm>>) target(%arg12 : memref<64x128xf32, #tpu.memory_space<vmem>>) target_semaphore(%arg21 : memref<!tpu.dma_semaphore, #tpu.memory_space<semaphore_mem>>)
      } else {
      }
      %dma_wait3A_216 = arith.constant 0 : i32
      %dma_wait3A_217 = arith.constant 0 : i32
      %dma_wait3A_218 = tpu.memref_slice %arg2[%dma_wait3A_216, %dma_wait3A_217] : memref<819200x128xf32, #tpu.memory_space<hbm>> -> memref<64x128xf32, #tpu.memory_space<hbm>>
      %dma_wait3A_219 = arith.constant 0 : i32
      %dma_wait3A_220 = arith.constant 0 : i32
      %dma_wait3A_221 = tpu.memref_slice %arg2[%dma_wait3A_219, %dma_wait3A_220] : memref<819200x128xf32, #tpu.memory_space<hbm>> -> memref<64x128xf32, #tpu.memory_space<hbm>>
      tpu.wait_dma2 semaphore(%arg22 : memref<!tpu.dma_semaphore, #tpu.memory_space<semaphore_mem>>) src(%dma_wait3A_221 : memref<64x128xf32, #tpu.memory_space<hbm>>) dst(%arg13 : memref<64x128xf32, #tpu.memory_space<vmem>>)
      %dma_wait3A_222 = arith.constant 0 : i32
      %dma_wait3A_223 = arith.constant 0 : i32
      %dma_wait3A_224 = tpu.memref_slice %arg5[%dma_wait3A_222, %dma_wait3A_223] : memref<5001x128xf32, #tpu.memory_space<hbm>> -> memref<64x128xf32, #tpu.memory_space<hbm>>
      %dma_wait3A_225 = arith.constant 0 : i32
      %dma_wait3A_226 = arith.constant 0 : i32
      %dma_wait3A_227 = tpu.memref_slice %arg5[%dma_wait3A_225, %dma_wait3A_226] : memref<5001x128xf32, #tpu.memory_space<hbm>> -> memref<64x128xf32, #tpu.memory_space<hbm>>
      tpu.wait_dma2 semaphore(%arg26 : memref<!tpu.dma_semaphore, #tpu.memory_space<semaphore_mem>>) src(%dma_wait3A_227 : memref<64x128xf32, #tpu.memory_space<hbm>>) dst(%arg17 : memref<64x128xf32, #tpu.memory_space<vmem>>)
      %parallel_loop3A_228 = arith.constant 0 : i32
      %parallel_loop3A_229 = arith.constant 64 : i32
      %parallel_loop3A_230 = arith.constant 1 : i32
      scf.for %parallel_loop3A_292 = %parallel_loop3A_228 to %parallel_loop3A_229 step %parallel_loop3A_230  : i32 {
        %parallel_loop3A_293 = arith.index_cast %parallel_loop3A_292 : i32 to index
        %parallel_loop3A_294 = arith.constant 0 : index
        %parallel_loop3A_295 = tpu.vector_load %arg13[%parallel_loop3A_293, %parallel_loop3A_294] {strides = array<i32>} : memref<64x128xf32, #tpu.memory_space<vmem>>, vector<1x16xf32>,
        %parallel_loop3A_296 = vector.shape_cast %parallel_loop3A_295 : vector<1x16xf32> to vector<16xf32>
        %parallel_loop3A_297 = vector.broadcast %squeeze3A : f32 to vector<16xf32>
        %parallel_loop3A_298 = arith.mulf %parallel_loop3A_296, %parallel_loop3A_297 : vector<16xf32>
        %parallel_loop3A_299 = arith.index_cast %parallel_loop3A_292 : i32 to index
        %parallel_loop3A_300 = arith.constant 0 : index
        %parallel_loop3A_301 = tpu.vector_load %arg17[%parallel_loop3A_299, %parallel_loop3A_300] {strides = array<i32>} : memref<64x128xf32, #tpu.memory_space<vmem>>, vector<1x16xf32>,
        %parallel_loop3A_302 = vector.shape_cast %parallel_loop3A_301 : vector<1x16xf32> to vector<16xf32>
        %parallel_loop3A_303 = vector.shape_cast %parallel_loop3A_298 : vector<16xf32> to vector<1x16xf32>
        tpu.vector_store %arg17[%parallel_loop3A_299, %parallel_loop3A_300], %parallel_loop3A_303 {add = true, strides = array<i32>} : memref<64x128xf32, #tpu.memory_space<vmem>>, vector<1x16xf32>,
        %parallel_loop3A_304 = arith.index_cast %parallel_loop3A_292 : i32 to index
        %parallel_loop3A_305 = arith.constant 16 : index
        %parallel_loop3A_306 = tpu.vector_load %arg13[%parallel_loop3A_304, %parallel_loop3A_305] {strides = array<i32>} : memref<64x128xf32, #tpu.memory_space<vmem>>, vector<1x16xf32>,
        %parallel_loop3A_307 = vector.shape_cast %parallel_loop3A_306 : vector<1x16xf32> to vector<16xf32>
        %parallel_loop3A_308 = vector.broadcast %squeeze3A : f32 to vector<16xf32>
        %parallel_loop3A_309 = arith.mulf %parallel_loop3A_307, %parallel_loop3A_308 : vector<16xf32>
        %parallel_loop3A_310 = arith.index_cast %parallel_loop3A_292 : i32 to index
        %parallel_loop3A_311 = arith.constant 16 : index
        %parallel_loop3A_312 = tpu.vector_load %arg17[%parallel_loop3A_310, %parallel_loop3A_311] {strides = array<i32>} : memref<64x128xf32, #tpu.memory_space<vmem>>, vector<1x16xf32>,
        %parallel_loop3A_313 = vector.shape_cast %parallel_loop3A_312 : vector<1x16xf32> to vector<16xf32>
        %parallel_loop3A_314 = vector.shape_cast %parallel_loop3A_309 : vector<16xf32> to vector<1x16xf32>
        tpu.vector_store %arg17[%parallel_loop3A_310, %parallel_loop3A_311], %parallel_loop3A_314 {add = true, strides = array<i32>} : memref<64x128xf32, #tpu.memory_space<vmem>>, vector<1x16xf32>,
        %parallel_loop3A_315 = arith.index_cast %parallel_loop3A_292 : i32 to index
        %parallel_loop3A_316 = arith.constant 32 : index
        %parallel_loop3A_317 = tpu.vector_load %arg13[%parallel_loop3A_315, %parallel_loop3A_316] {strides = array<i32>} : memref<64x128xf32, #tpu.memory_space<vmem>>, vector<1x16xf32>,
        %parallel_loop3A_318 = vector.shape_cast %parallel_loop3A_317 : vector<1x16xf32> to vector<16xf32>
        %parallel_loop3A_319 = vector.broadcast %squeeze3A : f32 to vector<16xf32>
        %parallel_loop3A_320 = arith.mulf %parallel_loop3A_318, %parallel_loop3A_319 : vector<16xf32>
        %parallel_loop3A_321 = arith.index_cast %parallel_loop3A_292 : i32 to index
        %parallel_loop3A_322 = arith.constant 32 : index
        %parallel_loop3A_323 = tpu.vector_load %arg17[%parallel_loop3A_321, %parallel_loop3A_322] {strides = array<i32>} : memref<64x128xf32, #tpu.memory_space<vmem>>, vector<1x16xf32>,
        %parallel_loop3A_324 = vector.shape_cast %parallel_loop3A_323 : vector<1x16xf32> to vector<16xf32>
        %parallel_loop3A_325 = vector.shape_cast %parallel_loop3A_320 : vector<16xf32> to vector<1x16xf32>
        tpu.vector_store %arg17[%parallel_loop3A_321, %parallel_loop3A_322], %parallel_loop3A_325 {add = true, strides = array<i32>} : memref<64x128xf32, #tpu.memory_space<vmem>>, vector<1x16xf32>,
        %parallel_loop3A_326 = arith.index_cast %parallel_loop3A_292 : i32 to index
        %parallel_loop3A_327 = arith.constant 48 : index
        %parallel_loop3A_328 = tpu.vector_load %arg13[%parallel_loop3A_326, %parallel_loop3A_327] {strides = array<i32>} : memref<64x128xf32, #tpu.memory_space<vmem>>, vector<1x16xf32>,
        %parallel_loop3A_329 = vector.shape_cast %parallel_loop3A_328 : vector<1x16xf32> to vector<16xf32>
        %parallel_loop3A_330 = vector.broadcast %squeeze3A : f32 to vector<16xf32>
        %parallel_loop3A_331 = arith.mulf %parallel_loop3A_329, %parallel_loop3A_330 : vector<16xf32>
        %parallel_loop3A_332 = arith.index_cast %parallel_loop3A_292 : i32 to index
        %parallel_loop3A_333 = arith.constant 48 : index
        %parallel_loop3A_334 = tpu.vector_load %arg17[%parallel_loop3A_332, %parallel_loop3A_333] {strides = array<i32>} : memref<64x128xf32, #tpu.memory_space<vmem>>, vector<1x16xf32>,
        %parallel_loop3A_335 = vector.shape_cast %parallel_loop3A_334 : vector<1x16xf32> to vector<16xf32>
        %parallel_loop3A_336 = vector.shape_cast %parallel_loop3A_331 : vector<16xf32> to vector<1x16xf32>
        tpu.vector_store %arg17[%parallel_loop3A_332, %parallel_loop3A_333], %parallel_loop3A_336 {add = true, strides = array<i32>} : memref<64x128xf32, #tpu.memory_space<vmem>>, vector<1x16xf32>,
        %parallel_loop3A_337 = arith.index_cast %parallel_loop3A_292 : i32 to index
        %parallel_loop3A_338 = arith.constant 64 : index
        %parallel_loop3A_339 = tpu.vector_load %arg13[%parallel_loop3A_337, %parallel_loop3A_338] {strides = array<i32>} : memref<64x128xf32, #tpu.memory_space<vmem>>, vector<1x16xf32>,
        %parallel_loop3A_340 = vector.shape_cast %parallel_loop3A_339 : vector<1x16xf32> to vector<16xf32>
        %parallel_loop3A_341 = vector.broadcast %squeeze3A : f32 to vector<16xf32>
        %parallel_loop3A_342 = arith.mulf %parallel_loop3A_340, %parallel_loop3A_341 : vector<16xf32>
        %parallel_loop3A_343 = arith.index_cast %parallel_loop3A_292 : i32 to index
        %parallel_loop3A_344 = arith.constant 64 : index
        %parallel_loop3A_345 = tpu.vector_load %arg17[%parallel_loop3A_343, %parallel_loop3A_344] {strides = array<i32>} : memref<64x128xf32, #tpu.memory_space<vmem>>, vector<1x16xf32>,
        %parallel_loop3A_346 = vector.shape_cast %parallel_loop3A_345 : vector<1x16xf32> to vector<16xf32>
        %parallel_loop3A_347 = vector.shape_cast %parallel_loop3A_342 : vector<16xf32> to vector<1x16xf32>
        tpu.vector_store %arg17[%parallel_loop3A_343, %parallel_loop3A_344], %parallel_loop3A_347 {add = true, strides = array<i32>} : memref<64x128xf32, #tpu.memory_space<vmem>>, vector<1x16xf32>,
        %parallel_loop3A_348 = arith.index_cast %parallel_loop3A_292 : i32 to index
        %parallel_loop3A_349 = arith.constant 80 : index
        %parallel_loop3A_350 = tpu.vector_load %arg13[%parallel_loop3A_348, %parallel_loop3A_349] {strides = array<i32>} : memref<64x128xf32, #tpu.memory_space<vmem>>, vector<1x16xf32>,
        %parallel_loop3A_351 = vector.shape_cast %parallel_loop3A_350 : vector<1x16xf32> to vector<16xf32>
        %parallel_loop3A_352 = vector.broadcast %squeeze3A : f32 to vector<16xf32>
        %parallel_loop3A_353 = arith.mulf %parallel_loop3A_351, %parallel_loop3A_352 : vector<16xf32>
        %parallel_loop3A_354 = arith.index_cast %parallel_loop3A_292 : i32 to index
        %parallel_loop3A_355 = arith.constant 80 : index
        %parallel_loop3A_356 = tpu.vector_load %arg17[%parallel_loop3A_354, %parallel_loop3A_355] {strides = array<i32>} : memref<64x128xf32, #tpu.memory_space<vmem>>, vector<1x16xf32>,
        %parallel_loop3A_357 = vector.shape_cast %parallel_loop3A_356 : vector<1x16xf32> to vector<16xf32>
        %parallel_loop3A_358 = vector.shape_cast %parallel_loop3A_353 : vector<16xf32> to vector<1x16xf32>
        tpu.vector_store %arg17[%parallel_loop3A_354, %parallel_loop3A_355], %parallel_loop3A_358 {add = true, strides = array<i32>} : memref<64x128xf32, #tpu.memory_space<vmem>>, vector<1x16xf32>,
        %parallel_loop3A_359 = arith.index_cast %parallel_loop3A_292 : i32 to index
        %parallel_loop3A_360 = arith.constant 96 : index
        %parallel_loop3A_361 = tpu.vector_load %arg13[%parallel_loop3A_359, %parallel_loop3A_360] {strides = array<i32>} : memref<64x128xf32, #tpu.memory_space<vmem>>, vector<1x16xf32>,
        %parallel_loop3A_362 = vector.shape_cast %parallel_loop3A_361 : vector<1x16xf32> to vector<16xf32>
        %parallel_loop3A_363 = vector.broadcast %squeeze3A : f32 to vector<16xf32>
        %parallel_loop3A_364 = arith.mulf %parallel_loop3A_362, %parallel_loop3A_363 : vector<16xf32>
        %parallel_loop3A_365 = arith.index_cast %parallel_loop3A_292 : i32 to index
        %parallel_loop3A_366 = arith.constant 96 : index
        %parallel_loop3A_367 = tpu.vector_load %arg17[%parallel_loop3A_365, %parallel_loop3A_366] {strides = array<i32>} : memref<64x128xf32, #tpu.memory_space<vmem>>, vector<1x16xf32>,
        %parallel_loop3A_368 = vector.shape_cast %parallel_loop3A_367 : vector<1x16xf32> to vector<16xf32>
        %parallel_loop3A_369 = vector.shape_cast %parallel_loop3A_364 : vector<16xf32> to vector<1x16xf32>
        tpu.vector_store %arg17[%parallel_loop3A_365, %parallel_loop3A_366], %parallel_loop3A_369 {add = true, strides = array<i32>} : memref<64x128xf32, #tpu.memory_space<vmem>>, vector<1x16xf32>,
        %parallel_loop3A_370 = arith.index_cast %parallel_loop3A_292 : i32 to index
        %parallel_loop3A_371 = arith.constant 112 : index
        %parallel_loop3A_372 = tpu.vector_load %arg13[%parallel_loop3A_370, %parallel_loop3A_371] {strides = array<i32>} : memref<64x128xf32, #tpu.memory_space<vmem>>, vector<1x16xf32>,
        %parallel_loop3A_373 = vector.shape_cast %parallel_loop3A_372 : vector<1x16xf32> to vector<16xf32>
        %parallel_loop3A_374 = vector.broadcast %squeeze3A : f32 to vector<16xf32>
        %parallel_loop3A_375 = arith.mulf %parallel_loop3A_373, %parallel_loop3A_374 : vector<16xf32>
        %parallel_loop3A_376 = arith.index_cast %parallel_loop3A_292 : i32 to index
        %parallel_loop3A_377 = arith.constant 112 : index
        %parallel_loop3A_378 = tpu.vector_load %arg17[%parallel_loop3A_376, %parallel_loop3A_377] {strides = array<i32>} : memref<64x128xf32, #tpu.memory_space<vmem>>, vector<1x16xf32>,
        %parallel_loop3A_379 = vector.shape_cast %parallel_loop3A_378 : vector<1x16xf32> to vector<16xf32>
        %parallel_loop3A_380 = vector.shape_cast %parallel_loop3A_375 : vector<16xf32> to vector<1x16xf32>
        tpu.vector_store %arg17[%parallel_loop3A_376, %parallel_loop3A_377], %parallel_loop3A_380 {add = true, strides = array<i32>} : memref<64x128xf32, #tpu.memory_space<vmem>>, vector<1x16xf32>,
      } {sc.loop_unroll_factor = 4 : i64, sc.parallel_access}
      %mul3A_231 = arith.constant 64 : i32
      %mul3A_232 = arith.muli %add3A_210, %mul3A_231 : i32
      %add3A_233 = arith.addi %add3A_8, %mul3A_232 : i32
      %dma_start3A_234 = arith.constant 0 : i32
      %dma_start3A_235 = tpu.memref_slice %arg7[%add3A_233, %dma_start3A_234] : memref<819200x128xf32, #tpu.memory_space<hbm>> -> memref<64x128xf32, #tpu.memory_space<hbm>>
      %dma_start3A_236 = arith.constant 0 : i32
      %dma_start3A_237 = tpu.memref_slice %arg7[%add3A_233, %dma_start3A_236] : memref<819200x128xf32, #tpu.memory_space<hbm>> -> memref<64x128xf32, #tpu.memory_space<hbm>>
      tpu.enqueue_dma source(%arg17 : memref<64x128xf32, #tpu.memory_space<vmem>>) target(%dma_start3A_237 : memref<64x128xf32, #tpu.memory_space<hbm>>) target_semaphore(%arg30 : memref<!tpu.dma_semaphore, #tpu.memory_space<semaphore_mem>>)
      %dma_wait3A_238 = arith.constant 0 : i32
      %dma_wait3A_239 = arith.constant 0 : i32
      %dma_wait3A_240 = tpu.memref_slice %arg2[%dma_wait3A_238, %dma_wait3A_239] : memref<819200x128xf32, #tpu.memory_space<hbm>> -> memref<64x128xf32, #tpu.memory_space<hbm>>
      %dma_wait3A_241 = arith.constant 0 : i32
      %dma_wait3A_242 = arith.constant 0 : i32
      %dma_wait3A_243 = tpu.memref_slice %arg2[%dma_wait3A_241, %dma_wait3A_242] : memref<819200x128xf32, #tpu.memory_space<hbm>> -> memref<64x128xf32, #tpu.memory_space<hbm>>
      tpu.wait_dma2 semaphore(%arg28 : memref<!tpu.dma_semaphore, #tpu.memory_space<semaphore_mem>>) src(%dma_wait3A_243 : memref<64x128xf32, #tpu.memory_space<hbm>>) dst(%arg15 : memref<64x128xf32, #tpu.memory_space<vmem>>)
      %lt3A_244 = arith.constant 49 : i32
      %lt3A_245 = arith.cmpi slt, %scan3A_116, %lt3A_244 : i32
      %convert_element_type3A_246 = arith.extui %lt3A_245 : i1 to i32
      %cond3A_247 = arith.constant 0 : i32
      %cond3A_248 = arith.cmpi ne, %convert_element_type3A_246, %cond3A_247 : i32
      scf.if %cond3A_248 {
        %add3A_292 = arith.constant 2 : i32
        %add3A_293 = arith.addi %add3A_210, %add3A_292 : i32
        %mul3A_294 = arith.constant 64 : i32
        %mul3A_295 = arith.muli %add3A_293, %mul3A_294 : i32
        %dma_start3A_296 = tpu.memref_slice %arg8[%mul3A_295] : memref<12800xi32, #tpu.memory_space<vmem>> -> memref<64xi32, #tpu.memory_space<vmem>>
        %dma_start3A_297 = arith.constant 0 : i32
        %dma_start3A_298 = arith.constant 0 : i32
        %dma_start3A_299 = tpu.memref_slice %arg19[%dma_start3A_297, %dma_start3A_298] : memref<5001x128xf32, #tpu.memory_space<vmem_shared>> -> memref<5001x128xf32, #tpu.memory_space<vmem_shared>>
        tpu.enqueue_indirect_dma source(%dma_start3A_299 : memref<5001x128xf32, #tpu.memory_space<vmem_shared>>) target(%arg15 : memref<64x128xf32, #tpu.memory_space<vmem>>) offsets(%dma_start3A_296 : memref<64xi32, #tpu.memory_space<vmem>>) semaphore(%arg24 : memref<!tpu.dma_semaphore, #tpu.memory_space<semaphore_mem>>)
      } else {
      }
      %mul3A_249 = arith.constant 4 : i32
      %mul3A_250 = arith.muli %scan3A_116, %mul3A_249 : i32
      %add3A_251 = arith.constant 3 : i32
      %add3A_252 = arith.addi %mul3A_250, %add3A_251 : i32
      %lt3A_253 = arith.constant 49 : i32
      %lt3A_254 = arith.cmpi slt, %scan3A_116, %lt3A_253 : i32
      %convert_element_type3A_255 = arith.extui %lt3A_254 : i1 to i32
      %cond3A_256 = arith.constant 0 : i32
      %cond3A_257 = arith.cmpi ne, %convert_element_type3A_255, %cond3A_256 : i32
      scf.if %cond3A_257 {
        %add3A_292 = arith.constant 3 : i32
        %add3A_293 = arith.addi %add3A_252, %add3A_292 : i32
        %mul3A_294 = arith.constant 64 : i32
        %mul3A_295 = arith.muli %add3A_293, %mul3A_294 : i32
        %add3A_296 = arith.addi %add3A_8, %mul3A_295 : i32
        %dma_start3A_297 = arith.constant 0 : i32
        %dma_start3A_298 = tpu.memref_slice %arg2[%add3A_296, %dma_start3A_297] : memref<819200x128xf32, #tpu.memory_space<hbm>> -> memref<64x128xf32, #tpu.memory_space<hbm>>
        %dma_start3A_299 = arith.constant 0 : i32
        %dma_start3A_300 = tpu.memref_slice %arg2[%add3A_296, %dma_start3A_299] : memref<819200x128xf32, #tpu.memory_space<hbm>> -> memref<64x128xf32, #tpu.memory_space<hbm>>
        tpu.enqueue_dma source(%dma_start3A_300 : memref<64x128xf32, #tpu.memory_space<hbm>>) target(%arg13 : memref<64x128xf32, #tpu.memory_space<vmem>>) target_semaphore(%arg22 : memref<!tpu.dma_semaphore, #tpu.memory_space<semaphore_mem>>)
      } else {
      }
      %dma_wait3A_258 = arith.constant 0 : i32
      %dma_wait3A_259 = arith.constant 0 : i32
      %dma_wait3A_260 = tpu.memref_slice %arg2[%dma_wait3A_258, %dma_wait3A_259] : memref<819200x128xf32, #tpu.memory_space<hbm>> -> memref<64x128xf32, #tpu.memory_space<hbm>>
      %dma_wait3A_261 = arith.constant 0 : i32
      %dma_wait3A_262 = arith.constant 0 : i32
      %dma_wait3A_263 = tpu.memref_slice %arg2[%dma_wait3A_261, %dma_wait3A_262] : memref<819200x128xf32, #tpu.memory_space<hbm>> -> memref<64x128xf32, #tpu.memory_space<hbm>>
      tpu.wait_dma2 semaphore(%arg23 : memref<!tpu.dma_semaphore, #tpu.memory_space<semaphore_mem>>) src(%dma_wait3A_263 : memref<64x128xf32, #tpu.memory_space<hbm>>) dst(%arg14 : memref<64x128xf32, #tpu.memory_space<vmem>>)
      %dma_wait3A_264 = arith.constant 0 : i32
      %dma_wait3A_265 = arith.constant 0 : i32
      %dma_wait3A_266 = tpu.memref_slice %arg5[%dma_wait3A_264, %dma_wait3A_265] : memref<5001x128xf32, #tpu.memory_space<hbm>> -> memref<64x128xf32, #tpu.memory_space<hbm>>
      %dma_wait3A_267 = arith.constant 0 : i32
      %dma_wait3A_268 = arith.constant 0 : i32
      %dma_wait3A_269 = tpu.memref_slice %arg5[%dma_wait3A_267, %dma_wait3A_268] : memref<5001x128xf32, #tpu.memory_space<hbm>> -> memref<64x128xf32, #tpu.memory_space<hbm>>
      tpu.wait_dma2 semaphore(%arg27 : memref<!tpu.dma_semaphore, #tpu.memory_space<semaphore_mem>>) src(%dma_wait3A_269 : memref<64x128xf32, #tpu.memory_space<hbm>>) dst(%arg18 : memref<64x128xf32, #tpu.memory_space<vmem>>)
      %parallel_loop3A_270 = arith.constant 0 : i32
      %parallel_loop3A_271 = arith.constant 64 : i32
      %parallel_loop3A_272 = arith.constant 1 : i32
      scf.for %parallel_loop3A_292 = %parallel_loop3A_270 to %parallel_loop3A_271 step %parallel_loop3A_272  : i32 {
        %parallel_loop3A_293 = arith.index_cast %parallel_loop3A_292 : i32 to index
        %parallel_loop3A_294 = arith.constant 0 : index
        %parallel_loop3A_295 = tpu.vector_load %arg14[%parallel_loop3A_293, %parallel_loop3A_294] {strides = array<i32>} : memref<64x128xf32, #tpu.memory_space<vmem>>, vector<1x16xf32>,
        %parallel_loop3A_296 = vector.shape_cast %parallel_loop3A_295 : vector<1x16xf32> to vector<16xf32>
        %parallel_loop3A_297 = vector.broadcast %squeeze3A : f32 to vector<16xf32>
        %parallel_loop3A_298 = arith.mulf %parallel_loop3A_296, %parallel_loop3A_297 : vector<16xf32>
        %parallel_loop3A_299 = arith.index_cast %parallel_loop3A_292 : i32 to index
        %parallel_loop3A_300 = arith.constant 0 : index
        %parallel_loop3A_301 = tpu.vector_load %arg18[%parallel_loop3A_299, %parallel_loop3A_300] {strides = array<i32>} : memref<64x128xf32, #tpu.memory_space<vmem>>, vector<1x16xf32>,
        %parallel_loop3A_302 = vector.shape_cast %parallel_loop3A_301 : vector<1x16xf32> to vector<16xf32>
        %parallel_loop3A_303 = vector.shape_cast %parallel_loop3A_298 : vector<16xf32> to vector<1x16xf32>
        tpu.vector_store %arg18[%parallel_loop3A_299, %parallel_loop3A_300], %parallel_loop3A_303 {add = true, strides = array<i32>} : memref<64x128xf32, #tpu.memory_space<vmem>>, vector<1x16xf32>,
        %parallel_loop3A_304 = arith.index_cast %parallel_loop3A_292 : i32 to index
        %parallel_loop3A_305 = arith.constant 16 : index
        %parallel_loop3A_306 = tpu.vector_load %arg14[%parallel_loop3A_304, %parallel_loop3A_305] {strides = array<i32>} : memref<64x128xf32, #tpu.memory_space<vmem>>, vector<1x16xf32>,
        %parallel_loop3A_307 = vector.shape_cast %parallel_loop3A_306 : vector<1x16xf32> to vector<16xf32>
        %parallel_loop3A_308 = vector.broadcast %squeeze3A : f32 to vector<16xf32>
        %parallel_loop3A_309 = arith.mulf %parallel_loop3A_307, %parallel_loop3A_308 : vector<16xf32>
        %parallel_loop3A_310 = arith.index_cast %parallel_loop3A_292 : i32 to index
        %parallel_loop3A_311 = arith.constant 16 : index
        %parallel_loop3A_312 = tpu.vector_load %arg18[%parallel_loop3A_310, %parallel_loop3A_311] {strides = array<i32>} : memref<64x128xf32, #tpu.memory_space<vmem>>, vector<1x16xf32>,
        %parallel_loop3A_313 = vector.shape_cast %parallel_loop3A_312 : vector<1x16xf32> to vector<16xf32>
        %parallel_loop3A_314 = vector.shape_cast %parallel_loop3A_309 : vector<16xf32> to vector<1x16xf32>
        tpu.vector_store %arg18[%parallel_loop3A_310, %parallel_loop3A_311], %parallel_loop3A_314 {add = true, strides = array<i32>} : memref<64x128xf32, #tpu.memory_space<vmem>>, vector<1x16xf32>,
        %parallel_loop3A_315 = arith.index_cast %parallel_loop3A_292 : i32 to index
        %parallel_loop3A_316 = arith.constant 32 : index
        %parallel_loop3A_317 = tpu.vector_load %arg14[%parallel_loop3A_315, %parallel_loop3A_316] {strides = array<i32>} : memref<64x128xf32, #tpu.memory_space<vmem>>, vector<1x16xf32>,
        %parallel_loop3A_318 = vector.shape_cast %parallel_loop3A_317 : vector<1x16xf32> to vector<16xf32>
        %parallel_loop3A_319 = vector.broadcast %squeeze3A : f32 to vector<16xf32>
        %parallel_loop3A_320 = arith.mulf %parallel_loop3A_318, %parallel_loop3A_319 : vector<16xf32>
        %parallel_loop3A_321 = arith.index_cast %parallel_loop3A_292 : i32 to index
        %parallel_loop3A_322 = arith.constant 32 : index
        %parallel_loop3A_323 = tpu.vector_load %arg18[%parallel_loop3A_321, %parallel_loop3A_322] {strides = array<i32>} : memref<64x128xf32, #tpu.memory_space<vmem>>, vector<1x16xf32>,
        %parallel_loop3A_324 = vector.shape_cast %parallel_loop3A_323 : vector<1x16xf32> to vector<16xf32>
        %parallel_loop3A_325 = vector.shape_cast %parallel_loop3A_320 : vector<16xf32> to vector<1x16xf32>
        tpu.vector_store %arg18[%parallel_loop3A_321, %parallel_loop3A_322], %parallel_loop3A_325 {add = true, strides = array<i32>} : memref<64x128xf32, #tpu.memory_space<vmem>>, vector<1x16xf32>,
        %parallel_loop3A_326 = arith.index_cast %parallel_loop3A_292 : i32 to index
        %parallel_loop3A_327 = arith.constant 48 : index
        %parallel_loop3A_328 = tpu.vector_load %arg14[%parallel_loop3A_326, %parallel_loop3A_327] {strides = array<i32>} : memref<64x128xf32, #tpu.memory_space<vmem>>, vector<1x16xf32>,
        %parallel_loop3A_329 = vector.shape_cast %parallel_loop3A_328 : vector<1x16xf32> to vector<16xf32>
        %parallel_loop3A_330 = vector.broadcast %squeeze3A : f32 to vector<16xf32>
        %parallel_loop3A_331 = arith.mulf %parallel_loop3A_329, %parallel_loop3A_330 : vector<16xf32>
        %parallel_loop3A_332 = arith.index_cast %parallel_loop3A_292 : i32 to index
        %parallel_loop3A_333 = arith.constant 48 : index
        %parallel_loop3A_334 = tpu.vector_load %arg18[%parallel_loop3A_332, %parallel_loop3A_333] {strides = array<i32>} : memref<64x128xf32, #tpu.memory_space<vmem>>, vector<1x16xf32>,
        %parallel_loop3A_335 = vector.shape_cast %parallel_loop3A_334 : vector<1x16xf32> to vector<16xf32>
        %parallel_loop3A_336 = vector.shape_cast %parallel_loop3A_331 : vector<16xf32> to vector<1x16xf32>
        tpu.vector_store %arg18[%parallel_loop3A_332, %parallel_loop3A_333], %parallel_loop3A_336 {add = true, strides = array<i32>} : memref<64x128xf32, #tpu.memory_space<vmem>>, vector<1x16xf32>,
        %parallel_loop3A_337 = arith.index_cast %parallel_loop3A_292 : i32 to index
        %parallel_loop3A_338 = arith.constant 64 : index
        %parallel_loop3A_339 = tpu.vector_load %arg14[%parallel_loop3A_337, %parallel_loop3A_338] {strides = array<i32>} : memref<64x128xf32, #tpu.memory_space<vmem>>, vector<1x16xf32>,
        %parallel_loop3A_340 = vector.shape_cast %parallel_loop3A_339 : vector<1x16xf32> to vector<16xf32>
        %parallel_loop3A_341 = vector.broadcast %squeeze3A : f32 to vector<16xf32>
        %parallel_loop3A_342 = arith.mulf %parallel_loop3A_340, %parallel_loop3A_341 : vector<16xf32>
        %parallel_loop3A_343 = arith.index_cast %parallel_loop3A_292 : i32 to index
        %parallel_loop3A_344 = arith.constant 64 : index
        %parallel_loop3A_345 = tpu.vector_load %arg18[%parallel_loop3A_343, %parallel_loop3A_344] {strides = array<i32>} : memref<64x128xf32, #tpu.memory_space<vmem>>, vector<1x16xf32>,
        %parallel_loop3A_346 = vector.shape_cast %parallel_loop3A_345 : vector<1x16xf32> to vector<16xf32>
        %parallel_loop3A_347 = vector.shape_cast %parallel_loop3A_342 : vector<16xf32> to vector<1x16xf32>
        tpu.vector_store %arg18[%parallel_loop3A_343, %parallel_loop3A_344], %parallel_loop3A_347 {add = true, strides = array<i32>} : memref<64x128xf32, #tpu.memory_space<vmem>>, vector<1x16xf32>,
        %parallel_loop3A_348 = arith.index_cast %parallel_loop3A_292 : i32 to index
        %parallel_loop3A_349 = arith.constant 80 : index
        %parallel_loop3A_350 = tpu.vector_load %arg14[%parallel_loop3A_348, %parallel_loop3A_349] {strides = array<i32>} : memref<64x128xf32, #tpu.memory_space<vmem>>, vector<1x16xf32>,
        %parallel_loop3A_351 = vector.shape_cast %parallel_loop3A_350 : vector<1x16xf32> to vector<16xf32>
        %parallel_loop3A_352 = vector.broadcast %squeeze3A : f32 to vector<16xf32>
        %parallel_loop3A_353 = arith.mulf %parallel_loop3A_351, %parallel_loop3A_352 : vector<16xf32>
        %parallel_loop3A_354 = arith.index_cast %parallel_loop3A_292 : i32 to index
        %parallel_loop3A_355 = arith.constant 80 : index
        %parallel_loop3A_356 = tpu.vector_load %arg18[%parallel_loop3A_354, %parallel_loop3A_355] {strides = array<i32>} : memref<64x128xf32, #tpu.memory_space<vmem>>, vector<1x16xf32>,
        %parallel_loop3A_357 = vector.shape_cast %parallel_loop3A_356 : vector<1x16xf32> to vector<16xf32>
        %parallel_loop3A_358 = vector.shape_cast %parallel_loop3A_353 : vector<16xf32> to vector<1x16xf32>
        tpu.vector_store %arg18[%parallel_loop3A_354, %parallel_loop3A_355], %parallel_loop3A_358 {add = true, strides = array<i32>} : memref<64x128xf32, #tpu.memory_space<vmem>>, vector<1x16xf32>,
        %parallel_loop3A_359 = arith.index_cast %parallel_loop3A_292 : i32 to index
        %parallel_loop3A_360 = arith.constant 96 : index
        %parallel_loop3A_361 = tpu.vector_load %arg14[%parallel_loop3A_359, %parallel_loop3A_360] {strides = array<i32>} : memref<64x128xf32, #tpu.memory_space<vmem>>, vector<1x16xf32>,
        %parallel_loop3A_362 = vector.shape_cast %parallel_loop3A_361 : vector<1x16xf32> to vector<16xf32>
        %parallel_loop3A_363 = vector.broadcast %squeeze3A : f32 to vector<16xf32>
        %parallel_loop3A_364 = arith.mulf %parallel_loop3A_362, %parallel_loop3A_363 : vector<16xf32>
        %parallel_loop3A_365 = arith.index_cast %parallel_loop3A_292 : i32 to index
        %parallel_loop3A_366 = arith.constant 96 : index
        %parallel_loop3A_367 = tpu.vector_load %arg18[%parallel_loop3A_365, %parallel_loop3A_366] {strides = array<i32>} : memref<64x128xf32, #tpu.memory_space<vmem>>, vector<1x16xf32>,
        %parallel_loop3A_368 = vector.shape_cast %parallel_loop3A_367 : vector<1x16xf32> to vector<16xf32>
        %parallel_loop3A_369 = vector.shape_cast %parallel_loop3A_364 : vector<16xf32> to vector<1x16xf32>
        tpu.vector_store %arg18[%parallel_loop3A_365, %parallel_loop3A_366], %parallel_loop3A_369 {add = true, strides = array<i32>} : memref<64x128xf32, #tpu.memory_space<vmem>>, vector<1x16xf32>,
        %parallel_loop3A_370 = arith.index_cast %parallel_loop3A_292 : i32 to index
        %parallel_loop3A_371 = arith.constant 112 : index
        %parallel_loop3A_372 = tpu.vector_load %arg14[%parallel_loop3A_370, %parallel_loop3A_371] {strides = array<i32>} : memref<64x128xf32, #tpu.memory_space<vmem>>, vector<1x16xf32>,
        %parallel_loop3A_373 = vector.shape_cast %parallel_loop3A_372 : vector<1x16xf32> to vector<16xf32>
        %parallel_loop3A_374 = vector.broadcast %squeeze3A : f32 to vector<16xf32>
        %parallel_loop3A_375 = arith.mulf %parallel_loop3A_373, %parallel_loop3A_374 : vector<16xf32>
        %parallel_loop3A_376 = arith.index_cast %parallel_loop3A_292 : i32 to index
        %parallel_loop3A_377 = arith.constant 112 : index
        %parallel_loop3A_378 = tpu.vector_load %arg18[%parallel_loop3A_376, %parallel_loop3A_377] {strides = array<i32>} : memref<64x128xf32, #tpu.memory_space<vmem>>, vector<1x16xf32>,
        %parallel_loop3A_379 = vector.shape_cast %parallel_loop3A_378 : vector<1x16xf32> to vector<16xf32>
        %parallel_loop3A_380 = vector.shape_cast %parallel_loop3A_375 : vector<16xf32> to vector<1x16xf32>
        tpu.vector_store %arg18[%parallel_loop3A_376, %parallel_loop3A_377], %parallel_loop3A_380 {add = true, strides = array<i32>} : memref<64x128xf32, #tpu.memory_space<vmem>>, vector<1x16xf32>,
      } {sc.loop_unroll_factor = 4 : i64, sc.parallel_access}
      %mul3A_273 = arith.constant 64 : i32
      %mul3A_274 = arith.muli %add3A_252, %mul3A_273 : i32
      %add3A_275 = arith.addi %add3A_8, %mul3A_274 : i32
      %dma_start3A_276 = arith.constant 0 : i32
      %dma_start3A_277 = tpu.memref_slice %arg7[%add3A_275, %dma_start3A_276] : memref<819200x128xf32, #tpu.memory_space<hbm>> -> memref<64x128xf32, #tpu.memory_space<hbm>>
      %dma_start3A_278 = arith.constant 0 : i32
      %dma_start3A_279 = tpu.memref_slice %arg7[%add3A_275, %dma_start3A_278] : memref<819200x128xf32, #tpu.memory_space<hbm>> -> memref<64x128xf32, #tpu.memory_space<hbm>>
      tpu.enqueue_dma source(%arg18 : memref<64x128xf32, #tpu.memory_space<vmem>>) target(%dma_start3A_279 : memref<64x128xf32, #tpu.memory_space<hbm>>) target_semaphore(%arg31 : memref<!tpu.dma_semaphore, #tpu.memory_space<semaphore_mem>>)
      %dma_wait3A_280 = arith.constant 0 : i32
      %dma_wait3A_281 = arith.constant 0 : i32
      %dma_wait3A_282 = tpu.memref_slice %arg2[%dma_wait3A_280, %dma_wait3A_281] : memref<819200x128xf32, #tpu.memory_space<hbm>> -> memref<64x128xf32, #tpu.memory_space<hbm>>
      %dma_wait3A_283 = arith.constant 0 : i32
      %dma_wait3A_284 = arith.constant 0 : i32
      %dma_wait3A_285 = tpu.memref_slice %arg2[%dma_wait3A_283, %dma_wait3A_284] : memref<819200x128xf32, #tpu.memory_space<hbm>> -> memref<64x128xf32, #tpu.memory_space<hbm>>
      tpu.wait_dma2 semaphore(%arg29 : memref<!tpu.dma_semaphore, #tpu.memory_space<semaphore_mem>>) src(%dma_wait3A_285 : memref<64x128xf32, #tpu.memory_space<hbm>>) dst(%arg16 : memref<64x128xf32, #tpu.memory_space<vmem>>)
      %lt3A_286 = arith.constant 49 : i32
      %lt3A_287 = arith.cmpi slt, %scan3A_116, %lt3A_286 : i32
      %convert_element_type3A_288 = arith.extui %lt3A_287 : i1 to i32
      %cond3A_289 = arith.constant 0 : i32
      %cond3A_290 = arith.cmpi ne, %convert_element_type3A_288, %cond3A_289 : i32
      scf.if %cond3A_290 {
        %add3A_292 = arith.constant 2 : i32
        %add3A_293 = arith.addi %add3A_252, %add3A_292 : i32
        %mul3A_294 = arith.constant 64 : i32
        %mul3A_295 = arith.muli %add3A_293, %mul3A_294 : i32
        %dma_start3A_296 = tpu.memref_slice %arg8[%mul3A_295] : memref<12800xi32, #tpu.memory_space<vmem>> -> memref<64xi32, #tpu.memory_space<vmem>>
        %dma_start3A_297 = arith.constant 0 : i32
        %dma_start3A_298 = arith.constant 0 : i32
        %dma_start3A_299 = tpu.memref_slice %arg19[%dma_start3A_297, %dma_start3A_298] : memref<5001x128xf32, #tpu.memory_space<vmem_shared>> -> memref<5001x128xf32, #tpu.memory_space<vmem_shared>>
        tpu.enqueue_indirect_dma source(%dma_start3A_299 : memref<5001x128xf32, #tpu.memory_space<vmem_shared>>) target(%arg16 : memref<64x128xf32, #tpu.memory_space<vmem>>) offsets(%dma_start3A_296 : memref<64xi32, #tpu.memory_space<vmem>>) semaphore(%arg25 : memref<!tpu.dma_semaphore, #tpu.memory_space<semaphore_mem>>)
      } else {
      }
      %scan3A_291 = arith.constant 0 : i32
      scf.yield %scan3A_291 : i32
    }
    %scan3A_48 = arith.constant 50 : i32
    %dma_wait3A = arith.constant 0 : i32
    %dma_wait3A_49 = arith.constant 0 : i32
    %dma_wait3A_50 = tpu.memref_slice %arg2[%dma_wait3A, %dma_wait3A_49] : memref<819200x128xf32, #tpu.memory_space<hbm>> -> memref<64x128xf32, #tpu.memory_space<hbm>>
    %dma_wait3A_51 = arith.constant 0 : i32
    %dma_wait3A_52 = arith.constant 0 : i32
    %dma_wait3A_53 = tpu.memref_slice %arg2[%dma_wait3A_51, %dma_wait3A_52] : memref<819200x128xf32, #tpu.memory_space<hbm>> -> memref<64x128xf32, #tpu.memory_space<hbm>>
    tpu.wait_dma2 semaphore(%arg30 : memref<!tpu.dma_semaphore, #tpu.memory_space<semaphore_mem>>) src(%dma_wait3A_53 : memref<64x128xf32, #tpu.memory_space<hbm>>) dst(%arg17 : memref<64x128xf32, #tpu.memory_space<vmem>>)
    %dma_wait3A_54 = arith.constant 0 : i32
    %dma_wait3A_55 = arith.constant 0 : i32
    %dma_wait3A_56 = tpu.memref_slice %arg2[%dma_wait3A_54, %dma_wait3A_55] : memref<819200x128xf32, #tpu.memory_space<hbm>> -> memref<64x128xf32, #tpu.memory_space<hbm>>
    %dma_wait3A_57 = arith.constant 0 : i32
    %dma_wait3A_58 = arith.constant 0 : i32
    %dma_wait3A_59 = tpu.memref_slice %arg2[%dma_wait3A_57, %dma_wait3A_58] : memref<819200x128xf32, #tpu.memory_space<hbm>> -> memref<64x128xf32, #tpu.memory_space<hbm>>
    tpu.wait_dma2 semaphore(%arg31 : memref<!tpu.dma_semaphore, #tpu.memory_space<semaphore_mem>>) src(%dma_wait3A_59 : memref<64x128xf32, #tpu.memory_space<hbm>>) dst(%arg18 : memref<64x128xf32, #tpu.memory_space<vmem>>)
    %add3A_60 = arith.constant 12800 : i32
    %add3A_61 = arith.addi %mul3A_4, %add3A_60 : i32
    %scan3A_62 = arith.constant 0 : i32
    %scan3A_63 = arith.constant 0 : i32
    %scan3A_64 = arith.constant 10 : i32
    %scan3A_65 = arith.addi %scan3A_63, %scan3A_64 : i32
    %scan3A_66 = arith.constant 1 : i32
    %scan3A_67 = scf.for %scan3A_116 = %scan3A_63 to %scan3A_65 step %scan3A_66 iter_args(%scan3A_117 = %scan3A_62) -> (i32)  : i32 {
      %mul3A_118 = arith.constant 1280 : i32
      %mul3A_119 = arith.muli %scan3A_116, %mul3A_118 : i32
      %add3A_120 = arith.addi %add3A_61, %mul3A_119 : i32
      "tpu.region"() ({
        %run_scoped3A = tpu.sem_alloc : memref<!tpu.dma_semaphore, #tpu.memory_space<semaphore_mem>>
        %dma_start3A_124 = tpu.memref_slice %arg4[%add3A_120] : memref<819200xi32, #tpu.memory_space<hbm>> -> memref<1280xi32, #tpu.memory_space<hbm>>
        %dma_start3A_125 = tpu.memref_slice %arg4[%add3A_120] : memref<819200xi32, #tpu.memory_space<hbm>> -> memref<1280xi32, #tpu.memory_space<hbm>>
        tpu.enqueue_dma source(%dma_start3A_125 : memref<1280xi32, #tpu.memory_space<hbm>>) target(%arg9 : memref<1280xi32, #tpu.memory_space<vmem>>) target_semaphore(%run_scoped3A : memref<!tpu.dma_semaphore, #tpu.memory_space<semaphore_mem>>)
        %dma_wait3A_126 = tpu.memref_slice %arg4[%add3A_120] : memref<819200xi32, #tpu.memory_space<hbm>> -> memref<1280xi32, #tpu.memory_space<hbm>>
        %dma_wait3A_127 = tpu.memref_slice %arg4[%add3A_120] : memref<819200xi32, #tpu.memory_space<hbm>> -> memref<1280xi32, #tpu.memory_space<hbm>>
        tpu.wait_dma2 semaphore(%run_scoped3A : memref<!tpu.dma_semaphore, #tpu.memory_space<semaphore_mem>>) src(%dma_wait3A_127 : memref<1280xi32, #tpu.memory_space<hbm>>) dst(%arg9 : memref<1280xi32, #tpu.memory_space<vmem>>)
        tpu.yield
      }) : () -> ()
      "tpu.region"() ({
        %run_scoped3A = tpu.sem_alloc : memref<!tpu.dma_semaphore, #tpu.memory_space<semaphore_mem>>
        %dma_start3A_124 = tpu.memref_slice %arg3[%add3A_120] : memref<819200xi32, #tpu.memory_space<hbm>> -> memref<1280xi32, #tpu.memory_space<hbm>>
        %dma_start3A_125 = tpu.memref_slice %arg3[%add3A_120] : memref<819200xi32, #tpu.memory_space<hbm>> -> memref<1280xi32, #tpu.memory_space<hbm>>
        tpu.enqueue_dma source(%dma_start3A_125 : memref<1280xi32, #tpu.memory_space<hbm>>) target(%arg10 : memref<1280xi32, #tpu.memory_space<vmem>>) target_semaphore(%run_scoped3A : memref<!tpu.dma_semaphore, #tpu.memory_space<semaphore_mem>>)
        %dma_wait3A_126 = tpu.memref_slice %arg3[%add3A_120] : memref<819200xi32, #tpu.memory_space<hbm>> -> memref<1280xi32, #tpu.memory_space<hbm>>
        %dma_wait3A_127 = tpu.memref_slice %arg3[%add3A_120] : memref<819200xi32, #tpu.memory_space<hbm>> -> memref<1280xi32, #tpu.memory_space<hbm>>
        tpu.wait_dma2 semaphore(%run_scoped3A : memref<!tpu.dma_semaphore, #tpu.memory_space<semaphore_mem>>) src(%dma_wait3A_127 : memref<1280xi32, #tpu.memory_space<hbm>>) dst(%arg10 : memref<1280xi32, #tpu.memory_space<vmem>>)
        tpu.yield
      }) : () -> ()
      %parallel_loop3A = arith.constant 0 : i32
      %parallel_loop3A_121 = arith.constant 80 : i32
      %parallel_loop3A_122 = arith.constant 1 : i32
      scf.for %parallel_loop3A_124 = %parallel_loop3A to %parallel_loop3A_121 step %parallel_loop3A_122  : i32 {
        %parallel_loop3A_125 = arith.constant 16 : i32
        %parallel_loop3A_126 = arith.muli %parallel_loop3A_124, %parallel_loop3A_125 : i32
        %parallel_loop3A_127 = arith.index_cast %parallel_loop3A_126 : i32 to index
        %parallel_loop3A_128 = tpu.vector_load %arg9[%parallel_loop3A_127] {strides = array<i32>} : memref<1280xi32, #tpu.memory_space<vmem>>, vector<16xi32>,
        %parallel_loop3A_129 = vector.shape_cast %parallel_loop3A_128 : vector<16xi32> to vector<16xi32>
        %parallel_loop3A_130 = arith.constant 5000 : i32
        %parallel_loop3A_131 = vector.broadcast %parallel_loop3A_130 : i32 to vector<16xi32>
        %parallel_loop3A_132 = arith.minsi %parallel_loop3A_129, %parallel_loop3A_131 : vector<16xi32>
        %parallel_loop3A_133 = arith.index_cast %parallel_loop3A_126 : i32 to index
        %parallel_loop3A_134 = tpu.vector_load %arg10[%parallel_loop3A_133] {strides = array<i32>} : memref<1280xi32, #tpu.memory_space<vmem>>, vector<16xi32>,
        %parallel_loop3A_135 = vector.shape_cast %parallel_loop3A_134 : vector<16xi32> to vector<16xi32>
        %parallel_loop3A_136 = arith.constant 0 : i32
        %parallel_loop3A_137 = vector.broadcast %parallel_loop3A_136 : i32 to vector<16xi32>
        %parallel_loop3A_138 = arith.cmpi ne, %parallel_loop3A_135, %parallel_loop3A_137 : vector<16xi32>
        %parallel_loop3A_139 = arith.constant 5000 : i32
        %parallel_loop3A_140 = vector.broadcast %parallel_loop3A_139 : i32 to vector<16xi32>
        %parallel_loop3A_141 = arith.select %parallel_loop3A_138, %parallel_loop3A_140, %parallel_loop3A_132 : vector<16xi1>, vector<16xi32>
        %parallel_loop3A_142 = arith.constant 1280 : i32
        %parallel_loop3A_143 = arith.muli %scan3A_116, %parallel_loop3A_142 : i32
        %parallel_loop3A_144 = arith.constant 16 : i32
        %parallel_loop3A_145 = arith.muli %parallel_loop3A_124, %parallel_loop3A_144 : i32
        %parallel_loop3A_146 = arith.addi %parallel_loop3A_143, %parallel_loop3A_145 : i32
        %parallel_loop3A_147 = arith.index_cast %parallel_loop3A_146 : i32 to index
        %parallel_loop3A_148 = tpu.vector_load %arg8[%parallel_loop3A_147] {strides = array<i32>} : memref<12800xi32, #tpu.memory_space<vmem>>, vector<16xi32>,
        %parallel_loop3A_149 = vector.shape_cast %parallel_loop3A_148 : vector<16xi32> to vector<16xi32>
        %parallel_loop3A_150 = vector.shape_cast %parallel_loop3A_141 : vector<16xi32> to vector<16xi32>
        tpu.vector_store %arg8[%parallel_loop3A_147], %parallel_loop3A_150 {strides = array<i32>} : memref<12800xi32, #tpu.memory_space<vmem>>, vector<16xi32>,
      } {sc.loop_unroll_factor = 4 : i64, sc.parallel_access}
      %scan3A_123 = arith.constant 0 : i32
      scf.yield %scan3A_123 : i32
    }
    %scan3A_68 = arith.constant 10 : i32
    %add3A_69 = arith.constant 0 : i32
    %add3A_70 = arith.addi %add3A_61, %add3A_69 : i32
    %dma_start3A_71 = arith.constant 0 : i32
    %dma_start3A_72 = tpu.memref_slice %arg2[%add3A_70, %dma_start3A_71] : memref<819200x128xf32, #tpu.memory_space<hbm>> -> memref<64x128xf32, #tpu.memory_space<hbm>>
    %dma_start3A_73 = arith.constant 0 : i32
    %dma_start3A_74 = tpu.memref_slice %arg2[%add3A_70, %dma_start3A_73] : memref<819200x128xf32, #tpu.memory_space<hbm>> -> memref<64x128xf32, #tpu.memory_space<hbm>>
    tpu.enqueue_dma source(%dma_start3A_74 : memref<64x128xf32, #tpu.memory_space<hbm>>) target(%arg11 : memref<64x128xf32, #tpu.memory_space<vmem>>) target_semaphore(%arg20 : memref<!tpu.dma_semaphore, #tpu.memory_space<semaphore_mem>>)
    %add3A_75 = arith.constant 64 : i32
    %add3A_76 = arith.addi %add3A_61, %add3A_75 : i32
    %dma_start3A_77 = arith.constant 0 : i32
    %dma_start3A_78 = tpu.memref_slice %arg2[%add3A_76, %dma_start3A_77] : memref<819200x128xf32, #tpu.memory_space<hbm>> -> memref<64x128xf32, #tpu.memory_space<hbm>>
    %dma_start3A_79 = arith.constant 0 : i32
    %dma_start3A_80 = tpu.memref_slice %arg2[%add3A_76, %dma_start3A_79] : memref<819200x128xf32, #tpu.memory_space<hbm>> -> memref<64x128xf32, #tpu.memory_space<hbm>>
    tpu.enqueue_dma source(%dma_start3A_80 : memref<64x128xf32, #tpu.memory_space<hbm>>) target(%arg12 : memref<64x128xf32, #tpu.memory_space<vmem>>) target_semaphore(%arg21 : memref<!tpu.dma_semaphore, #tpu.memory_space<semaphore_mem>>)
    %add3A_81 = arith.constant 128 : i32
    %add3A_82 = arith.addi %add3A_61, %add3A_81 : i32
    %dma_start3A_83 = arith.constant 0 : i32
    %dma_start3A_84 = tpu.memref_slice %arg2[%add3A_82, %dma_start3A_83] : memref<819200x128xf32, #tpu.memory_space<hbm>> -> memref<64x128xf32, #tpu.memory_space<hbm>>
    %dma_start3A_85 = arith.constant 0 : i32
    %dma_start3A_86 = tpu.memref_slice %arg2[%add3A_82, %dma_start3A_85] : memref<819200x128xf32, #tpu.memory_space<hbm>> -> memref<64x128xf32, #tpu.memory_space<hbm>>
    tpu.enqueue_dma source(%dma_start3A_86 : memref<64x128xf32, #tpu.memory_space<hbm>>) target(%arg13 : memref<64x128xf32, #tpu.memory_space<vmem>>) target_semaphore(%arg22 : memref<!tpu.dma_semaphore, #tpu.memory_space<semaphore_mem>>)
    %dma_start3A_87 = arith.constant 0 : i32
    %dma_start3A_88 = tpu.memref_slice %arg8[%dma_start3A_87] : memref<12800xi32, #tpu.memory_space<vmem>> -> memref<64xi32, #tpu.memory_space<vmem>>
    %dma_start3A_89 = arith.constant 0 : i32
    %dma_start3A_90 = arith.constant 0 : i32
    %dma_start3A_91 = tpu.memref_slice %arg19[%dma_start3A_89, %dma_start3A_90] : memref<5001x128xf32, #tpu.memory_space<vmem_shared>> -> memref<5001x128xf32, #tpu.memory_space<vmem_shared>>
    tpu.enqueue_indirect_dma source(%dma_start3A_91 : memref<5001x128xf32, #tpu.memory_space<vmem_shared>>) target(%arg15 : memref<64x128xf32, #tpu.memory_space<vmem>>) offsets(%dma_start3A_88 : memref<64xi32, #tpu.memory_space<vmem>>) semaphore(%arg24 : memref<!tpu.dma_semaphore, #tpu.memory_space<semaphore_mem>>)
    %dma_start3A_92 = arith.constant 64 : i32
    %dma_start3A_93 = tpu.memref_slice %arg8[%dma_start3A_92] : memref<12800xi32, #tpu.memory_space<vmem>> -> memref<64xi32, #tpu.memory_space<vmem>>
    %dma_start3A_94 = arith.constant 0 : i32
    %dma_start3A_95 = arith.constant 0 : i32
    %dma_start3A_96 = tpu.memref_slice %arg19[%dma_start3A_94, %dma_start3A_95] : memref<5001x128xf32, #tpu.memory_space<vmem_shared>> -> memref<5001x128xf32, #tpu.memory_space<vmem_shared>>
    tpu.enqueue_indirect_dma source(%dma_start3A_96 : memref<5001x128xf32, #tpu.memory_space<vmem_shared>>) target(%arg16 : memref<64x128xf32, #tpu.memory_space<vmem>>) offsets(%dma_start3A_93 : memref<64xi32, #tpu.memory_space<vmem>>) semaphore(%arg25 : memref<!tpu.dma_semaphore, #tpu.memory_space<semaphore_mem>>)
    %scan3A_97 = arith.constant 0 : i32
    %scan3A_98 = arith.constant 0 : i32
    %scan3A_99 = arith.constant 50 : i32
    %scan3A_100 = arith.addi %scan3A_98, %scan3A_99 : i32
    %scan3A_101 = arith.constant 1 : i32
    %scan3A_102 = scf.for %scan3A_116 = %scan3A_98 to %scan3A_100 step %scan3A_101 iter_args(%scan3A_117 = %scan3A_97) -> (i32)  : i32 {
      %mul3A_118 = arith.constant 4 : i32
      %mul3A_119 = arith.muli %scan3A_116, %mul3A_118 : i32
      %add3A_120 = arith.constant 0 : i32
      %add3A_121 = arith.addi %mul3A_119, %add3A_120 : i32
      %add3A_122 = arith.constant 3 : i32
      %add3A_123 = arith.addi %add3A_121, %add3A_122 : i32
      %mul3A_124 = arith.constant 64 : i32
      %mul3A_125 = arith.muli %add3A_123, %mul3A_124 : i32
      %add3A_126 = arith.addi %add3A_61, %mul3A_125 : i32
      %dma_start3A_127 = arith.constant 0 : i32
      %dma_start3A_128 = tpu.memref_slice %arg2[%add3A_126, %dma_start3A_127] : memref<819200x128xf32, #tpu.memory_space<hbm>> -> memref<64x128xf32, #tpu.memory_space<hbm>>
      %dma_start3A_129 = arith.constant 0 : i32
      %dma_start3A_130 = tpu.memref_slice %arg2[%add3A_126, %dma_start3A_129] : memref<819200x128xf32, #tpu.memory_space<hbm>> -> memref<64x128xf32, #tpu.memory_space<hbm>>
      tpu.enqueue_dma source(%dma_start3A_130 : memref<64x128xf32, #tpu.memory_space<hbm>>) target(%arg14 : memref<64x128xf32, #tpu.memory_space<vmem>>) target_semaphore(%arg23 : memref<!tpu.dma_semaphore, #tpu.memory_space<semaphore_mem>>)
      %dma_wait3A_131 = arith.constant 0 : i32
      %dma_wait3A_132 = arith.constant 0 : i32
      %dma_wait3A_133 = tpu.memref_slice %arg2[%dma_wait3A_131, %dma_wait3A_132] : memref<819200x128xf32, #tpu.memory_space<hbm>> -> memref<64x128xf32, #tpu.memory_space<hbm>>
      %dma_wait3A_134 = arith.constant 0 : i32
      %dma_wait3A_135 = arith.constant 0 : i32
      %dma_wait3A_136 = tpu.memref_slice %arg2[%dma_wait3A_134, %dma_wait3A_135] : memref<819200x128xf32, #tpu.memory_space<hbm>> -> memref<64x128xf32, #tpu.memory_space<hbm>>
      tpu.wait_dma2 semaphore(%arg20 : memref<!tpu.dma_semaphore, #tpu.memory_space<semaphore_mem>>) src(%dma_wait3A_136 : memref<64x128xf32, #tpu.memory_space<hbm>>) dst(%arg11 : memref<64x128xf32, #tpu.memory_space<vmem>>)
      %dma_wait3A_137 = arith.constant 0 : i32
      %dma_wait3A_138 = arith.constant 0 : i32
      %dma_wait3A_139 = tpu.memref_slice %arg5[%dma_wait3A_137, %dma_wait3A_138] : memref<5001x128xf32, #tpu.memory_space<hbm>> -> memref<64x128xf32, #tpu.memory_space<hbm>>
      %dma_wait3A_140 = arith.constant 0 : i32
      %dma_wait3A_141 = arith.constant 0 : i32
      %dma_wait3A_142 = tpu.memref_slice %arg5[%dma_wait3A_140, %dma_wait3A_141] : memref<5001x128xf32, #tpu.memory_space<hbm>> -> memref<64x128xf32, #tpu.memory_space<hbm>>
      tpu.wait_dma2 semaphore(%arg24 : memref<!tpu.dma_semaphore, #tpu.memory_space<semaphore_mem>>) src(%dma_wait3A_142 : memref<64x128xf32, #tpu.memory_space<hbm>>) dst(%arg15 : memref<64x128xf32, #tpu.memory_space<vmem>>)
      %parallel_loop3A = arith.constant 0 : i32
      %parallel_loop3A_143 = arith.constant 64 : i32
      %parallel_loop3A_144 = arith.constant 1 : i32
      scf.for %parallel_loop3A_292 = %parallel_loop3A to %parallel_loop3A_143 step %parallel_loop3A_144  : i32 {
        %parallel_loop3A_293 = arith.index_cast %parallel_loop3A_292 : i32 to index
        %parallel_loop3A_294 = arith.constant 0 : index
        %parallel_loop3A_295 = tpu.vector_load %arg11[%parallel_loop3A_293, %parallel_loop3A_294] {strides = array<i32>} : memref<64x128xf32, #tpu.memory_space<vmem>>, vector<1x16xf32>,
        %parallel_loop3A_296 = vector.shape_cast %parallel_loop3A_295 : vector<1x16xf32> to vector<16xf32>
        %parallel_loop3A_297 = vector.broadcast %squeeze3A : f32 to vector<16xf32>
        %parallel_loop3A_298 = arith.mulf %parallel_loop3A_296, %parallel_loop3A_297 : vector<16xf32>
        %parallel_loop3A_299 = arith.index_cast %parallel_loop3A_292 : i32 to index
        %parallel_loop3A_300 = arith.constant 0 : index
        %parallel_loop3A_301 = tpu.vector_load %arg15[%parallel_loop3A_299, %parallel_loop3A_300] {strides = array<i32>} : memref<64x128xf32, #tpu.memory_space<vmem>>, vector<1x16xf32>,
        %parallel_loop3A_302 = vector.shape_cast %parallel_loop3A_301 : vector<1x16xf32> to vector<16xf32>
        %parallel_loop3A_303 = vector.shape_cast %parallel_loop3A_298 : vector<16xf32> to vector<1x16xf32>
        tpu.vector_store %arg15[%parallel_loop3A_299, %parallel_loop3A_300], %parallel_loop3A_303 {add = true, strides = array<i32>} : memref<64x128xf32, #tpu.memory_space<vmem>>, vector<1x16xf32>,
        %parallel_loop3A_304 = arith.index_cast %parallel_loop3A_292 : i32 to index
        %parallel_loop3A_305 = arith.constant 16 : index
        %parallel_loop3A_306 = tpu.vector_load %arg11[%parallel_loop3A_304, %parallel_loop3A_305] {strides = array<i32>} : memref<64x128xf32, #tpu.memory_space<vmem>>, vector<1x16xf32>,
        %parallel_loop3A_307 = vector.shape_cast %parallel_loop3A_306 : vector<1x16xf32> to vector<16xf32>
        %parallel_loop3A_308 = vector.broadcast %squeeze3A : f32 to vector<16xf32>
        %parallel_loop3A_309 = arith.mulf %parallel_loop3A_307, %parallel_loop3A_308 : vector<16xf32>
        %parallel_loop3A_310 = arith.index_cast %parallel_loop3A_292 : i32 to index
        %parallel_loop3A_311 = arith.constant 16 : index
        %parallel_loop3A_312 = tpu.vector_load %arg15[%parallel_loop3A_310, %parallel_loop3A_311] {strides = array<i32>} : memref<64x128xf32, #tpu.memory_space<vmem>>, vector<1x16xf32>,
        %parallel_loop3A_313 = vector.shape_cast %parallel_loop3A_312 : vector<1x16xf32> to vector<16xf32>
        %parallel_loop3A_314 = vector.shape_cast %parallel_loop3A_309 : vector<16xf32> to vector<1x16xf32>
        tpu.vector_store %arg15[%parallel_loop3A_310, %parallel_loop3A_311], %parallel_loop3A_314 {add = true, strides = array<i32>} : memref<64x128xf32, #tpu.memory_space<vmem>>, vector<1x16xf32>,
        %parallel_loop3A_315 = arith.index_cast %parallel_loop3A_292 : i32 to index
        %parallel_loop3A_316 = arith.constant 32 : index
        %parallel_loop3A_317 = tpu.vector_load %arg11[%parallel_loop3A_315, %parallel_loop3A_316] {strides = array<i32>} : memref<64x128xf32, #tpu.memory_space<vmem>>, vector<1x16xf32>,
        %parallel_loop3A_318 = vector.shape_cast %parallel_loop3A_317 : vector<1x16xf32> to vector<16xf32>
        %parallel_loop3A_319 = vector.broadcast %squeeze3A : f32 to vector<16xf32>
        %parallel_loop3A_320 = arith.mulf %parallel_loop3A_318, %parallel_loop3A_319 : vector<16xf32>
        %parallel_loop3A_321 = arith.index_cast %parallel_loop3A_292 : i32 to index
        %parallel_loop3A_322 = arith.constant 32 : index
        %parallel_loop3A_323 = tpu.vector_load %arg15[%parallel_loop3A_321, %parallel_loop3A_322] {strides = array<i32>} : memref<64x128xf32, #tpu.memory_space<vmem>>, vector<1x16xf32>,
        %parallel_loop3A_324 = vector.shape_cast %parallel_loop3A_323 : vector<1x16xf32> to vector<16xf32>
        %parallel_loop3A_325 = vector.shape_cast %parallel_loop3A_320 : vector<16xf32> to vector<1x16xf32>
        tpu.vector_store %arg15[%parallel_loop3A_321, %parallel_loop3A_322], %parallel_loop3A_325 {add = true, strides = array<i32>} : memref<64x128xf32, #tpu.memory_space<vmem>>, vector<1x16xf32>,
        %parallel_loop3A_326 = arith.index_cast %parallel_loop3A_292 : i32 to index
        %parallel_loop3A_327 = arith.constant 48 : index
        %parallel_loop3A_328 = tpu.vector_load %arg11[%parallel_loop3A_326, %parallel_loop3A_327] {strides = array<i32>} : memref<64x128xf32, #tpu.memory_space<vmem>>, vector<1x16xf32>,
        %parallel_loop3A_329 = vector.shape_cast %parallel_loop3A_328 : vector<1x16xf32> to vector<16xf32>
        %parallel_loop3A_330 = vector.broadcast %squeeze3A : f32 to vector<16xf32>
        %parallel_loop3A_331 = arith.mulf %parallel_loop3A_329, %parallel_loop3A_330 : vector<16xf32>
        %parallel_loop3A_332 = arith.index_cast %parallel_loop3A_292 : i32 to index
        %parallel_loop3A_333 = arith.constant 48 : index
        %parallel_loop3A_334 = tpu.vector_load %arg15[%parallel_loop3A_332, %parallel_loop3A_333] {strides = array<i32>} : memref<64x128xf32, #tpu.memory_space<vmem>>, vector<1x16xf32>,
        %parallel_loop3A_335 = vector.shape_cast %parallel_loop3A_334 : vector<1x16xf32> to vector<16xf32>
        %parallel_loop3A_336 = vector.shape_cast %parallel_loop3A_331 : vector<16xf32> to vector<1x16xf32>
        tpu.vector_store %arg15[%parallel_loop3A_332, %parallel_loop3A_333], %parallel_loop3A_336 {add = true, strides = array<i32>} : memref<64x128xf32, #tpu.memory_space<vmem>>, vector<1x16xf32>,
        %parallel_loop3A_337 = arith.index_cast %parallel_loop3A_292 : i32 to index
        %parallel_loop3A_338 = arith.constant 64 : index
        %parallel_loop3A_339 = tpu.vector_load %arg11[%parallel_loop3A_337, %parallel_loop3A_338] {strides = array<i32>} : memref<64x128xf32, #tpu.memory_space<vmem>>, vector<1x16xf32>,
        %parallel_loop3A_340 = vector.shape_cast %parallel_loop3A_339 : vector<1x16xf32> to vector<16xf32>
        %parallel_loop3A_341 = vector.broadcast %squeeze3A : f32 to vector<16xf32>
        %parallel_loop3A_342 = arith.mulf %parallel_loop3A_340, %parallel_loop3A_341 : vector<16xf32>
        %parallel_loop3A_343 = arith.index_cast %parallel_loop3A_292 : i32 to index
        %parallel_loop3A_344 = arith.constant 64 : index
        %parallel_loop3A_345 = tpu.vector_load %arg15[%parallel_loop3A_343, %parallel_loop3A_344] {strides = array<i32>} : memref<64x128xf32, #tpu.memory_space<vmem>>, vector<1x16xf32>,
        %parallel_loop3A_346 = vector.shape_cast %parallel_loop3A_345 : vector<1x16xf32> to vector<16xf32>
        %parallel_loop3A_347 = vector.shape_cast %parallel_loop3A_342 : vector<16xf32> to vector<1x16xf32>
        tpu.vector_store %arg15[%parallel_loop3A_343, %parallel_loop3A_344], %parallel_loop3A_347 {add = true, strides = array<i32>} : memref<64x128xf32, #tpu.memory_space<vmem>>, vector<1x16xf32>,
        %parallel_loop3A_348 = arith.index_cast %parallel_loop3A_292 : i32 to index
        %parallel_loop3A_349 = arith.constant 80 : index
        %parallel_loop3A_350 = tpu.vector_load %arg11[%parallel_loop3A_348, %parallel_loop3A_349] {strides = array<i32>} : memref<64x128xf32, #tpu.memory_space<vmem>>, vector<1x16xf32>,
        %parallel_loop3A_351 = vector.shape_cast %parallel_loop3A_350 : vector<1x16xf32> to vector<16xf32>
        %parallel_loop3A_352 = vector.broadcast %squeeze3A : f32 to vector<16xf32>
        %parallel_loop3A_353 = arith.mulf %parallel_loop3A_351, %parallel_loop3A_352 : vector<16xf32>
        %parallel_loop3A_354 = arith.index_cast %parallel_loop3A_292 : i32 to index
        %parallel_loop3A_355 = arith.constant 80 : index
        %parallel_loop3A_356 = tpu.vector_load %arg15[%parallel_loop3A_354, %parallel_loop3A_355] {strides = array<i32>} : memref<64x128xf32, #tpu.memory_space<vmem>>, vector<1x16xf32>,
        %parallel_loop3A_357 = vector.shape_cast %parallel_loop3A_356 : vector<1x16xf32> to vector<16xf32>
        %parallel_loop3A_358 = vector.shape_cast %parallel_loop3A_353 : vector<16xf32> to vector<1x16xf32>
        tpu.vector_store %arg15[%parallel_loop3A_354, %parallel_loop3A_355], %parallel_loop3A_358 {add = true, strides = array<i32>} : memref<64x128xf32, #tpu.memory_space<vmem>>, vector<1x16xf32>,
        %parallel_loop3A_359 = arith.index_cast %parallel_loop3A_292 : i32 to index
        %parallel_loop3A_360 = arith.constant 96 : index
        %parallel_loop3A_361 = tpu.vector_load %arg11[%parallel_loop3A_359, %parallel_loop3A_360] {strides = array<i32>} : memref<64x128xf32, #tpu.memory_space<vmem>>, vector<1x16xf32>,
        %parallel_loop3A_362 = vector.shape_cast %parallel_loop3A_361 : vector<1x16xf32> to vector<16xf32>
        %parallel_loop3A_363 = vector.broadcast %squeeze3A : f32 to vector<16xf32>
        %parallel_loop3A_364 = arith.mulf %parallel_loop3A_362, %parallel_loop3A_363 : vector<16xf32>
        %parallel_loop3A_365 = arith.index_cast %parallel_loop3A_292 : i32 to index
        %parallel_loop3A_366 = arith.constant 96 : index
        %parallel_loop3A_367 = tpu.vector_load %arg15[%parallel_loop3A_365, %parallel_loop3A_366] {strides = array<i32>} : memref<64x128xf32, #tpu.memory_space<vmem>>, vector<1x16xf32>,
        %parallel_loop3A_368 = vector.shape_cast %parallel_loop3A_367 : vector<1x16xf32> to vector<16xf32>
        %parallel_loop3A_369 = vector.shape_cast %parallel_loop3A_364 : vector<16xf32> to vector<1x16xf32>
        tpu.vector_store %arg15[%parallel_loop3A_365, %parallel_loop3A_366], %parallel_loop3A_369 {add = true, strides = array<i32>} : memref<64x128xf32, #tpu.memory_space<vmem>>, vector<1x16xf32>,
        %parallel_loop3A_370 = arith.index_cast %parallel_loop3A_292 : i32 to index
        %parallel_loop3A_371 = arith.constant 112 : index
        %parallel_loop3A_372 = tpu.vector_load %arg11[%parallel_loop3A_370, %parallel_loop3A_371] {strides = array<i32>} : memref<64x128xf32, #tpu.memory_space<vmem>>, vector<1x16xf32>,
        %parallel_loop3A_373 = vector.shape_cast %parallel_loop3A_372 : vector<1x16xf32> to vector<16xf32>
        %parallel_loop3A_374 = vector.broadcast %squeeze3A : f32 to vector<16xf32>
        %parallel_loop3A_375 = arith.mulf %parallel_loop3A_373, %parallel_loop3A_374 : vector<16xf32>
        %parallel_loop3A_376 = arith.index_cast %parallel_loop3A_292 : i32 to index
        %parallel_loop3A_377 = arith.constant 112 : index
        %parallel_loop3A_378 = tpu.vector_load %arg15[%parallel_loop3A_376, %parallel_loop3A_377] {strides = array<i32>} : memref<64x128xf32, #tpu.memory_space<vmem>>, vector<1x16xf32>,
        %parallel_loop3A_379 = vector.shape_cast %parallel_loop3A_378 : vector<1x16xf32> to vector<16xf32>
        %parallel_loop3A_380 = vector.shape_cast %parallel_loop3A_375 : vector<16xf32> to vector<1x16xf32>
        tpu.vector_store %arg15[%parallel_loop3A_376, %parallel_loop3A_377], %parallel_loop3A_380 {add = true, strides = array<i32>} : memref<64x128xf32, #tpu.memory_space<vmem>>, vector<1x16xf32>,
      } {sc.loop_unroll_factor = 4 : i64, sc.parallel_access}
      %mul3A_145 = arith.constant 64 : i32
      %mul3A_146 = arith.muli %add3A_121, %mul3A_145 : i32
      %add3A_147 = arith.addi %add3A_61, %mul3A_146 : i32
      %dma_start3A_148 = arith.constant 0 : i32
      %dma_start3A_149 = tpu.memref_slice %arg7[%add3A_147, %dma_start3A_148] : memref<819200x128xf32, #tpu.memory_space<hbm>> -> memref<64x128xf32, #tpu.memory_space<hbm>>
      %dma_start3A_150 = arith.constant 0 : i32
      %dma_start3A_151 = tpu.memref_slice %arg7[%add3A_147, %dma_start3A_150] : memref<819200x128xf32, #tpu.memory_space<hbm>> -> memref<64x128xf32, #tpu.memory_space<hbm>>
      tpu.enqueue_dma source(%arg15 : memref<64x128xf32, #tpu.memory_space<vmem>>) target(%dma_start3A_151 : memref<64x128xf32, #tpu.memory_space<hbm>>) target_semaphore(%arg28 : memref<!tpu.dma_semaphore, #tpu.memory_space<semaphore_mem>>)
      %gt3A = arith.constant 0 : i32
      %gt3A_152 = arith.cmpi sgt, %scan3A_116, %gt3A : i32
      %convert_element_type3A_153 = arith.extui %gt3A_152 : i1 to i32
      %cond3A_154 = arith.constant 0 : i32
      %cond3A_155 = arith.cmpi ne, %convert_element_type3A_153, %cond3A_154 : i32
      scf.if %cond3A_155 {
        %dma_wait3A_292 = arith.constant 0 : i32
        %dma_wait3A_293 = arith.constant 0 : i32
        %dma_wait3A_294 = tpu.memref_slice %arg2[%dma_wait3A_292, %dma_wait3A_293] : memref<819200x128xf32, #tpu.memory_space<hbm>> -> memref<64x128xf32, #tpu.memory_space<hbm>>
        %dma_wait3A_295 = arith.constant 0 : i32
        %dma_wait3A_296 = arith.constant 0 : i32
        %dma_wait3A_297 = tpu.memref_slice %arg2[%dma_wait3A_295, %dma_wait3A_296] : memref<819200x128xf32, #tpu.memory_space<hbm>> -> memref<64x128xf32, #tpu.memory_space<hbm>>
        tpu.wait_dma2 semaphore(%arg30 : memref<!tpu.dma_semaphore, #tpu.memory_space<semaphore_mem>>) src(%dma_wait3A_297 : memref<64x128xf32, #tpu.memory_space<hbm>>) dst(%arg17 : memref<64x128xf32, #tpu.memory_space<vmem>>)
      } else {
      }
      %add3A_156 = arith.constant 2 : i32
      %add3A_157 = arith.addi %add3A_121, %add3A_156 : i32
      %mul3A_158 = arith.constant 64 : i32
      %mul3A_159 = arith.muli %add3A_157, %mul3A_158 : i32
      %dma_start3A_160 = tpu.memref_slice %arg8[%mul3A_159] : memref<12800xi32, #tpu.memory_space<vmem>> -> memref<64xi32, #tpu.memory_space<vmem>>
      %dma_start3A_161 = arith.constant 0 : i32
      %dma_start3A_162 = arith.constant 0 : i32
      %dma_start3A_163 = tpu.memref_slice %arg19[%dma_start3A_161, %dma_start3A_162] : memref<5001x128xf32, #tpu.memory_space<vmem_shared>> -> memref<5001x128xf32, #tpu.memory_space<vmem_shared>>
      tpu.enqueue_indirect_dma source(%dma_start3A_163 : memref<5001x128xf32, #tpu.memory_space<vmem_shared>>) target(%arg17 : memref<64x128xf32, #tpu.memory_space<vmem>>) offsets(%dma_start3A_160 : memref<64xi32, #tpu.memory_space<vmem>>) semaphore(%arg26 : memref<!tpu.dma_semaphore, #tpu.memory_space<semaphore_mem>>)
      %mul3A_164 = arith.constant 4 : i32
      %mul3A_165 = arith.muli %scan3A_116, %mul3A_164 : i32
      %add3A_166 = arith.constant 1 : i32
      %add3A_167 = arith.addi %mul3A_165, %add3A_166 : i32
      %lt3A = arith.constant 49 : i32
      %lt3A_168 = arith.cmpi slt, %scan3A_116, %lt3A : i32
      %convert_element_type3A_169 = arith.extui %lt3A_168 : i1 to i32
      %cond3A_170 = arith.constant 0 : i32
      %cond3A_171 = arith.cmpi ne, %convert_element_type3A_169, %cond3A_170 : i32
      scf.if %cond3A_171 {
        %add3A_292 = arith.constant 3 : i32
        %add3A_293 = arith.addi %add3A_167, %add3A_292 : i32
        %mul3A_294 = arith.constant 64 : i32
        %mul3A_295 = arith.muli %add3A_293, %mul3A_294 : i32
        %add3A_296 = arith.addi %add3A_61, %mul3A_295 : i32
        %dma_start3A_297 = arith.constant 0 : i32
        %dma_start3A_298 = tpu.memref_slice %arg2[%add3A_296, %dma_start3A_297] : memref<819200x128xf32, #tpu.memory_space<hbm>> -> memref<64x128xf32, #tpu.memory_space<hbm>>
        %dma_start3A_299 = arith.constant 0 : i32
        %dma_start3A_300 = tpu.memref_slice %arg2[%add3A_296, %dma_start3A_299] : memref<819200x128xf32, #tpu.memory_space<hbm>> -> memref<64x128xf32, #tpu.memory_space<hbm>>
        tpu.enqueue_dma source(%dma_start3A_300 : memref<64x128xf32, #tpu.memory_space<hbm>>) target(%arg11 : memref<64x128xf32, #tpu.memory_space<vmem>>) target_semaphore(%arg20 : memref<!tpu.dma_semaphore, #tpu.memory_space<semaphore_mem>>)
      } else {
      }
      %dma_wait3A_172 = arith.constant 0 : i32
      %dma_wait3A_173 = arith.constant 0 : i32
      %dma_wait3A_174 = tpu.memref_slice %arg2[%dma_wait3A_172, %dma_wait3A_173] : memref<819200x128xf32, #tpu.memory_space<hbm>> -> memref<64x128xf32, #tpu.memory_space<hbm>>
      %dma_wait3A_175 = arith.constant 0 : i32
      %dma_wait3A_176 = arith.constant 0 : i32
      %dma_wait3A_177 = tpu.memref_slice %arg2[%dma_wait3A_175, %dma_wait3A_176] : memref<819200x128xf32, #tpu.memory_space<hbm>> -> memref<64x128xf32, #tpu.memory_space<hbm>>
      tpu.wait_dma2 semaphore(%arg21 : memref<!tpu.dma_semaphore, #tpu.memory_space<semaphore_mem>>) src(%dma_wait3A_177 : memref<64x128xf32, #tpu.memory_space<hbm>>) dst(%arg12 : memref<64x128xf32, #tpu.memory_space<vmem>>)
      %dma_wait3A_178 = arith.constant 0 : i32
      %dma_wait3A_179 = arith.constant 0 : i32
      %dma_wait3A_180 = tpu.memref_slice %arg5[%dma_wait3A_178, %dma_wait3A_179] : memref<5001x128xf32, #tpu.memory_space<hbm>> -> memref<64x128xf32, #tpu.memory_space<hbm>>
      %dma_wait3A_181 = arith.constant 0 : i32
      %dma_wait3A_182 = arith.constant 0 : i32
      %dma_wait3A_183 = tpu.memref_slice %arg5[%dma_wait3A_181, %dma_wait3A_182] : memref<5001x128xf32, #tpu.memory_space<hbm>> -> memref<64x128xf32, #tpu.memory_space<hbm>>
      tpu.wait_dma2 semaphore(%arg25 : memref<!tpu.dma_semaphore, #tpu.memory_space<semaphore_mem>>) src(%dma_wait3A_183 : memref<64x128xf32, #tpu.memory_space<hbm>>) dst(%arg16 : memref<64x128xf32, #tpu.memory_space<vmem>>)
      %parallel_loop3A_184 = arith.constant 0 : i32
      %parallel_loop3A_185 = arith.constant 64 : i32
      %parallel_loop3A_186 = arith.constant 1 : i32
      scf.for %parallel_loop3A_292 = %parallel_loop3A_184 to %parallel_loop3A_185 step %parallel_loop3A_186  : i32 {
        %parallel_loop3A_293 = arith.index_cast %parallel_loop3A_292 : i32 to index
        %parallel_loop3A_294 = arith.constant 0 : index
        %parallel_loop3A_295 = tpu.vector_load %arg12[%parallel_loop3A_293, %parallel_loop3A_294] {strides = array<i32>} : memref<64x128xf32, #tpu.memory_space<vmem>>, vector<1x16xf32>,
        %parallel_loop3A_296 = vector.shape_cast %parallel_loop3A_295 : vector<1x16xf32> to vector<16xf32>
        %parallel_loop3A_297 = vector.broadcast %squeeze3A : f32 to vector<16xf32>
        %parallel_loop3A_298 = arith.mulf %parallel_loop3A_296, %parallel_loop3A_297 : vector<16xf32>
        %parallel_loop3A_299 = arith.index_cast %parallel_loop3A_292 : i32 to index
        %parallel_loop3A_300 = arith.constant 0 : index
        %parallel_loop3A_301 = tpu.vector_load %arg16[%parallel_loop3A_299, %parallel_loop3A_300] {strides = array<i32>} : memref<64x128xf32, #tpu.memory_space<vmem>>, vector<1x16xf32>,
        %parallel_loop3A_302 = vector.shape_cast %parallel_loop3A_301 : vector<1x16xf32> to vector<16xf32>
        %parallel_loop3A_303 = vector.shape_cast %parallel_loop3A_298 : vector<16xf32> to vector<1x16xf32>
        tpu.vector_store %arg16[%parallel_loop3A_299, %parallel_loop3A_300], %parallel_loop3A_303 {add = true, strides = array<i32>} : memref<64x128xf32, #tpu.memory_space<vmem>>, vector<1x16xf32>,
        %parallel_loop3A_304 = arith.index_cast %parallel_loop3A_292 : i32 to index
        %parallel_loop3A_305 = arith.constant 16 : index
        %parallel_loop3A_306 = tpu.vector_load %arg12[%parallel_loop3A_304, %parallel_loop3A_305] {strides = array<i32>} : memref<64x128xf32, #tpu.memory_space<vmem>>, vector<1x16xf32>,
        %parallel_loop3A_307 = vector.shape_cast %parallel_loop3A_306 : vector<1x16xf32> to vector<16xf32>
        %parallel_loop3A_308 = vector.broadcast %squeeze3A : f32 to vector<16xf32>
        %parallel_loop3A_309 = arith.mulf %parallel_loop3A_307, %parallel_loop3A_308 : vector<16xf32>
        %parallel_loop3A_310 = arith.index_cast %parallel_loop3A_292 : i32 to index
        %parallel_loop3A_311 = arith.constant 16 : index
        %parallel_loop3A_312 = tpu.vector_load %arg16[%parallel_loop3A_310, %parallel_loop3A_311] {strides = array<i32>} : memref<64x128xf32, #tpu.memory_space<vmem>>, vector<1x16xf32>,
        %parallel_loop3A_313 = vector.shape_cast %parallel_loop3A_312 : vector<1x16xf32> to vector<16xf32>
        %parallel_loop3A_314 = vector.shape_cast %parallel_loop3A_309 : vector<16xf32> to vector<1x16xf32>
        tpu.vector_store %arg16[%parallel_loop3A_310, %parallel_loop3A_311], %parallel_loop3A_314 {add = true, strides = array<i32>} : memref<64x128xf32, #tpu.memory_space<vmem>>, vector<1x16xf32>,
        %parallel_loop3A_315 = arith.index_cast %parallel_loop3A_292 : i32 to index
        %parallel_loop3A_316 = arith.constant 32 : index
        %parallel_loop3A_317 = tpu.vector_load %arg12[%parallel_loop3A_315, %parallel_loop3A_316] {strides = array<i32>} : memref<64x128xf32, #tpu.memory_space<vmem>>, vector<1x16xf32>,
        %parallel_loop3A_318 = vector.shape_cast %parallel_loop3A_317 : vector<1x16xf32> to vector<16xf32>
        %parallel_loop3A_319 = vector.broadcast %squeeze3A : f32 to vector<16xf32>
        %parallel_loop3A_320 = arith.mulf %parallel_loop3A_318, %parallel_loop3A_319 : vector<16xf32>
        %parallel_loop3A_321 = arith.index_cast %parallel_loop3A_292 : i32 to index
        %parallel_loop3A_322 = arith.constant 32 : index
        %parallel_loop3A_323 = tpu.vector_load %arg16[%parallel_loop3A_321, %parallel_loop3A_322] {strides = array<i32>} : memref<64x128xf32, #tpu.memory_space<vmem>>, vector<1x16xf32>,
        %parallel_loop3A_324 = vector.shape_cast %parallel_loop3A_323 : vector<1x16xf32> to vector<16xf32>
        %parallel_loop3A_325 = vector.shape_cast %parallel_loop3A_320 : vector<16xf32> to vector<1x16xf32>
        tpu.vector_store %arg16[%parallel_loop3A_321, %parallel_loop3A_322], %parallel_loop3A_325 {add = true, strides = array<i32>} : memref<64x128xf32, #tpu.memory_space<vmem>>, vector<1x16xf32>,
        %parallel_loop3A_326 = arith.index_cast %parallel_loop3A_292 : i32 to index
        %parallel_loop3A_327 = arith.constant 48 : index
        %parallel_loop3A_328 = tpu.vector_load %arg12[%parallel_loop3A_326, %parallel_loop3A_327] {strides = array<i32>} : memref<64x128xf32, #tpu.memory_space<vmem>>, vector<1x16xf32>,
        %parallel_loop3A_329 = vector.shape_cast %parallel_loop3A_328 : vector<1x16xf32> to vector<16xf32>
        %parallel_loop3A_330 = vector.broadcast %squeeze3A : f32 to vector<16xf32>
        %parallel_loop3A_331 = arith.mulf %parallel_loop3A_329, %parallel_loop3A_330 : vector<16xf32>
        %parallel_loop3A_332 = arith.index_cast %parallel_loop3A_292 : i32 to index
        %parallel_loop3A_333 = arith.constant 48 : index
        %parallel_loop3A_334 = tpu.vector_load %arg16[%parallel_loop3A_332, %parallel_loop3A_333] {strides = array<i32>} : memref<64x128xf32, #tpu.memory_space<vmem>>, vector<1x16xf32>,
        %parallel_loop3A_335 = vector.shape_cast %parallel_loop3A_334 : vector<1x16xf32> to vector<16xf32>
        %parallel_loop3A_336 = vector.shape_cast %parallel_loop3A_331 : vector<16xf32> to vector<1x16xf32>
        tpu.vector_store %arg16[%parallel_loop3A_332, %parallel_loop3A_333], %parallel_loop3A_336 {add = true, strides = array<i32>} : memref<64x128xf32, #tpu.memory_space<vmem>>, vector<1x16xf32>,
        %parallel_loop3A_337 = arith.index_cast %parallel_loop3A_292 : i32 to index
        %parallel_loop3A_338 = arith.constant 64 : index
        %parallel_loop3A_339 = tpu.vector_load %arg12[%parallel_loop3A_337, %parallel_loop3A_338] {strides = array<i32>} : memref<64x128xf32, #tpu.memory_space<vmem>>, vector<1x16xf32>,
        %parallel_loop3A_340 = vector.shape_cast %parallel_loop3A_339 : vector<1x16xf32> to vector<16xf32>
        %parallel_loop3A_341 = vector.broadcast %squeeze3A : f32 to vector<16xf32>
        %parallel_loop3A_342 = arith.mulf %parallel_loop3A_340, %parallel_loop3A_341 : vector<16xf32>
        %parallel_loop3A_343 = arith.index_cast %parallel_loop3A_292 : i32 to index
        %parallel_loop3A_344 = arith.constant 64 : index
        %parallel_loop3A_345 = tpu.vector_load %arg16[%parallel_loop3A_343, %parallel_loop3A_344] {strides = array<i32>} : memref<64x128xf32, #tpu.memory_space<vmem>>, vector<1x16xf32>,
        %parallel_loop3A_346 = vector.shape_cast %parallel_loop3A_345 : vector<1x16xf32> to vector<16xf32>
        %parallel_loop3A_347 = vector.shape_cast %parallel_loop3A_342 : vector<16xf32> to vector<1x16xf32>
        tpu.vector_store %arg16[%parallel_loop3A_343, %parallel_loop3A_344], %parallel_loop3A_347 {add = true, strides = array<i32>} : memref<64x128xf32, #tpu.memory_space<vmem>>, vector<1x16xf32>,
        %parallel_loop3A_348 = arith.index_cast %parallel_loop3A_292 : i32 to index
        %parallel_loop3A_349 = arith.constant 80 : index
        %parallel_loop3A_350 = tpu.vector_load %arg12[%parallel_loop3A_348, %parallel_loop3A_349] {strides = array<i32>} : memref<64x128xf32, #tpu.memory_space<vmem>>, vector<1x16xf32>,
        %parallel_loop3A_351 = vector.shape_cast %parallel_loop3A_350 : vector<1x16xf32> to vector<16xf32>
        %parallel_loop3A_352 = vector.broadcast %squeeze3A : f32 to vector<16xf32>
        %parallel_loop3A_353 = arith.mulf %parallel_loop3A_351, %parallel_loop3A_352 : vector<16xf32>
        %parallel_loop3A_354 = arith.index_cast %parallel_loop3A_292 : i32 to index
        %parallel_loop3A_355 = arith.constant 80 : index
        %parallel_loop3A_356 = tpu.vector_load %arg16[%parallel_loop3A_354, %parallel_loop3A_355] {strides = array<i32>} : memref<64x128xf32, #tpu.memory_space<vmem>>, vector<1x16xf32>,
        %parallel_loop3A_357 = vector.shape_cast %parallel_loop3A_356 : vector<1x16xf32> to vector<16xf32>
        %parallel_loop3A_358 = vector.shape_cast %parallel_loop3A_353 : vector<16xf32> to vector<1x16xf32>
        tpu.vector_store %arg16[%parallel_loop3A_354, %parallel_loop3A_355], %parallel_loop3A_358 {add = true, strides = array<i32>} : memref<64x128xf32, #tpu.memory_space<vmem>>, vector<1x16xf32>,
        %parallel_loop3A_359 = arith.index_cast %parallel_loop3A_292 : i32 to index
        %parallel_loop3A_360 = arith.constant 96 : index
        %parallel_loop3A_361 = tpu.vector_load %arg12[%parallel_loop3A_359, %parallel_loop3A_360] {strides = array<i32>} : memref<64x128xf32, #tpu.memory_space<vmem>>, vector<1x16xf32>,
        %parallel_loop3A_362 = vector.shape_cast %parallel_loop3A_361 : vector<1x16xf32> to vector<16xf32>
        %parallel_loop3A_363 = vector.broadcast %squeeze3A : f32 to vector<16xf32>
        %parallel_loop3A_364 = arith.mulf %parallel_loop3A_362, %parallel_loop3A_363 : vector<16xf32>
        %parallel_loop3A_365 = arith.index_cast %parallel_loop3A_292 : i32 to index
        %parallel_loop3A_366 = arith.constant 96 : index
        %parallel_loop3A_367 = tpu.vector_load %arg16[%parallel_loop3A_365, %parallel_loop3A_366] {strides = array<i32>} : memref<64x128xf32, #tpu.memory_space<vmem>>, vector<1x16xf32>,
        %parallel_loop3A_368 = vector.shape_cast %parallel_loop3A_367 : vector<1x16xf32> to vector<16xf32>
        %parallel_loop3A_369 = vector.shape_cast %parallel_loop3A_364 : vector<16xf32> to vector<1x16xf32>
        tpu.vector_store %arg16[%parallel_loop3A_365, %parallel_loop3A_366], %parallel_loop3A_369 {add = true, strides = array<i32>} : memref<64x128xf32, #tpu.memory_space<vmem>>, vector<1x16xf32>,
        %parallel_loop3A_370 = arith.index_cast %parallel_loop3A_292 : i32 to index
        %parallel_loop3A_371 = arith.constant 112 : index
        %parallel_loop3A_372 = tpu.vector_load %arg12[%parallel_loop3A_370, %parallel_loop3A_371] {strides = array<i32>} : memref<64x128xf32, #tpu.memory_space<vmem>>, vector<1x16xf32>,
        %parallel_loop3A_373 = vector.shape_cast %parallel_loop3A_372 : vector<1x16xf32> to vector<16xf32>
        %parallel_loop3A_374 = vector.broadcast %squeeze3A : f32 to vector<16xf32>
        %parallel_loop3A_375 = arith.mulf %parallel_loop3A_373, %parallel_loop3A_374 : vector<16xf32>
        %parallel_loop3A_376 = arith.index_cast %parallel_loop3A_292 : i32 to index
        %parallel_loop3A_377 = arith.constant 112 : index
        %parallel_loop3A_378 = tpu.vector_load %arg16[%parallel_loop3A_376, %parallel_loop3A_377] {strides = array<i32>} : memref<64x128xf32, #tpu.memory_space<vmem>>, vector<1x16xf32>,
        %parallel_loop3A_379 = vector.shape_cast %parallel_loop3A_378 : vector<1x16xf32> to vector<16xf32>
        %parallel_loop3A_380 = vector.shape_cast %parallel_loop3A_375 : vector<16xf32> to vector<1x16xf32>
        tpu.vector_store %arg16[%parallel_loop3A_376, %parallel_loop3A_377], %parallel_loop3A_380 {add = true, strides = array<i32>} : memref<64x128xf32, #tpu.memory_space<vmem>>, vector<1x16xf32>,
      } {sc.loop_unroll_factor = 4 : i64, sc.parallel_access}
      %mul3A_187 = arith.constant 64 : i32
      %mul3A_188 = arith.muli %add3A_167, %mul3A_187 : i32
      %add3A_189 = arith.addi %add3A_61, %mul3A_188 : i32
      %dma_start3A_190 = arith.constant 0 : i32
      %dma_start3A_191 = tpu.memref_slice %arg7[%add3A_189, %dma_start3A_190] : memref<819200x128xf32, #tpu.memory_space<hbm>> -> memref<64x128xf32, #tpu.memory_space<hbm>>
      %dma_start3A_192 = arith.constant 0 : i32
      %dma_start3A_193 = tpu.memref_slice %arg7[%add3A_189, %dma_start3A_192] : memref<819200x128xf32, #tpu.memory_space<hbm>> -> memref<64x128xf32, #tpu.memory_space<hbm>>
      tpu.enqueue_dma source(%arg16 : memref<64x128xf32, #tpu.memory_space<vmem>>) target(%dma_start3A_193 : memref<64x128xf32, #tpu.memory_space<hbm>>) target_semaphore(%arg29 : memref<!tpu.dma_semaphore, #tpu.memory_space<semaphore_mem>>)
      %gt3A_194 = arith.constant 0 : i32
      %gt3A_195 = arith.cmpi sgt, %scan3A_116, %gt3A_194 : i32
      %convert_element_type3A_196 = arith.extui %gt3A_195 : i1 to i32
      %cond3A_197 = arith.constant 0 : i32
      %cond3A_198 = arith.cmpi ne, %convert_element_type3A_196, %cond3A_197 : i32
      scf.if %cond3A_198 {
        %dma_wait3A_292 = arith.constant 0 : i32
        %dma_wait3A_293 = arith.constant 0 : i32
        %dma_wait3A_294 = tpu.memref_slice %arg2[%dma_wait3A_292, %dma_wait3A_293] : memref<819200x128xf32, #tpu.memory_space<hbm>> -> memref<64x128xf32, #tpu.memory_space<hbm>>
        %dma_wait3A_295 = arith.constant 0 : i32
        %dma_wait3A_296 = arith.constant 0 : i32
        %dma_wait3A_297 = tpu.memref_slice %arg2[%dma_wait3A_295, %dma_wait3A_296] : memref<819200x128xf32, #tpu.memory_space<hbm>> -> memref<64x128xf32, #tpu.memory_space<hbm>>
        tpu.wait_dma2 semaphore(%arg31 : memref<!tpu.dma_semaphore, #tpu.memory_space<semaphore_mem>>) src(%dma_wait3A_297 : memref<64x128xf32, #tpu.memory_space<hbm>>) dst(%arg18 : memref<64x128xf32, #tpu.memory_space<vmem>>)
      } else {
      }
      %add3A_199 = arith.constant 2 : i32
      %add3A_200 = arith.addi %add3A_167, %add3A_199 : i32
      %mul3A_201 = arith.constant 64 : i32
      %mul3A_202 = arith.muli %add3A_200, %mul3A_201 : i32
      %dma_start3A_203 = tpu.memref_slice %arg8[%mul3A_202] : memref<12800xi32, #tpu.memory_space<vmem>> -> memref<64xi32, #tpu.memory_space<vmem>>
      %dma_start3A_204 = arith.constant 0 : i32
      %dma_start3A_205 = arith.constant 0 : i32
      %dma_start3A_206 = tpu.memref_slice %arg19[%dma_start3A_204, %dma_start3A_205] : memref<5001x128xf32, #tpu.memory_space<vmem_shared>> -> memref<5001x128xf32, #tpu.memory_space<vmem_shared>>
      tpu.enqueue_indirect_dma source(%dma_start3A_206 : memref<5001x128xf32, #tpu.memory_space<vmem_shared>>) target(%arg18 : memref<64x128xf32, #tpu.memory_space<vmem>>) offsets(%dma_start3A_203 : memref<64xi32, #tpu.memory_space<vmem>>) semaphore(%arg27 : memref<!tpu.dma_semaphore, #tpu.memory_space<semaphore_mem>>)
      %mul3A_207 = arith.constant 4 : i32
      %mul3A_208 = arith.muli %scan3A_116, %mul3A_207 : i32
      %add3A_209 = arith.constant 2 : i32
      %add3A_210 = arith.addi %mul3A_208, %add3A_209 : i32
      %lt3A_211 = arith.constant 49 : i32
      %lt3A_212 = arith.cmpi slt, %scan3A_116, %lt3A_211 : i32
      %convert_element_type3A_213 = arith.extui %lt3A_212 : i1 to i32
      %cond3A_214 = arith.constant 0 : i32
      %cond3A_215 = arith.cmpi ne, %convert_element_type3A_213, %cond3A_214 : i32
      scf.if %cond3A_215 {
        %add3A_292 = arith.constant 3 : i32
        %add3A_293 = arith.addi %add3A_210, %add3A_292 : i32
        %mul3A_294 = arith.constant 64 : i32
        %mul3A_295 = arith.muli %add3A_293, %mul3A_294 : i32
        %add3A_296 = arith.addi %add3A_61, %mul3A_295 : i32
        %dma_start3A_297 = arith.constant 0 : i32
        %dma_start3A_298 = tpu.memref_slice %arg2[%add3A_296, %dma_start3A_297] : memref<819200x128xf32, #tpu.memory_space<hbm>> -> memref<64x128xf32, #tpu.memory_space<hbm>>
        %dma_start3A_299 = arith.constant 0 : i32
        %dma_start3A_300 = tpu.memref_slice %arg2[%add3A_296, %dma_start3A_299] : memref<819200x128xf32, #tpu.memory_space<hbm>> -> memref<64x128xf32, #tpu.memory_space<hbm>>
        tpu.enqueue_dma source(%dma_start3A_300 : memref<64x128xf32, #tpu.memory_space<hbm>>) target(%arg12 : memref<64x128xf32, #tpu.memory_space<vmem>>) target_semaphore(%arg21 : memref<!tpu.dma_semaphore, #tpu.memory_space<semaphore_mem>>)
      } else {
      }
      %dma_wait3A_216 = arith.constant 0 : i32
      %dma_wait3A_217 = arith.constant 0 : i32
      %dma_wait3A_218 = tpu.memref_slice %arg2[%dma_wait3A_216, %dma_wait3A_217] : memref<819200x128xf32, #tpu.memory_space<hbm>> -> memref<64x128xf32, #tpu.memory_space<hbm>>
      %dma_wait3A_219 = arith.constant 0 : i32
      %dma_wait3A_220 = arith.constant 0 : i32
      %dma_wait3A_221 = tpu.memref_slice %arg2[%dma_wait3A_219, %dma_wait3A_220] : memref<819200x128xf32, #tpu.memory_space<hbm>> -> memref<64x128xf32, #tpu.memory_space<hbm>>
      tpu.wait_dma2 semaphore(%arg22 : memref<!tpu.dma_semaphore, #tpu.memory_space<semaphore_mem>>) src(%dma_wait3A_221 : memref<64x128xf32, #tpu.memory_space<hbm>>) dst(%arg13 : memref<64x128xf32, #tpu.memory_space<vmem>>)
      %dma_wait3A_222 = arith.constant 0 : i32
      %dma_wait3A_223 = arith.constant 0 : i32
      %dma_wait3A_224 = tpu.memref_slice %arg5[%dma_wait3A_222, %dma_wait3A_223] : memref<5001x128xf32, #tpu.memory_space<hbm>> -> memref<64x128xf32, #tpu.memory_space<hbm>>
      %dma_wait3A_225 = arith.constant 0 : i32
      %dma_wait3A_226 = arith.constant 0 : i32
      %dma_wait3A_227 = tpu.memref_slice %arg5[%dma_wait3A_225, %dma_wait3A_226] : memref<5001x128xf32, #tpu.memory_space<hbm>> -> memref<64x128xf32, #tpu.memory_space<hbm>>
      tpu.wait_dma2 semaphore(%arg26 : memref<!tpu.dma_semaphore, #tpu.memory_space<semaphore_mem>>) src(%dma_wait3A_227 : memref<64x128xf32, #tpu.memory_space<hbm>>) dst(%arg17 : memref<64x128xf32, #tpu.memory_space<vmem>>)
      %parallel_loop3A_228 = arith.constant 0 : i32
      %parallel_loop3A_229 = arith.constant 64 : i32
      %parallel_loop3A_230 = arith.constant 1 : i32
      scf.for %parallel_loop3A_292 = %parallel_loop3A_228 to %parallel_loop3A_229 step %parallel_loop3A_230  : i32 {
        %parallel_loop3A_293 = arith.index_cast %parallel_loop3A_292 : i32 to index
        %parallel_loop3A_294 = arith.constant 0 : index
        %parallel_loop3A_295 = tpu.vector_load %arg13[%parallel_loop3A_293, %parallel_loop3A_294] {strides = array<i32>} : memref<64x128xf32, #tpu.memory_space<vmem>>, vector<1x16xf32>,
        %parallel_loop3A_296 = vector.shape_cast %parallel_loop3A_295 : vector<1x16xf32> to vector<16xf32>
        %parallel_loop3A_297 = vector.broadcast %squeeze3A : f32 to vector<16xf32>
        %parallel_loop3A_298 = arith.mulf %parallel_loop3A_296, %parallel_loop3A_297 : vector<16xf32>
        %parallel_loop3A_299 = arith.index_cast %parallel_loop3A_292 : i32 to index
        %parallel_loop3A_300 = arith.constant 0 : index
        %parallel_loop3A_301 = tpu.vector_load %arg17[%parallel_loop3A_299, %parallel_loop3A_300] {strides = array<i32>} : memref<64x128xf32, #tpu.memory_space<vmem>>, vector<1x16xf32>,
        %parallel_loop3A_302 = vector.shape_cast %parallel_loop3A_301 : vector<1x16xf32> to vector<16xf32>
        %parallel_loop3A_303 = vector.shape_cast %parallel_loop3A_298 : vector<16xf32> to vector<1x16xf32>
        tpu.vector_store %arg17[%parallel_loop3A_299, %parallel_loop3A_300], %parallel_loop3A_303 {add = true, strides = array<i32>} : memref<64x128xf32, #tpu.memory_space<vmem>>, vector<1x16xf32>,
        %parallel_loop3A_304 = arith.index_cast %parallel_loop3A_292 : i32 to index
        %parallel_loop3A_305 = arith.constant 16 : index
        %parallel_loop3A_306 = tpu.vector_load %arg13[%parallel_loop3A_304, %parallel_loop3A_305] {strides = array<i32>} : memref<64x128xf32, #tpu.memory_space<vmem>>, vector<1x16xf32>,
        %parallel_loop3A_307 = vector.shape_cast %parallel_loop3A_306 : vector<1x16xf32> to vector<16xf32>
        %parallel_loop3A_308 = vector.broadcast %squeeze3A : f32 to vector<16xf32>
        %parallel_loop3A_309 = arith.mulf %parallel_loop3A_307, %parallel_loop3A_308 : vector<16xf32>
        %parallel_loop3A_310 = arith.index_cast %parallel_loop3A_292 : i32 to index
        %parallel_loop3A_311 = arith.constant 16 : index
        %parallel_loop3A_312 = tpu.vector_load %arg17[%parallel_loop3A_310, %parallel_loop3A_311] {strides = array<i32>} : memref<64x128xf32, #tpu.memory_space<vmem>>, vector<1x16xf32>,
        %parallel_loop3A_313 = vector.shape_cast %parallel_loop3A_312 : vector<1x16xf32> to vector<16xf32>
        %parallel_loop3A_314 = vector.shape_cast %parallel_loop3A_309 : vector<16xf32> to vector<1x16xf32>
        tpu.vector_store %arg17[%parallel_loop3A_310, %parallel_loop3A_311], %parallel_loop3A_314 {add = true, strides = array<i32>} : memref<64x128xf32, #tpu.memory_space<vmem>>, vector<1x16xf32>,
        %parallel_loop3A_315 = arith.index_cast %parallel_loop3A_292 : i32 to index
        %parallel_loop3A_316 = arith.constant 32 : index
        %parallel_loop3A_317 = tpu.vector_load %arg13[%parallel_loop3A_315, %parallel_loop3A_316] {strides = array<i32>} : memref<64x128xf32, #tpu.memory_space<vmem>>, vector<1x16xf32>,
        %parallel_loop3A_318 = vector.shape_cast %parallel_loop3A_317 : vector<1x16xf32> to vector<16xf32>
        %parallel_loop3A_319 = vector.broadcast %squeeze3A : f32 to vector<16xf32>
        %parallel_loop3A_320 = arith.mulf %parallel_loop3A_318, %parallel_loop3A_319 : vector<16xf32>
        %parallel_loop3A_321 = arith.index_cast %parallel_loop3A_292 : i32 to index
        %parallel_loop3A_322 = arith.constant 32 : index
        %parallel_loop3A_323 = tpu.vector_load %arg17[%parallel_loop3A_321, %parallel_loop3A_322] {strides = array<i32>} : memref<64x128xf32, #tpu.memory_space<vmem>>, vector<1x16xf32>,
        %parallel_loop3A_324 = vector.shape_cast %parallel_loop3A_323 : vector<1x16xf32> to vector<16xf32>
        %parallel_loop3A_325 = vector.shape_cast %parallel_loop3A_320 : vector<16xf32> to vector<1x16xf32>
        tpu.vector_store %arg17[%parallel_loop3A_321, %parallel_loop3A_322], %parallel_loop3A_325 {add = true, strides = array<i32>} : memref<64x128xf32, #tpu.memory_space<vmem>>, vector<1x16xf32>,
        %parallel_loop3A_326 = arith.index_cast %parallel_loop3A_292 : i32 to index
        %parallel_loop3A_327 = arith.constant 48 : index
        %parallel_loop3A_328 = tpu.vector_load %arg13[%parallel_loop3A_326, %parallel_loop3A_327] {strides = array<i32>} : memref<64x128xf32, #tpu.memory_space<vmem>>, vector<1x16xf32>,
        %parallel_loop3A_329 = vector.shape_cast %parallel_loop3A_328 : vector<1x16xf32> to vector<16xf32>
        %parallel_loop3A_330 = vector.broadcast %squeeze3A : f32 to vector<16xf32>
        %parallel_loop3A_331 = arith.mulf %parallel_loop3A_329, %parallel_loop3A_330 : vector<16xf32>
        %parallel_loop3A_332 = arith.index_cast %parallel_loop3A_292 : i32 to index
        %parallel_loop3A_333 = arith.constant 48 : index
        %parallel_loop3A_334 = tpu.vector_load %arg17[%parallel_loop3A_332, %parallel_loop3A_333] {strides = array<i32>} : memref<64x128xf32, #tpu.memory_space<vmem>>, vector<1x16xf32>,
        %parallel_loop3A_335 = vector.shape_cast %parallel_loop3A_334 : vector<1x16xf32> to vector<16xf32>
        %parallel_loop3A_336 = vector.shape_cast %parallel_loop3A_331 : vector<16xf32> to vector<1x16xf32>
        tpu.vector_store %arg17[%parallel_loop3A_332, %parallel_loop3A_333], %parallel_loop3A_336 {add = true, strides = array<i32>} : memref<64x128xf32, #tpu.memory_space<vmem>>, vector<1x16xf32>,
        %parallel_loop3A_337 = arith.index_cast %parallel_loop3A_292 : i32 to index
        %parallel_loop3A_338 = arith.constant 64 : index
        %parallel_loop3A_339 = tpu.vector_load %arg13[%parallel_loop3A_337, %parallel_loop3A_338] {strides = array<i32>} : memref<64x128xf32, #tpu.memory_space<vmem>>, vector<1x16xf32>,
        %parallel_loop3A_340 = vector.shape_cast %parallel_loop3A_339 : vector<1x16xf32> to vector<16xf32>
        %parallel_loop3A_341 = vector.broadcast %squeeze3A : f32 to vector<16xf32>
        %parallel_loop3A_342 = arith.mulf %parallel_loop3A_340, %parallel_loop3A_341 : vector<16xf32>
        %parallel_loop3A_343 = arith.index_cast %parallel_loop3A_292 : i32 to index
        %parallel_loop3A_344 = arith.constant 64 : index
        %parallel_loop3A_345 = tpu.vector_load %arg17[%parallel_loop3A_343, %parallel_loop3A_344] {strides = array<i32>} : memref<64x128xf32, #tpu.memory_space<vmem>>, vector<1x16xf32>,
        %parallel_loop3A_346 = vector.shape_cast %parallel_loop3A_345 : vector<1x16xf32> to vector<16xf32>
        %parallel_loop3A_347 = vector.shape_cast %parallel_loop3A_342 : vector<16xf32> to vector<1x16xf32>
        tpu.vector_store %arg17[%parallel_loop3A_343, %parallel_loop3A_344], %parallel_loop3A_347 {add = true, strides = array<i32>} : memref<64x128xf32, #tpu.memory_space<vmem>>, vector<1x16xf32>,
        %parallel_loop3A_348 = arith.index_cast %parallel_loop3A_292 : i32 to index
        %parallel_loop3A_349 = arith.constant 80 : index
        %parallel_loop3A_350 = tpu.vector_load %arg13[%parallel_loop3A_348, %parallel_loop3A_349] {strides = array<i32>} : memref<64x128xf32, #tpu.memory_space<vmem>>, vector<1x16xf32>,
        %parallel_loop3A_351 = vector.shape_cast %parallel_loop3A_350 : vector<1x16xf32> to vector<16xf32>
        %parallel_loop3A_352 = vector.broadcast %squeeze3A : f32 to vector<16xf32>
        %parallel_loop3A_353 = arith.mulf %parallel_loop3A_351, %parallel_loop3A_352 : vector<16xf32>
        %parallel_loop3A_354 = arith.index_cast %parallel_loop3A_292 : i32 to index
        %parallel_loop3A_355 = arith.constant 80 : index
        %parallel_loop3A_356 = tpu.vector_load %arg17[%parallel_loop3A_354, %parallel_loop3A_355] {strides = array<i32>} : memref<64x128xf32, #tpu.memory_space<vmem>>, vector<1x16xf32>,
        %parallel_loop3A_357 = vector.shape_cast %parallel_loop3A_356 : vector<1x16xf32> to vector<16xf32>
        %parallel_loop3A_358 = vector.shape_cast %parallel_loop3A_353 : vector<16xf32> to vector<1x16xf32>
        tpu.vector_store %arg17[%parallel_loop3A_354, %parallel_loop3A_355], %parallel_loop3A_358 {add = true, strides = array<i32>} : memref<64x128xf32, #tpu.memory_space<vmem>>, vector<1x16xf32>,
        %parallel_loop3A_359 = arith.index_cast %parallel_loop3A_292 : i32 to index
        %parallel_loop3A_360 = arith.constant 96 : index
        %parallel_loop3A_361 = tpu.vector_load %arg13[%parallel_loop3A_359, %parallel_loop3A_360] {strides = array<i32>} : memref<64x128xf32, #tpu.memory_space<vmem>>, vector<1x16xf32>,
        %parallel_loop3A_362 = vector.shape_cast %parallel_loop3A_361 : vector<1x16xf32> to vector<16xf32>
        %parallel_loop3A_363 = vector.broadcast %squeeze3A : f32 to vector<16xf32>
        %parallel_loop3A_364 = arith.mulf %parallel_loop3A_362, %parallel_loop3A_363 : vector<16xf32>
        %parallel_loop3A_365 = arith.index_cast %parallel_loop3A_292 : i32 to index
        %parallel_loop3A_366 = arith.constant 96 : index
        %parallel_loop3A_367 = tpu.vector_load %arg17[%parallel_loop3A_365, %parallel_loop3A_366] {strides = array<i32>} : memref<64x128xf32, #tpu.memory_space<vmem>>, vector<1x16xf32>,
        %parallel_loop3A_368 = vector.shape_cast %parallel_loop3A_367 : vector<1x16xf32> to vector<16xf32>
        %parallel_loop3A_369 = vector.shape_cast %parallel_loop3A_364 : vector<16xf32> to vector<1x16xf32>
        tpu.vector_store %arg17[%parallel_loop3A_365, %parallel_loop3A_366], %parallel_loop3A_369 {add = true, strides = array<i32>} : memref<64x128xf32, #tpu.memory_space<vmem>>, vector<1x16xf32>,
        %parallel_loop3A_370 = arith.index_cast %parallel_loop3A_292 : i32 to index
        %parallel_loop3A_371 = arith.constant 112 : index
        %parallel_loop3A_372 = tpu.vector_load %arg13[%parallel_loop3A_370, %parallel_loop3A_371] {strides = array<i32>} : memref<64x128xf32, #tpu.memory_space<vmem>>, vector<1x16xf32>,
        %parallel_loop3A_373 = vector.shape_cast %parallel_loop3A_372 : vector<1x16xf32> to vector<16xf32>
        %parallel_loop3A_374 = vector.broadcast %squeeze3A : f32 to vector<16xf32>
        %parallel_loop3A_375 = arith.mulf %parallel_loop3A_373, %parallel_loop3A_374 : vector<16xf32>
        %parallel_loop3A_376 = arith.index_cast %parallel_loop3A_292 : i32 to index
        %parallel_loop3A_377 = arith.constant 112 : index
        %parallel_loop3A_378 = tpu.vector_load %arg17[%parallel_loop3A_376, %parallel_loop3A_377] {strides = array<i32>} : memref<64x128xf32, #tpu.memory_space<vmem>>, vector<1x16xf32>,
        %parallel_loop3A_379 = vector.shape_cast %parallel_loop3A_378 : vector<1x16xf32> to vector<16xf32>
        %parallel_loop3A_380 = vector.shape_cast %parallel_loop3A_375 : vector<16xf32> to vector<1x16xf32>
        tpu.vector_store %arg17[%parallel_loop3A_376, %parallel_loop3A_377], %parallel_loop3A_380 {add = true, strides = array<i32>} : memref<64x128xf32, #tpu.memory_space<vmem>>, vector<1x16xf32>,
      } {sc.loop_unroll_factor = 4 : i64, sc.parallel_access}
      %mul3A_231 = arith.constant 64 : i32
      %mul3A_232 = arith.muli %add3A_210, %mul3A_231 : i32
      %add3A_233 = arith.addi %add3A_61, %mul3A_232 : i32
      %dma_start3A_234 = arith.constant 0 : i32
      %dma_start3A_235 = tpu.memref_slice %arg7[%add3A_233, %dma_start3A_234] : memref<819200x128xf32, #tpu.memory_space<hbm>> -> memref<64x128xf32, #tpu.memory_space<hbm>>
      %dma_start3A_236 = arith.constant 0 : i32
      %dma_start3A_237 = tpu.memref_slice %arg7[%add3A_233, %dma_start3A_236] : memref<819200x128xf32, #tpu.memory_space<hbm>> -> memref<64x128xf32, #tpu.memory_space<hbm>>
      tpu.enqueue_dma source(%arg17 : memref<64x128xf32, #tpu.memory_space<vmem>>) target(%dma_start3A_237 : memref<64x128xf32, #tpu.memory_space<hbm>>) target_semaphore(%arg30 : memref<!tpu.dma_semaphore, #tpu.memory_space<semaphore_mem>>)
      %dma_wait3A_238 = arith.constant 0 : i32
      %dma_wait3A_239 = arith.constant 0 : i32
      %dma_wait3A_240 = tpu.memref_slice %arg2[%dma_wait3A_238, %dma_wait3A_239] : memref<819200x128xf32, #tpu.memory_space<hbm>> -> memref<64x128xf32, #tpu.memory_space<hbm>>
      %dma_wait3A_241 = arith.constant 0 : i32
      %dma_wait3A_242 = arith.constant 0 : i32
      %dma_wait3A_243 = tpu.memref_slice %arg2[%dma_wait3A_241, %dma_wait3A_242] : memref<819200x128xf32, #tpu.memory_space<hbm>> -> memref<64x128xf32, #tpu.memory_space<hbm>>
      tpu.wait_dma2 semaphore(%arg28 : memref<!tpu.dma_semaphore, #tpu.memory_space<semaphore_mem>>) src(%dma_wait3A_243 : memref<64x128xf32, #tpu.memory_space<hbm>>) dst(%arg15 : memref<64x128xf32, #tpu.memory_space<vmem>>)
      %lt3A_244 = arith.constant 49 : i32
      %lt3A_245 = arith.cmpi slt, %scan3A_116, %lt3A_244 : i32
      %convert_element_type3A_246 = arith.extui %lt3A_245 : i1 to i32
      %cond3A_247 = arith.constant 0 : i32
      %cond3A_248 = arith.cmpi ne, %convert_element_type3A_246, %cond3A_247 : i32
      scf.if %cond3A_248 {
        %add3A_292 = arith.constant 2 : i32
        %add3A_293 = arith.addi %add3A_210, %add3A_292 : i32
        %mul3A_294 = arith.constant 64 : i32
        %mul3A_295 = arith.muli %add3A_293, %mul3A_294 : i32
        %dma_start3A_296 = tpu.memref_slice %arg8[%mul3A_295] : memref<12800xi32, #tpu.memory_space<vmem>> -> memref<64xi32, #tpu.memory_space<vmem>>
        %dma_start3A_297 = arith.constant 0 : i32
        %dma_start3A_298 = arith.constant 0 : i32
        %dma_start3A_299 = tpu.memref_slice %arg19[%dma_start3A_297, %dma_start3A_298] : memref<5001x128xf32, #tpu.memory_space<vmem_shared>> -> memref<5001x128xf32, #tpu.memory_space<vmem_shared>>
        tpu.enqueue_indirect_dma source(%dma_start3A_299 : memref<5001x128xf32, #tpu.memory_space<vmem_shared>>) target(%arg15 : memref<64x128xf32, #tpu.memory_space<vmem>>) offsets(%dma_start3A_296 : memref<64xi32, #tpu.memory_space<vmem>>) semaphore(%arg24 : memref<!tpu.dma_semaphore, #tpu.memory_space<semaphore_mem>>)
      } else {
      }
      %mul3A_249 = arith.constant 4 : i32
      %mul3A_250 = arith.muli %scan3A_116, %mul3A_249 : i32
      %add3A_251 = arith.constant 3 : i32
      %add3A_252 = arith.addi %mul3A_250, %add3A_251 : i32
      %lt3A_253 = arith.constant 49 : i32
      %lt3A_254 = arith.cmpi slt, %scan3A_116, %lt3A_253 : i32
      %convert_element_type3A_255 = arith.extui %lt3A_254 : i1 to i32
      %cond3A_256 = arith.constant 0 : i32
      %cond3A_257 = arith.cmpi ne, %convert_element_type3A_255, %cond3A_256 : i32
      scf.if %cond3A_257 {
        %add3A_292 = arith.constant 3 : i32
        %add3A_293 = arith.addi %add3A_252, %add3A_292 : i32
        %mul3A_294 = arith.constant 64 : i32
        %mul3A_295 = arith.muli %add3A_293, %mul3A_294 : i32
        %add3A_296 = arith.addi %add3A_61, %mul3A_295 : i32
        %dma_start3A_297 = arith.constant 0 : i32
        %dma_start3A_298 = tpu.memref_slice %arg2[%add3A_296, %dma_start3A_297] : memref<819200x128xf32, #tpu.memory_space<hbm>> -> memref<64x128xf32, #tpu.memory_space<hbm>>
        %dma_start3A_299 = arith.constant 0 : i32
        %dma_start3A_300 = tpu.memref_slice %arg2[%add3A_296, %dma_start3A_299] : memref<819200x128xf32, #tpu.memory_space<hbm>> -> memref<64x128xf32, #tpu.memory_space<hbm>>
        tpu.enqueue_dma source(%dma_start3A_300 : memref<64x128xf32, #tpu.memory_space<hbm>>) target(%arg13 : memref<64x128xf32, #tpu.memory_space<vmem>>) target_semaphore(%arg22 : memref<!tpu.dma_semaphore, #tpu.memory_space<semaphore_mem>>)
      } else {
      }
      %dma_wait3A_258 = arith.constant 0 : i32
      %dma_wait3A_259 = arith.constant 0 : i32
      %dma_wait3A_260 = tpu.memref_slice %arg2[%dma_wait3A_258, %dma_wait3A_259] : memref<819200x128xf32, #tpu.memory_space<hbm>> -> memref<64x128xf32, #tpu.memory_space<hbm>>
      %dma_wait3A_261 = arith.constant 0 : i32
      %dma_wait3A_262 = arith.constant 0 : i32
      %dma_wait3A_263 = tpu.memref_slice %arg2[%dma_wait3A_261, %dma_wait3A_262] : memref<819200x128xf32, #tpu.memory_space<hbm>> -> memref<64x128xf32, #tpu.memory_space<hbm>>
      tpu.wait_dma2 semaphore(%arg23 : memref<!tpu.dma_semaphore, #tpu.memory_space<semaphore_mem>>) src(%dma_wait3A_263 : memref<64x128xf32, #tpu.memory_space<hbm>>) dst(%arg14 : memref<64x128xf32, #tpu.memory_space<vmem>>)
      %dma_wait3A_264 = arith.constant 0 : i32
      %dma_wait3A_265 = arith.constant 0 : i32
      %dma_wait3A_266 = tpu.memref_slice %arg5[%dma_wait3A_264, %dma_wait3A_265] : memref<5001x128xf32, #tpu.memory_space<hbm>> -> memref<64x128xf32, #tpu.memory_space<hbm>>
      %dma_wait3A_267 = arith.constant 0 : i32
      %dma_wait3A_268 = arith.constant 0 : i32
      %dma_wait3A_269 = tpu.memref_slice %arg5[%dma_wait3A_267, %dma_wait3A_268] : memref<5001x128xf32, #tpu.memory_space<hbm>> -> memref<64x128xf32, #tpu.memory_space<hbm>>
      tpu.wait_dma2 semaphore(%arg27 : memref<!tpu.dma_semaphore, #tpu.memory_space<semaphore_mem>>) src(%dma_wait3A_269 : memref<64x128xf32, #tpu.memory_space<hbm>>) dst(%arg18 : memref<64x128xf32, #tpu.memory_space<vmem>>)
      %parallel_loop3A_270 = arith.constant 0 : i32
      %parallel_loop3A_271 = arith.constant 64 : i32
      %parallel_loop3A_272 = arith.constant 1 : i32
      scf.for %parallel_loop3A_292 = %parallel_loop3A_270 to %parallel_loop3A_271 step %parallel_loop3A_272  : i32 {
        %parallel_loop3A_293 = arith.index_cast %parallel_loop3A_292 : i32 to index
        %parallel_loop3A_294 = arith.constant 0 : index
        %parallel_loop3A_295 = tpu.vector_load %arg14[%parallel_loop3A_293, %parallel_loop3A_294] {strides = array<i32>} : memref<64x128xf32, #tpu.memory_space<vmem>>, vector<1x16xf32>,
        %parallel_loop3A_296 = vector.shape_cast %parallel_loop3A_295 : vector<1x16xf32> to vector<16xf32>
        %parallel_loop3A_297 = vector.broadcast %squeeze3A : f32 to vector<16xf32>
        %parallel_loop3A_298 = arith.mulf %parallel_loop3A_296, %parallel_loop3A_297 : vector<16xf32>
        %parallel_loop3A_299 = arith.index_cast %parallel_loop3A_292 : i32 to index
        %parallel_loop3A_300 = arith.constant 0 : index
        %parallel_loop3A_301 = tpu.vector_load %arg18[%parallel_loop3A_299, %parallel_loop3A_300] {strides = array<i32>} : memref<64x128xf32, #tpu.memory_space<vmem>>, vector<1x16xf32>,
        %parallel_loop3A_302 = vector.shape_cast %parallel_loop3A_301 : vector<1x16xf32> to vector<16xf32>
        %parallel_loop3A_303 = vector.shape_cast %parallel_loop3A_298 : vector<16xf32> to vector<1x16xf32>
        tpu.vector_store %arg18[%parallel_loop3A_299, %parallel_loop3A_300], %parallel_loop3A_303 {add = true, strides = array<i32>} : memref<64x128xf32, #tpu.memory_space<vmem>>, vector<1x16xf32>,
        %parallel_loop3A_304 = arith.index_cast %parallel_loop3A_292 : i32 to index
        %parallel_loop3A_305 = arith.constant 16 : index
        %parallel_loop3A_306 = tpu.vector_load %arg14[%parallel_loop3A_304, %parallel_loop3A_305] {strides = array<i32>} : memref<64x128xf32, #tpu.memory_space<vmem>>, vector<1x16xf32>,
        %parallel_loop3A_307 = vector.shape_cast %parallel_loop3A_306 : vector<1x16xf32> to vector<16xf32>
        %parallel_loop3A_308 = vector.broadcast %squeeze3A : f32 to vector<16xf32>
        %parallel_loop3A_309 = arith.mulf %parallel_loop3A_307, %parallel_loop3A_308 : vector<16xf32>
        %parallel_loop3A_310 = arith.index_cast %parallel_loop3A_292 : i32 to index
        %parallel_loop3A_311 = arith.constant 16 : index
        %parallel_loop3A_312 = tpu.vector_load %arg18[%parallel_loop3A_310, %parallel_loop3A_311] {strides = array<i32>} : memref<64x128xf32, #tpu.memory_space<vmem>>, vector<1x16xf32>,
        %parallel_loop3A_313 = vector.shape_cast %parallel_loop3A_312 : vector<1x16xf32> to vector<16xf32>
        %parallel_loop3A_314 = vector.shape_cast %parallel_loop3A_309 : vector<16xf32> to vector<1x16xf32>
        tpu.vector_store %arg18[%parallel_loop3A_310, %parallel_loop3A_311], %parallel_loop3A_314 {add = true, strides = array<i32>} : memref<64x128xf32, #tpu.memory_space<vmem>>, vector<1x16xf32>,
        %parallel_loop3A_315 = arith.index_cast %parallel_loop3A_292 : i32 to index
        %parallel_loop3A_316 = arith.constant 32 : index
        %parallel_loop3A_317 = tpu.vector_load %arg14[%parallel_loop3A_315, %parallel_loop3A_316] {strides = array<i32>} : memref<64x128xf32, #tpu.memory_space<vmem>>, vector<1x16xf32>,
        %parallel_loop3A_318 = vector.shape_cast %parallel_loop3A_317 : vector<1x16xf32> to vector<16xf32>
        %parallel_loop3A_319 = vector.broadcast %squeeze3A : f32 to vector<16xf32>
        %parallel_loop3A_320 = arith.mulf %parallel_loop3A_318, %parallel_loop3A_319 : vector<16xf32>
        %parallel_loop3A_321 = arith.index_cast %parallel_loop3A_292 : i32 to index
        %parallel_loop3A_322 = arith.constant 32 : index
        %parallel_loop3A_323 = tpu.vector_load %arg18[%parallel_loop3A_321, %parallel_loop3A_322] {strides = array<i32>} : memref<64x128xf32, #tpu.memory_space<vmem>>, vector<1x16xf32>,
        %parallel_loop3A_324 = vector.shape_cast %parallel_loop3A_323 : vector<1x16xf32> to vector<16xf32>
        %parallel_loop3A_325 = vector.shape_cast %parallel_loop3A_320 : vector<16xf32> to vector<1x16xf32>
        tpu.vector_store %arg18[%parallel_loop3A_321, %parallel_loop3A_322], %parallel_loop3A_325 {add = true, strides = array<i32>} : memref<64x128xf32, #tpu.memory_space<vmem>>, vector<1x16xf32>,
        %parallel_loop3A_326 = arith.index_cast %parallel_loop3A_292 : i32 to index
        %parallel_loop3A_327 = arith.constant 48 : index
        %parallel_loop3A_328 = tpu.vector_load %arg14[%parallel_loop3A_326, %parallel_loop3A_327] {strides = array<i32>} : memref<64x128xf32, #tpu.memory_space<vmem>>, vector<1x16xf32>,
        %parallel_loop3A_329 = vector.shape_cast %parallel_loop3A_328 : vector<1x16xf32> to vector<16xf32>
        %parallel_loop3A_330 = vector.broadcast %squeeze3A : f32 to vector<16xf32>
        %parallel_loop3A_331 = arith.mulf %parallel_loop3A_329, %parallel_loop3A_330 : vector<16xf32>
        %parallel_loop3A_332 = arith.index_cast %parallel_loop3A_292 : i32 to index
        %parallel_loop3A_333 = arith.constant 48 : index
        %parallel_loop3A_334 = tpu.vector_load %arg18[%parallel_loop3A_332, %parallel_loop3A_333] {strides = array<i32>} : memref<64x128xf32, #tpu.memory_space<vmem>>, vector<1x16xf32>,
        %parallel_loop3A_335 = vector.shape_cast %parallel_loop3A_334 : vector<1x16xf32> to vector<16xf32>
        %parallel_loop3A_336 = vector.shape_cast %parallel_loop3A_331 : vector<16xf32> to vector<1x16xf32>
        tpu.vector_store %arg18[%parallel_loop3A_332, %parallel_loop3A_333], %parallel_loop3A_336 {add = true, strides = array<i32>} : memref<64x128xf32, #tpu.memory_space<vmem>>, vector<1x16xf32>,
        %parallel_loop3A_337 = arith.index_cast %parallel_loop3A_292 : i32 to index
        %parallel_loop3A_338 = arith.constant 64 : index
        %parallel_loop3A_339 = tpu.vector_load %arg14[%parallel_loop3A_337, %parallel_loop3A_338] {strides = array<i32>} : memref<64x128xf32, #tpu.memory_space<vmem>>, vector<1x16xf32>,
        %parallel_loop3A_340 = vector.shape_cast %parallel_loop3A_339 : vector<1x16xf32> to vector<16xf32>
        %parallel_loop3A_341 = vector.broadcast %squeeze3A : f32 to vector<16xf32>
        %parallel_loop3A_342 = arith.mulf %parallel_loop3A_340, %parallel_loop3A_341 : vector<16xf32>
        %parallel_loop3A_343 = arith.index_cast %parallel_loop3A_292 : i32 to index
        %parallel_loop3A_344 = arith.constant 64 : index
        %parallel_loop3A_345 = tpu.vector_load %arg18[%parallel_loop3A_343, %parallel_loop3A_344] {strides = array<i32>} : memref<64x128xf32, #tpu.memory_space<vmem>>, vector<1x16xf32>,
        %parallel_loop3A_346 = vector.shape_cast %parallel_loop3A_345 : vector<1x16xf32> to vector<16xf32>
        %parallel_loop3A_347 = vector.shape_cast %parallel_loop3A_342 : vector<16xf32> to vector<1x16xf32>
        tpu.vector_store %arg18[%parallel_loop3A_343, %parallel_loop3A_344], %parallel_loop3A_347 {add = true, strides = array<i32>} : memref<64x128xf32, #tpu.memory_space<vmem>>, vector<1x16xf32>,
        %parallel_loop3A_348 = arith.index_cast %parallel_loop3A_292 : i32 to index
        %parallel_loop3A_349 = arith.constant 80 : index
        %parallel_loop3A_350 = tpu.vector_load %arg14[%parallel_loop3A_348, %parallel_loop3A_349] {strides = array<i32>} : memref<64x128xf32, #tpu.memory_space<vmem>>, vector<1x16xf32>,
        %parallel_loop3A_351 = vector.shape_cast %parallel_loop3A_350 : vector<1x16xf32> to vector<16xf32>
        %parallel_loop3A_352 = vector.broadcast %squeeze3A : f32 to vector<16xf32>
        %parallel_loop3A_353 = arith.mulf %parallel_loop3A_351, %parallel_loop3A_352 : vector<16xf32>
        %parallel_loop3A_354 = arith.index_cast %parallel_loop3A_292 : i32 to index
        %parallel_loop3A_355 = arith.constant 80 : index
        %parallel_loop3A_356 = tpu.vector_load %arg18[%parallel_loop3A_354, %parallel_loop3A_355] {strides = array<i32>} : memref<64x128xf32, #tpu.memory_space<vmem>>, vector<1x16xf32>,
        %parallel_loop3A_357 = vector.shape_cast %parallel_loop3A_356 : vector<1x16xf32> to vector<16xf32>
        %parallel_loop3A_358 = vector.shape_cast %parallel_loop3A_353 : vector<16xf32> to vector<1x16xf32>
        tpu.vector_store %arg18[%parallel_loop3A_354, %parallel_loop3A_355], %parallel_loop3A_358 {add = true, strides = array<i32>} : memref<64x128xf32, #tpu.memory_space<vmem>>, vector<1x16xf32>,
        %parallel_loop3A_359 = arith.index_cast %parallel_loop3A_292 : i32 to index
        %parallel_loop3A_360 = arith.constant 96 : index
        %parallel_loop3A_361 = tpu.vector_load %arg14[%parallel_loop3A_359, %parallel_loop3A_360] {strides = array<i32>} : memref<64x128xf32, #tpu.memory_space<vmem>>, vector<1x16xf32>,
        %parallel_loop3A_362 = vector.shape_cast %parallel_loop3A_361 : vector<1x16xf32> to vector<16xf32>
        %parallel_loop3A_363 = vector.broadcast %squeeze3A : f32 to vector<16xf32>
        %parallel_loop3A_364 = arith.mulf %parallel_loop3A_362, %parallel_loop3A_363 : vector<16xf32>
        %parallel_loop3A_365 = arith.index_cast %parallel_loop3A_292 : i32 to index
        %parallel_loop3A_366 = arith.constant 96 : index
        %parallel_loop3A_367 = tpu.vector_load %arg18[%parallel_loop3A_365, %parallel_loop3A_366] {strides = array<i32>} : memref<64x128xf32, #tpu.memory_space<vmem>>, vector<1x16xf32>,
        %parallel_loop3A_368 = vector.shape_cast %parallel_loop3A_367 : vector<1x16xf32> to vector<16xf32>
        %parallel_loop3A_369 = vector.shape_cast %parallel_loop3A_364 : vector<16xf32> to vector<1x16xf32>
        tpu.vector_store %arg18[%parallel_loop3A_365, %parallel_loop3A_366], %parallel_loop3A_369 {add = true, strides = array<i32>} : memref<64x128xf32, #tpu.memory_space<vmem>>, vector<1x16xf32>,
        %parallel_loop3A_370 = arith.index_cast %parallel_loop3A_292 : i32 to index
        %parallel_loop3A_371 = arith.constant 112 : index
        %parallel_loop3A_372 = tpu.vector_load %arg14[%parallel_loop3A_370, %parallel_loop3A_371] {strides = array<i32>} : memref<64x128xf32, #tpu.memory_space<vmem>>, vector<1x16xf32>,
        %parallel_loop3A_373 = vector.shape_cast %parallel_loop3A_372 : vector<1x16xf32> to vector<16xf32>
        %parallel_loop3A_374 = vector.broadcast %squeeze3A : f32 to vector<16xf32>
        %parallel_loop3A_375 = arith.mulf %parallel_loop3A_373, %parallel_loop3A_374 : vector<16xf32>
        %parallel_loop3A_376 = arith.index_cast %parallel_loop3A_292 : i32 to index
        %parallel_loop3A_377 = arith.constant 112 : index
        %parallel_loop3A_378 = tpu.vector_load %arg18[%parallel_loop3A_376, %parallel_loop3A_377] {strides = array<i32>} : memref<64x128xf32, #tpu.memory_space<vmem>>, vector<1x16xf32>,
        %parallel_loop3A_379 = vector.shape_cast %parallel_loop3A_378 : vector<1x16xf32> to vector<16xf32>
        %parallel_loop3A_380 = vector.shape_cast %parallel_loop3A_375 : vector<16xf32> to vector<1x16xf32>
        tpu.vector_store %arg18[%parallel_loop3A_376, %parallel_loop3A_377], %parallel_loop3A_380 {add = true, strides = array<i32>} : memref<64x128xf32, #tpu.memory_space<vmem>>, vector<1x16xf32>,
      } {sc.loop_unroll_factor = 4 : i64, sc.parallel_access}
      %mul3A_273 = arith.constant 64 : i32
      %mul3A_274 = arith.muli %add3A_252, %mul3A_273 : i32
      %add3A_275 = arith.addi %add3A_61, %mul3A_274 : i32
      %dma_start3A_276 = arith.constant 0 : i32
      %dma_start3A_277 = tpu.memref_slice %arg7[%add3A_275, %dma_start3A_276] : memref<819200x128xf32, #tpu.memory_space<hbm>> -> memref<64x128xf32, #tpu.memory_space<hbm>>
      %dma_start3A_278 = arith.constant 0 : i32
      %dma_start3A_279 = tpu.memref_slice %arg7[%add3A_275, %dma_start3A_278] : memref<819200x128xf32, #tpu.memory_space<hbm>> -> memref<64x128xf32, #tpu.memory_space<hbm>>
      tpu.enqueue_dma source(%arg18 : memref<64x128xf32, #tpu.memory_space<vmem>>) target(%dma_start3A_279 : memref<64x128xf32, #tpu.memory_space<hbm>>) target_semaphore(%arg31 : memref<!tpu.dma_semaphore, #tpu.memory_space<semaphore_mem>>)
      %dma_wait3A_280 = arith.constant 0 : i32
      %dma_wait3A_281 = arith.constant 0 : i32
      %dma_wait3A_282 = tpu.memref_slice %arg2[%dma_wait3A_280, %dma_wait3A_281] : memref<819200x128xf32, #tpu.memory_space<hbm>> -> memref<64x128xf32, #tpu.memory_space<hbm>>
      %dma_wait3A_283 = arith.constant 0 : i32
      %dma_wait3A_284 = arith.constant 0 : i32
      %dma_wait3A_285 = tpu.memref_slice %arg2[%dma_wait3A_283, %dma_wait3A_284] : memref<819200x128xf32, #tpu.memory_space<hbm>> -> memref<64x128xf32, #tpu.memory_space<hbm>>
      tpu.wait_dma2 semaphore(%arg29 : memref<!tpu.dma_semaphore, #tpu.memory_space<semaphore_mem>>) src(%dma_wait3A_285 : memref<64x128xf32, #tpu.memory_space<hbm>>) dst(%arg16 : memref<64x128xf32, #tpu.memory_space<vmem>>)
      %lt3A_286 = arith.constant 49 : i32
      %lt3A_287 = arith.cmpi slt, %scan3A_116, %lt3A_286 : i32
      %convert_element_type3A_288 = arith.extui %lt3A_287 : i1 to i32
      %cond3A_289 = arith.constant 0 : i32
      %cond3A_290 = arith.cmpi ne, %convert_element_type3A_288, %cond3A_289 : i32
      scf.if %cond3A_290 {
        %add3A_292 = arith.constant 2 : i32
        %add3A_293 = arith.addi %add3A_252, %add3A_292 : i32
        %mul3A_294 = arith.constant 64 : i32
        %mul3A_295 = arith.muli %add3A_293, %mul3A_294 : i32
        %dma_start3A_296 = tpu.memref_slice %arg8[%mul3A_295] : memref<12800xi32, #tpu.memory_space<vmem>> -> memref<64xi32, #tpu.memory_space<vmem>>
        %dma_start3A_297 = arith.constant 0 : i32
        %dma_start3A_298 = arith.constant 0 : i32
        %dma_start3A_299 = tpu.memref_slice %arg19[%dma_start3A_297, %dma_start3A_298] : memref<5001x128xf32, #tpu.memory_space<vmem_shared>> -> memref<5001x128xf32, #tpu.memory_space<vmem_shared>>
        tpu.enqueue_indirect_dma source(%dma_start3A_299 : memref<5001x128xf32, #tpu.memory_space<vmem_shared>>) target(%arg16 : memref<64x128xf32, #tpu.memory_space<vmem>>) offsets(%dma_start3A_296 : memref<64xi32, #tpu.memory_space<vmem>>) semaphore(%arg25 : memref<!tpu.dma_semaphore, #tpu.memory_space<semaphore_mem>>)
      } else {
      }
      %scan3A_291 = arith.constant 0 : i32
      scf.yield %scan3A_291 : i32
    }
    %scan3A_103 = arith.constant 50 : i32
    %dma_wait3A_104 = arith.constant 0 : i32
    %dma_wait3A_105 = arith.constant 0 : i32
    %dma_wait3A_106 = tpu.memref_slice %arg2[%dma_wait3A_104, %dma_wait3A_105] : memref<819200x128xf32, #tpu.memory_space<hbm>> -> memref<64x128xf32, #tpu.memory_space<hbm>>
    %dma_wait3A_107 = arith.constant 0 : i32
    %dma_wait3A_108 = arith.constant 0 : i32
    %dma_wait3A_109 = tpu.memref_slice %arg2[%dma_wait3A_107, %dma_wait3A_108] : memref<819200x128xf32, #tpu.memory_space<hbm>> -> memref<64x128xf32, #tpu.memory_space<hbm>>
    tpu.wait_dma2 semaphore(%arg30 : memref<!tpu.dma_semaphore, #tpu.memory_space<semaphore_mem>>) src(%dma_wait3A_109 : memref<64x128xf32, #tpu.memory_space<hbm>>) dst(%arg17 : memref<64x128xf32, #tpu.memory_space<vmem>>)
    %dma_wait3A_110 = arith.constant 0 : i32
    %dma_wait3A_111 = arith.constant 0 : i32
    %dma_wait3A_112 = tpu.memref_slice %arg2[%dma_wait3A_110, %dma_wait3A_111] : memref<819200x128xf32, #tpu.memory_space<hbm>> -> memref<64x128xf32, #tpu.memory_space<hbm>>
    %dma_wait3A_113 = arith.constant 0 : i32
    %dma_wait3A_114 = arith.constant 0 : i32
    %dma_wait3A_115 = tpu.memref_slice %arg2[%dma_wait3A_113, %dma_wait3A_114] : memref<819200x128xf32, #tpu.memory_space<hbm>> -> memref<64x128xf32, #tpu.memory_space<hbm>>
    tpu.wait_dma2 semaphore(%arg31 : memref<!tpu.dma_semaphore, #tpu.memory_space<semaphore_mem>>) src(%dma_wait3A_115 : memref<64x128xf32, #tpu.memory_space<hbm>>) dst(%arg18 : memref<64x128xf32, #tpu.memory_space<vmem>>)
    return
  }
}

</mosaic_0001>

<sc_bundles>
// kernel: kernel.3.cloned.1.call-start
scs
__scs_entry_jumppad:
0x0: {  	(pc) =	sbr.rel $0x88, $3  }
0x1: {  	(tag) =	ssettag $0x0;
	lr =	simm.s32 $0x1  }
0x2: {  	[smem:$0x3F9D] =	sst lr;
	_ =	strace $0xD0000000  }
0x3: {  	_ = 	snop  }
0x4: {  	_ = 	snop  }
0x5: {  	_ = 	snop  }
0x6: {  	_ = 	snop  }
0x7: {  	_ = 	snop  }
__scs_overlays_trampoline_lowered:
0x8: {  	[smem:$0x3FAC] =	sst s0  }
0x9: {  	[smem:$0x3FAD] =	sst s1  }
0xa: {  	[smem:$0x3FAE] =	sst s2  }
0xb: {  	[smem:$0x3FAF] =	sst s3  }
0xc: {  	[smem:$0x3FB0] =	sst s4  }
0xd: {  	[smem:$0x3FB1] =	sst s5  }
0xe: {  	[smem:$0x3FB2] =	sst s6  }
0xf: {  	[smem:$0x3FB3] =	sst s7  }
0x10: {  	[smem:$0x3FB4] =	sst s8  }
0x11: {  	[smem:$0x3FB5] =	sst s9;
	s0 =	simm.s32 @!p0 $0x0  }
0x12: {  	s1 =	sld [smem:$0x3F9B];
	s0 =	simm.s32 @p0 $0x1  }
0x13: {  	[smem:$0x3FB6] =	sst s0;
	s0 =	simm.s32 @!p1 $0x0  }
0x14: {  	s2 =	sld [smem:$0x3F9A];
	s0 =	simm.s32 @p1 $0x1  }
0x15: {  	[smem:$0x3FB7] =	sst s0;
	s0 =	simm.s32 @!p2 $0x0  }
0x16: {  	s3 =	sld [smem:$0x3FDB];
	s0 =	simm.s32 @p2 $0x1  }
0x17: {  	s4 =	simm.s32 $0x1BF5;
	[smem:$0x3FB9] =	sst s0  }
0x18: {  	s0 =	sld [smem:$0x3F9C];
	_ =	swait.ge [sflag:s4], $0x0  }
0x19: {  	s7 =	sld [smem:$0x3F9D]  }
0x1a: {  	s8 =	sadd.s32 $0xFFFFE003, lr  }
0x1b: {  	s9 =	sadd.s32 $0xFFFFFEF7, lr;
	s5 =	simm.s32 $0xFFFFFFFF;
	p2 =	slt.u32 s8, $0xFFFFF086  }
0x1c: {  	p1 =	slt.u32 s9, $0xF7A;
	s5 =	simm.s32 @!p2 $0x0  }
0x1d: {  	s5 =	simm.s32 @p1 $0x1;
	p0 =	seq.s32 s7, s2  }
0x1e: {  	s7 =	smul.u32 @!p0 $0xF7A, s2;
	p2 =	seq.s32 @!p0 s5, $0x0  }
0x1f: {  	s9 =	smul.u32 $0xF7A, s1;
	s8 =	simm.s32 @!p0 $0x1BF5;
	p2 =	por !p2, p0  }
0x20: {  	[sflag:s8] =	ssyncset.s32 @!p0 $0xFFFFF086;
	s6 =	sadd.s32 @!p0 s3, s7;
	s7 =	simm.s32 @!p0 $0x108  }
0x21: {  	s3 =	sadd.s32 s3, s9;
	s6 =	sadd.s32 @!p0 $0x88, s6;
	s7 =	simm.s32 @p2 $0x1082  }
0x22: {  	[simem:s7], [sflag:s8] =	dma.local @!p0 [hbm:s6], $0xF7A  }
0x23: {  	s9 =	sor.u32 $0xD0000000, s2;
	s6 =	simm.s32 $0x108;
	_ =	swait.ge @!p0 [sflag:s8], $0x0  }
0x24: {  	s3 =	sadd.s32 $0x88, s3;
	s6 =	simm.s32 @!p1 $0x1082;
	[sflag:s4] =	ssyncset.s32 $0xFFFFF086  }
0x25: {  	[simem:s6], [sflag:s4] =	dma.local [hbm:s3], $0xF7A  }
0x26: {  	[smem:$0x3F9D] =	sst s1;
	(tag) =	ssettag s2;
	_ =	strace s9  }
0x27: {  	s1 =	sld [smem:$0x3FAD]  }
0x28: {  	s2 =	sld [smem:$0x3FAE]  }
0x29: {  	s4 =	sld [smem:$0x3FB0]  }
0x2a: {  	p0 =	seq.s32 s5, $0x0;
	s5 =	sld [smem:$0x3FB1]  }
0x2b: {  	s6 =	sld [smem:$0x3FB2]  }
0x2c: {  	s7 =	sld [smem:$0x3FB3]  }
0x2d: {  	s3 =	simm.s32 $0x108;
	s8 =	sld [smem:$0x3FB4]  }
0x2e: {  	s3 =	simm.s32 @!p0 $0x1082;
	s9 =	sld [smem:$0x3FB5]  }
0x2f: {  	lr =	sadd.s32 s0, s3;
	s0 =	sld [smem:$0x3FAC]  }
0x30: {  	s3 =	sld [smem:$0x3FAF]  }
0x31: {  	[smem:$0x3FB8] =	sst s10  }
0x32: {  	s10 =	sld [smem:$0x3FB6];
	_ =	sdelay $0x3  }
0x33: {  	p0 =	seq.s32 s10, $0x1;
	s10 =	sld [smem:$0x3FB8];
	_ =	sdelay $0x3  }
0x34: {  	[smem:$0x3FB8] =	sst s10  }
0x35: {  	s10 =	sld [smem:$0x3FB7];
	_ =	sdelay $0x3  }
0x36: {  	p1 =	seq.s32 s10, $0x1;
	s10 =	sld [smem:$0x3FB8];
	_ =	sdelay $0x3  }
0x37: {  	[smem:$0x3FB8] =	sst s10  }
0x38: {  	s10 =	sld [smem:$0x3FB9]  }
0x39: {  	_ = 	snop;
	(pc) =	sbr.ind lr, $3  }
0x3a: {  	_ = 	snop  }
0x3b: {  	_ = 	snop  }
0x3c: {  	p2 =	seq.s32 s10, $0x1;
	s10 =	sld [smem:$0x3FB8]  }
0x3d: {  	_ =	shalt  }
0x3e: {  	_ =	shalt  }
0x3f: {  	_ =	shalt  }
0x40: {  	_ =	shalt  }
0x41: {  	_ =	shalt  }
0x42: {  	_ =	shalt  }
0x43: {  	_ =	shalt  }
0x44: {  	_ =	shalt  }
0x45: {  	_ =	shalt  }
0x46: {  	_ =	shalt  }
0x47: {  	_ =	shalt  }
0x48: {  	_ =	shalt  }
0x49: {  	_ =	shalt  }
0x4a: {  	_ =	shalt  }
0x4b: {  	_ =	shalt  }
0x4c: {  	_ =	shalt  }
0x4d: {  	_ =	shalt  }
0x4e: {  	_ =	shalt  }
0x4f: {  	_ =	shalt  }
0x50: {  	_ =	shalt  }
0x51: {  	_ =	shalt  }
0x52: {  	_ =	shalt  }
0x53: {  	_ =	shalt  }
0x54: {  	_ =	shalt  }
0x55: {  	_ =	shalt  }
0x56: {  	_ =	shalt  }
0x57: {  	_ =	shalt  }
0x58: {  	_ =	shalt  }
0x59: {  	_ =	shalt  }
0x5a: {  	_ =	shalt  }
0x5b: {  	_ =	shalt  }
0x5c: {  	_ =	shalt  }
0x5d: {  	_ =	shalt  }
0x5e: {  	_ =	shalt  }
0x5f: {  	_ =	shalt  }
0x60: {  	_ =	shalt  }
0x61: {  	_ =	shalt  }
0x62: {  	_ =	shalt  }
0x63: {  	_ =	shalt  }
0x64: {  	_ =	shalt  }
0x65: {  	_ =	shalt  }
0x66: {  	_ =	shalt  }
0x67: {  	_ =	shalt  }
0x68: {  	_ =	shalt  }
0x69: {  	_ =	shalt  }
0x6a: {  	_ =	shalt  }
0x6b: {  	_ =	shalt  }
0x6c: {  	_ =	shalt  }
0x6d: {  	_ =	shalt  }
0x6e: {  	_ =	shalt  }
0x6f: {  	_ =	shalt  }
0x70: {  	_ =	shalt  }
0x71: {  	_ =	shalt  }
0x72: {  	_ =	shalt  }
0x73: {  	_ =	shalt  }
0x74: {  	_ =	shalt  }
0x75: {  	_ =	shalt  }
0x76: {  	_ =	shalt  }
0x77: {  	_ =	shalt  }
0x78: {  	_ =	shalt  }
0x79: {  	_ =	shalt  }
0x7a: {  	_ =	shalt  }
0x7b: {  	_ =	shalt  }
0x7c: {  	_ =	shalt  }
0x7d: {  	_ =	shalt  }
0x7e: {  	_ =	shalt  }
0x7f: {  	_ =	shalt  }
0x80: {  	_ =	shalt  }
0x81: {  	_ =	shalt  }
0x82: {  	_ =	shalt  }
0x83: {  	_ =	shalt  }
0x84: {  	_ =	shalt  }
0x85: {  	_ =	shalt  }
0x86: {  	_ =	shalt  }
0x87: {  	_ =	shalt  }
.Lfunc_end0:
.L_simem_size_0:
called_computation_lowered:
.L_overlay_start_0:
0x88: {  	s2 =	sld [smem:$0x3FD9]  }
0x89: {  	s3 =	sld [smem:$0x3FFE];
	_ =	sdelay $0x1  }
0x8a: {  	s1 =	srdreg.scid  }
0x8b: {  	s0 =	sand.u32 $0x1, s1  }
0x8c: {  	s17 =	sshll.u32 s0, $0xA;
	s2 =	sadd.s32 s3, s2  }
0x8d: {  	s2 =	sadd.s32 s2, s17  }
0x8e: {  	[smem:$0x3FC4] =	sst s2  }
0x8f: {  	_ = 	snop  }
0x90: {  	s2 =	sld [smem:$0x3FC9]  }
0x91: {  	s18 =	sld [smem:$0x3FC6]  }
0x92: {  	s4 =	sld [smem:$0x3FD0];
	(tm) =	ssettm $0x1  }
0x93: {  	s5 =	sld [smem:$0x3FFB];
	_ =	sdelay $0x3  }
0x94: {  	_ =	strace s5  }
0x95: {  	s5 =	sld [smem:$0x3FFC];
	_ =	sdelay $0x3  }
0x96: {  	_ =	strace s5  }
0x97: {  	s5 =	sld [smem:$0x3FFD];
	_ =	sdelay $0x3  }
0x98: {  	_ =	strace s5  }
0x99: {  	_ =	strace $0x8FFFFFFF  }
0x9a: {  	s19 =	sld [smem:$0x3FDB];
	_ =	sdelay $0x1  }
0x9b: {  	s6 =	simm.s32 $_scs_section_size  }
0x9c: {  	s7 =	simm.s32 $_size__tile_overlayer_lowered;
	s8 =	simm.s32 $_tile_overlayer_lowered  }
0x9d: {  	s22 =	simm.s32 $0x1BFF;
	s21 =	sshll.u32 s8, $0x1;
	s5 =	sadd.s32 s6, s19  }
0x9e: {  	s9 =	simm.s32 $0x0;
	s20 =	sshll.u32 s7, $0x1;
	s7 =	sadd.s32 s21, s5  }
0x9f: {  	[timem:s9], [sflag:s22] =	dma.local [hbm:s7], s20  }
0xa0: {  	_ =	swait.ge [sflag:s22], s20  }
0xa1: {  	s6 =	ssub.s32 $0x0, s20;
	[sflag:s22] =	ssyncset.done $0x0  }
0xa2: {  	[sflag:s22] =	ssyncadd.s32 s6;
	_ =	sdelay $0x1  }
0xa3: {  	s23 =	simm.s32 $0x1B8B  }
0xa4: {  	_ =	swait.ge [sflag:s23], $0x1  }
0xa5: {  	[sflag:s23] =	ssyncset.done $0x0  }
0xa6: {  	s25 =	simm.s32 $0x1B8E;
	s24 =	sld [smem:$0x3FFE];
	[sflag:s23] =	ssyncadd.s32 $0xFFFFFFFF  }
0xa7: {  	s26 =	simm.s32 $execute0_lowered;
	[smem:$0x3FD2] =	sst s25  }
0xa8: {  	s7 =	sshll.u32 s26, $0x1;
	_ =	strace $0x80000046;
	[dreg:$0x1] =	wrdreg $0xFFFFFFFF  }
0xa9: {  	s28 =	simm.s32 $_size_execute0_lowered;
	s5 =	sadd.s32 s5, s7;
	[dreg:$0x0] =	wrdreg $0x0  }
0xaa: {  	s7 =	sshll.u32 s28, $0x1;
	[dreg:$0x2] =	wrdreg s5  }
0xab: {  	[dreg:$0x3] =	wrdreg s7  }
0xac: {  	[dreg:$0x4] =	wrdreg $0xC0  }
0xad: {  	_ =	task [dreg:s9], $0x5FFFF  }
0xae: {  	[dreg:$0x1] =	wrdreg $0xFFFFFFFF  }
0xaf: {  	[dreg:$0x0] =	wrdreg $0x60  }
0xb0: {  	[dreg:$0x2] =	wrdreg s2  }
0xb1: {  	[dreg:$0x3] =	wrdreg s24  }
0xb2: {  	[dreg:$0x4] =	wrdreg s18  }
0xb3: {  	[dreg:$0x5] =	wrdreg s4  }
0xb4: {  	[dreg:$0x6] =	wrdreg $0x13C000  }
0xb5: {  	[dreg:$0x7] =	wrdreg $0x9  }
0xb6: {  	_ =	task.clear_ibuf [dreg:s9], $0x8FFFF;
	_ =	strace $0x90000046  }
0xb7: {  	s29 =	simm.s32 $0x9;
	_ =	strace $0x80000048  }
0xb8: {  	_ =	swait.ge [sflag:s29], $0x1  }
0xb9: {  	[sflag:s29] =	ssyncadd.s32 $0xFFFFFFFF  }
0xba: {  	_ =	strace $0x90000048  }
0xbb: {  	_ =	sfence  }
0xbc: {  	s30 =	sld [smem:$0x0];
	_ =	sdelay $0x2  }
0xbd: {  	s31 =	sshll.u32 s1, $0xD;
	s1 =	sshrl.u32 s1, $0x2  }
0xbe: {  	s3 =	sand.u32 $0x4000, s31;
	s1 =	sadd.s32 s1, s30  }
0xbf: {  	s0 =	sor.u32 s3, s0;
	s1 =	sshll.u32 s1, $0x11  }
0xc0: {  	s0 =	sor.u32 s1, s0  }
0xc1: {  	s0 =	sadd.s32 $0x8F2B, s0  }
0xc2: {  	[sflag:s0] =	ssyncadd.remote.s32 $0x1  }
0xc3: {  	_ =	sfence.sel $0xFFFF  }
0xc4: {  	[dreg:$0x0] =	wrdreg $0xFFFFFFFF;
	(pc) =	sbr.abs _section_cstart, $3  }
0xc5: {  	[dreg:$0x1] =	wrdreg $0xFFFFFFFF  }
0xc6: {  	_ =	task.clear_ibuf [dreg:s9], $0x2FFFF;
	_ =	strace $0x9FFFFFFF  }
0xc7: {  	(tm) =	ssettm $0x7FFFFFFF  }
tec
execute0_lowered:
.L_overlay_start_1:
0x0: {  	(tag) =	ssettag $0x1  }
0x1: {  	s1 =	rddreg [dreg:$0x0]  }
0x2: {  	s0 =	rddreg [dreg:$0x1]  }
0x3: {  	s2 =	srdreg.scid;
	s6 =	stileid.u32  }
0x4: {  	s3 =	rddreg [dreg:$0x3];
	s2 =	sand.u32 $0x1, s2;
	s7 =	sshll.u32 s6, $0x1  }
0x5: {  	s4 =	rddreg [dreg:$0x4];
	s5 =	simm.s32 $0x0;
	s7 =	sor.u32 s2, s7  }
0x6: {  	[smem:$0x7FF] =	sst s5;
	s14 =	sadd.s32 $0x600, s0;
	s8 =	smul.u32 $0x64000, s7  }
0x7: {  	s29 =	sadd.s32 $0x19600, s0;
	s0 =	sadd.s32 $0x32600, s0;
	s9 =	smul.u32 $0x6400, s7  }
0x8: {  	_ =	strace $0x80000047;
	[dreg:$0x6] =	wrdreg s0;
	s11 =	smul.u32 $0x320000, s7  }
0x9: {  	s30 =	simm.s32 $0xD;
	s10 =	simm.s32 $0x6;
	[dreg:$0x7] =	wrdreg s9  }
0xa: {  	p0 =	sne.s32 s6, $0x0;
	s8 =	sadd.s32 s1, s8;
	[dreg:$0xa] =	wrdreg s11  }
0xb: {  	s12 =	ssub.s32 $0x2, s2;
	s16 =	sor.u32 $0x100, s9;
	[dreg:$0x8] =	wrdreg s8  }
0xc: {  	s2 =	sshrl.u32 s12, $0x1;
	s17 =	sor.u32 $0x140, s9;
	[dreg:$0xc] =	wrdreg s16  }
0xd: {  	s7 =	simm.s32 $0x0;
	s19 =	sor.u32 $0x180, s9;
	[dreg:$0xe] =	wrdreg s17  }
0xe: {  	s0 =	ssub.s32 s12, s2;
	s25 =	sadd.s32 $0x3300, s9;
	[dreg:$0xf] =	wrdreg s19  }
0xf: {  	s12 =	simm.s32 $0x9;
	s26 =	sadd.s32 $0x3240, s9;
	[dreg:$0x14] =	wrdreg s25  }
0x10: {  	s21 =	sor.u32 $0x40, s9;
	s0 =	smax.u32 s0, $0x1;
	[dreg:$0x15] =	wrdreg s26  }
0x11: {  	s18 =	sshrl.u32 s11, $0x3;
	s28 =	sadd.s32 $0x3340, s9;
	[dreg:$0x16] =	wrdreg s0  }
0x12: {  	s31 =	sadd.s32 $0x3380, s9;
	s13 =	sadd.s32 $0x400, s8;
	[dreg:$0x17] =	wrdreg s28  }
0x13: {  	s15 =	sadd.s32 $0x800, s8;
	s17 =	sadd.s32 $0x3200, s9;
	[dreg:$0x18] =	wrdreg s31  }
0x14: {  	s2 =	sadd.s32 s1, s18;
	s19 =	simm.s32 $0x1;
	[dreg:$0xd] =	wrdreg s21  }
0x15: {  	s25 =	simm.s32 $0x2;
	s16 =	simm.s32 $0x8;
	[dreg:$0x9] =	wrdreg s13  }
0x16: {  	s18 =	simm.s32 $0xA;
	[dreg:$0xb] =	wrdreg s15;
	s23 =	sadd.s32 $0x32400, s2  }
0x17: {  	s20 =	sshll.u32 s17, $0x4;
	s2 =	sadd.s32 $0x32800, s2;
	[dreg:$0x11] =	wrdreg s23  }
0x18: {  	s15 =	simm.s32 $0x4;
	s22 =	sadd.s32 s1, s20;
	[dreg:$0x12] =	wrdreg s2  }
0x19: {  	s24 =	sadd.s32 s3, s20;
	s20 =	simm.s32 $0x5;
	[dreg:$0x10] =	wrdreg s22  }
0x1a: {  	s23 =	simm.s32 $0x3;
	s2 =	simm.s32 $0x7;
	[dreg:$0x13] =	wrdreg s24  }
.LBB2_1:
0x1b: {  	[dreg:$0x19] =	wrdreg s7  }
0x1c: {  	s0 =	rddreg [dreg:$0x6];
	s6 =	simm.s32 $0x1D848  }
0x1d: {  	[tilespmem:s6], [sflag:$0xD] =	stream.linear.gather [hbm4b:s0+s5], $0x1, $0x38;
	[tilespmem:$0x1D8C8] =	vst v63  }
0x1e: {  	_ =	swait.ge [sflag:s30], $0x1  }
0x1f: {  	[sflag:s30] =	ssyncset.done $0x0  }
0x20: {  	[sflag:s30] =	ssyncadd.s32 $0xFFFFFFFF  }
0x21: {  	s0 =	sshrl.u32 @!p0 s4, $0x3;
	s6 =	simm.s32 @!p0 $0x1C0D;
	s7 =	rddreg [dreg:$0x2]  }
0x22: {  	v0 =	vld [tilespmem:$0x1D848];
	[spmem:s0], [sflag:s6] =	dma.local @!p0 [hbm:s7], $0x13890  }
0x23: {  	s0 =	simm.s32 @!p0 $0xD  }
0x24: {  	_ =	swait.ge @!p0 [sflag:s0], $0x13890  }
0x25: {  	[sflag:s0] =	ssyncset.done @!p0 $0x0  }
0x26: {  	[sflag:s0] =	ssyncadd.s32 @!p0 $0xFFFEC770  }
0x27: {  	s8 =	simm.s32 $0x0;
	s0 =	simm.s32 $0x0;
	[bflag:$0x0] =	sbarrier.arrive $0xFFFF  }
.LBB2_2:
0x28: {  	s6 =	smul.u32 $0x500, s8;
	_ =	sdelay $0x1  }
0x29: {  	s6 =	sadd.s32 s9, s6  }
0x2a: {  	s6 =	sshrl.u32 s6, $0x3  }
0x2b: {  	s11 =	simm.s32 $0x0;
	s13 =	simm.s32 $0x3200;
	s7 =	sadd.s32 s29, s6  }
0x2c: {  	[tilespmem:s13], [sflag:$0xD] =	stream.linear.gather [hbm4b:s7+s11], $0x500, $0x38;
	[tilespmem:$0x1D8C8] =	vst v63  }
0x2d: {  	_ =	swait.ge [sflag:s30], $0x500  }
0x2e: {  	[sflag:s30] =	ssyncset.done $0x0  }
0x2f: {  	s21 =	simm.s32 $0x3700;
	s6 =	sadd.s32 s14, s6;
	[sflag:s30] =	ssyncadd.s32 $0xFFFFFB00  }
0x30: {  	[tilespmem:s21], [sflag:$0xD] =	stream.linear.gather [hbm4b:s6+s11], $0x500, $0x38;
	[tilespmem:$0x1D8C8] =	vst v63  }
0x31: {  	_ =	swait.ge [sflag:s30], $0x500  }
0x32: {  	[sflag:s30] =	ssyncset.done $0x0  }
0x33: {  	s22 =	simm.s32 $0x3220;
	[sflag:s30] =	ssyncadd.s32 $0xFFFFFB00  }
0x34: {  	s13 =	simm.s32 $0x3720;
	v6 =	vld [tilespmem:s22+$0x10]  }
0x35: {  	v7 =	vld [tilespmem:s13+$0x10]  }
0x36: {  	v3 =	vld [tilespmem:s22+$0xFFFFFFF0]  }
0x37: {  	v1 =	vld [tilespmem:s22+$0x0]  }
0x38: {  	s24 =	simm.s32 $0x0;
	v2 =	vld [tilespmem:s22+$0xFFFFFFE0]  }
0x39: {  	s26 =	sadd.s32 $0x0, s0;
	s31 =	simm.s32 $0x10;
	v4 =	vld [tilespmem:s13+$0xFFFFFFE0];
	s22 =	simm.s32 $0x30;
	vm0 =	vlt.s32 v6, $0x1388  }
0x3a: {  	s28 =	simm.s32 $0x3260;
	s26 =	sand.u32 $0xFF80, s26;
	v5 =	vld [tilespmem:s13+$0xFFFFFFF0];
	s22 =	sand.u32 $0x70, s22;
	vm1 =	veq.s32 v7, $0x0;
	v8 =	vnsel vm0, $0x1388, v6  }
0x3b: {  	s7 =	sand.u32 $0x50, s31;
	s6 =	simm.s32 $0x20;
	s22 =	sor.u32 s22, s26;
	vm0 =	vlt.s32 v3, $0x1388;
	v6 =	vld [tilespmem:s13+$0x0];
	v7 =	vnsel vm1, $0x1388, v8  }
.LBB2_3:
0x3c: {  	v8 =	vld [tilespmem:s28+$0x10];
	s24 =	sadd.s32 $0x4, s24;
	v9 =	vnsel vm0, $0x1388, v3;
	vm0 =	vlt.s32 v1, $0x1388;
	s6 =	sand.u32 $0x60, s6;
	[tilespmem:s22+$0x0] =	vst v7;
	s13 =	sadd.s32 $0x40, s13  }
0x3d: {  	s22 =	sand.u32 $0x40, s11;
	s7 =	sor.u32 s7, s26;
	v7 =	vld [tilespmem:s13+$0x10];
	p1 =	slt.u32 s24, $0x4C;
	vm1 =	vlt.s32 v2, $0x1388;
	v10 =	vnsel vm0, $0x1388, v1  }
0x3e: {  	s22 =	sor.u32 s22, s26;
	s31 =	sor.u32 s6, s26;
	v3 =	vld [tilespmem:s28+$0xFFFFFFF0];
	v2 =	vnsel vm1, $0x1388, v2;
	vm0 =	veq.s32 v4, $0x0  }
.Ltmp0:
0x3f: {  	v1 =	vld [tilespmem:s28+$0x0];
	v4 =	vnsel vm0, $0x1388, v2;
	vm0 =	veq.s32 v5, $0x0;
	(pc) =	sbr.rel @p1 .LBB2_3-.Ltmp0, $4  }
0x40: {  	s11 =	sadd.s32 $0x40, s11;
	v2 =	vld [tilespmem:s28+$0xFFFFFFE0];
	[tilespmem:s22+$0x0] =	vst v4;
	v5 =	vnsel vm0, $0x1388, v9;
	vm0 =	veq.s32 v6, $0x0  }
0x41: {  	s6 =	sadd.s32 s11, s0;
	s21 =	sadd.s32 $0x30, s11;
	s22 =	sadd.s32 $0x10, s11;
	v4 =	vld [tilespmem:s13+$0xFFFFFFE0];
	vm1 =	vlt.s32 v8, $0x1388;
	[tilespmem:s7+$0x0] =	vst v5;
	v6 =	vnsel vm0, $0x1388, v10  }
0x42: {  	s26 =	sand.u32 $0xFF80, s6;
	s6 =	sadd.s32 $0x20, s11;
	s21 =	sand.u32 $0x70, s21;
	v5 =	vld [tilespmem:s13+$0xFFFFFFF0];
	v8 =	vnsel vm1, $0x1388, v8;
	vm1 =	veq.s32 v7, $0x0;
	[tilespmem:s31+$0x0] =	vst v6  }
0x43: {  	s28 =	sadd.s32 $0x40, s28;
	s7 =	sand.u32 $0x50, s22;
	s22 =	sor.u32 s21, s26;
	vm0 =	vlt.s32 v3, $0x1388;
	v6 =	vld [tilespmem:s13+$0x0];
	v7 =	vnsel vm1, $0x1388, v8  }
0x44: {  	s8 =	sadd.s32 $0x1, s8  }
0x45: {  	vm1 =	vlt.s32 v2, $0x1388;
	p1 =	sne.s32 s8, $0xA  }
.Ltmp1:
0x46: {  	v3 =	vnsel vm0, $0x1388, v3;
	s11 =	sand.u32 $0x40, s11;
	v2 =	vnsel vm1, $0x1388, v2;
	vm12 =	veq.s32 v4, $0x0;
	(pc) =	sbr.rel @p1 .LBB2_2-.Ltmp1, $4  }
0x47: {  	vm13 =	vlt.s32 v1, $0x1388;
	[tilespmem:s22+$0x0] =	vst v7;
	s11 =	sor.u32 s11, s26;
	v2 =	vnsel vm12, $0x1388, v2;
	vm14 =	veq.s32 v5, $0x0  }
0x48: {  	s6 =	sand.u32 $0x60, s6;
	s7 =	sor.u32 s7, s26;
	v1 =	vnsel vm13, $0x1388, v1;
	[tilespmem:s11+$0x0] =	vst v2;
	v2 =	vnsel vm14, $0x1388, v3;
	vm15 =	veq.s32 v6, $0x0  }
0x49: {  	s6 =	sor.u32 s6, s26;
	[tilespmem:s7+$0x0] =	vst v2;
	v1 =	vnsel vm15, $0x1388, v1  }
0x4a: {  	s0 =	sadd.s32 $0x500, s0;
	[tilespmem:s6+$0x0] =	vst v1  }
0x4b: {  	s7 =	simm.s32 $0x0;
	s0 =	rddreg [dreg:$0x8];
	s6 =	simm.s32 $0x3C00  }
0x4c: {  	[tilespmem:s6], [sflag:$0x1] =	stream.linear.gather [hbm4b:s0+s7], $0x2000, $0x38;
	[tilespmem:$0x1D8C8] =	vst v63  }
0x4d: {  	s13 =	rddreg [dreg:$0x9];
	s21 =	simm.s32 $0x5C00  }
0x4e: {  	[tilespmem:s21], [sflag:$0x2] =	stream.linear.gather [hbm4b:s13+s7], $0x2000, $0x38;
	[tilespmem:$0x1D8C8] =	vst v63  }
0x4f: {  	s22 =	rddreg [dreg:$0xb];
	s24 =	simm.s32 $0x7C00  }
0x50: {  	[tilespmem:s24], [sflag:$0x3] =	stream.linear.gather [hbm4b:s22+s7], $0x2000, $0x38;
	[tilespmem:$0x1D8C8] =	vst v63  }
0x51: {  	s26 =	simm.s32 $0x40;
	s28 =	simm.s32 $0xBC00  }
0x52: {  	[tilespmem:s28], [sflag:$0x5] =	stream.indirect.gather [spmem:s4], $0x80, s7, s26, $0xb8;
	[tilespmem:$0x1D8C8] =	vst v63  }
0x53: {  	s31 =	simm.s32 $0xDC00;
	s21 =	rddreg [dreg:$0xa]  }
0x54: {  	[tilespmem:s31], [sflag:$0x6] =	stream.indirect.gather [spmem:s4], $0x80, s26, s26, $0xb8;
	[tilespmem:$0x1D8C8] =	vst v63  }
0x55: {  	v0 =	vbroadcast v0, $0x0;
	s22 =	rddreg [dreg:$0xd];
	s26 =	simm.s32 $0x0  }
.LBB2_6:
0x56: {  	s31 =	sshll.u32 s26, $0x8  }
0x57: {  	s0 =	sor.u32 $0xC0, s31  }
0x58: {  	s6 =	sadd.s32 s9, s0  }
0x59: {  	s28 =	sshll.u32 s6, $0x4  }
0x5a: {  	s7 =	simm.s32 $0x9C00;
	s8 =	simm.s32 $0x0;
	s6 =	sadd.s32 s1, s28  }
0x5b: {  	[tilespmem:s7], [sflag:$0x4] =	stream.linear.gather [hbm4b:s6+s8], $0x2000, $0x38;
	[tilespmem:$0x1D8C8] =	vst v63  }
0x5c: {  	_ =	swait.ge [sflag:s19], $0x2000  }
0x5d: {  	[sflag:s19] =	ssyncset.done $0x0  }
0x5e: {  	[sflag:s19] =	ssyncadd.s32 $0xFFFFE000  }
0x5f: {  	_ =	swait.ge [sflag:s20], $0x2000  }
0x60: {  	[sflag:s20] =	ssyncset.done $0x0  }
0x61: {  	s13 =	simm.s32 $0x0;
	[sflag:s20] =	ssyncadd.s32 $0xFFFFE000  }
0x62: {  	v1 =	vld [tilespmem:s13+$0x3DF0]  }
0x63: {  	v2 =	vld [tilespmem:s13+$0x3C00]  }
0x64: {  	v3 =	vld [tilespmem:s13+$0x3C10]  }
0x65: {  	v4 =	vld [tilespmem:s13+$0x3C20]  }
0x66: {  	v5 =	vld [tilespmem:s13+$0x3C30]  }
0x67: {  	v6 =	vld [tilespmem:s13+$0x3C40]  }
0x68: {  	v7 =	vld [tilespmem:s13+$0x3C50]  }
0x69: {  	v8 =	vld [tilespmem:s13+$0x3C70]  }
0x6a: {  	v9 =	vld [tilespmem:s13+$0x3C80]  }
0x6b: {  	v10 =	vld [tilespmem:s13+$0x3C90]  }
0x6c: {  	v11 =	vld [tilespmem:s13+$0x3CA0]  }
0x6d: {  	v12 =	vld [tilespmem:s13+$0x3CB0]  }
0x6e: {  	v13 =	vld [tilespmem:s13+$0x3CC0]  }
0x6f: {  	v14 =	vld [tilespmem:s13+$0x3CD0]  }
0x70: {  	v15 =	vld [tilespmem:s13+$0x3CE0]  }
0x71: {  	v16 =	vld [tilespmem:s13+$0x3CF0]  }
0x72: {  	v17 =	vld [tilespmem:s13+$0x3D00]  }
0x73: {  	v18 =	vld [tilespmem:s13+$0x3D10]  }
0x74: {  	v19 =	vld [tilespmem:s13+$0x3D20]  }
0x75: {  	v20 =	vld [tilespmem:s13+$0x3D30]  }
0x76: {  	v21 =	vld [tilespmem:s13+$0x3D40]  }
0x77: {  	v22 =	vld [tilespmem:s13+$0x3D50]  }
0x78: {  	v23 =	vld [tilespmem:s13+$0x3D60]  }
0x79: {  	v24 =	vld [tilespmem:s13+$0x3D70]  }
0x7a: {  	v25 =	vld [tilespmem:s13+$0x3D80]  }
0x7b: {  	v26 =	vld [tilespmem:s13+$0x3D90]  }
0x7c: {  	v27 =	vld [tilespmem:s13+$0x3DA0]  }
0x7d: {  	v28 =	vld [tilespmem:s13+$0x3DB0]  }
0x7e: {  	v29 =	vld [tilespmem:s13+$0x3DC0]  }
0x7f: {  	v30 =	vld [tilespmem:s13+$0x3DD0];
	v1 =	vmul.f32 v1, v0  }
0x80: {  	v31 =	vld [tilespmem:s13+$0x3DE0]  }
0x81: {  	v2 =	vmul.f32 v2, v0;
	[tilespmem:s13+$0xBDF0] =	vst.add.f32.msk $0xffff, v1  }
0x82: {  	v3 =	vmul.f32 v3, v0;
	v1 =	vld [tilespmem:s13+$0x3C60]  }
0x83: {  	v4 =	vmul.f32 v4, v0;
	[tilespmem:s13+$0xBC00] =	vst.add.f32.msk $0xffff, v2  }
0x84: {  	v63 =	vmul.f32 v7, v0;
	[tilespmem:s13+$0xBC10] =	vst.add.f32.msk $0xffff, v3  }
0x85: {  	v2 =	vmul.f32 v5, v0;
	[tilespmem:s13+$0xBC20] =	vst.add.f32.msk $0xffff, v4  }
0x86: {  	v3 =	vmul.f32 v6, v0;
	[tilespmem:s13+$0xBC50] =	vst.add.f32.msk $0xffff, v63  }
0x87: {  	[tilespmem:s13+$0xBC30] =	vst.add.f32.msk $0xffff, v2;
	v2 =	vmul.f32 v8, v0  }
0x88: {  	[tilespmem:s13+$0xBC40] =	vst.add.f32.msk $0xffff, v3;
	v3 =	vmul.f32 v9, v0  }
0x89: {  	[tilespmem:s13+$0xBC70] =	vst.add.f32.msk $0xffff, v2;
	v2 =	vmul.f32 v11, v0  }
0x8a: {  	[tilespmem:s13+$0xBC80] =	vst.add.f32.msk $0xffff, v3;
	v3 =	vmul.f32 v12, v0  }
0x8b: {  	v1 =	vmul.f32 v1, v0;
	[tilespmem:s13+$0xBCA0] =	vst.add.f32.msk $0xffff, v2  }
0x8c: {  	v2 =	vmul.f32 v14, v0;
	[tilespmem:s13+$0xBCB0] =	vst.add.f32.msk $0xffff, v3  }
0x8d: {  	v3 =	vmul.f32 v15, v0;
	[tilespmem:s13+$0xBC60] =	vst.add.f32.msk $0xffff, v1  }
0x8e: {  	v1 =	vmul.f32 v10, v0;
	[tilespmem:s13+$0xBCD0] =	vst.add.f32.msk $0xffff, v2  }
0x8f: {  	v2 =	vmul.f32 v17, v0;
	[tilespmem:s13+$0xBCE0] =	vst.add.f32.msk $0xffff, v3  }
0x90: {  	v3 =	vmul.f32 v18, v0;
	[tilespmem:s13+$0xBC90] =	vst.add.f32.msk $0xffff, v1  }
0x91: {  	v1 =	vmul.f32 v13, v0;
	[tilespmem:s13+$0xBD00] =	vst.add.f32.msk $0xffff, v2  }
0x92: {  	v2 =	vmul.f32 v20, v0;
	[tilespmem:s13+$0xBD10] =	vst.add.f32.msk $0xffff, v3  }
0x93: {  	v3 =	vmul.f32 v21, v0;
	[tilespmem:s13+$0xBCC0] =	vst.add.f32.msk $0xffff, v1  }
0x94: {  	v1 =	vmul.f32 v16, v0;
	[tilespmem:s13+$0xBD30] =	vst.add.f32.msk $0xffff, v2  }
0x95: {  	v2 =	vmul.f32 v23, v0;
	[tilespmem:s13+$0xBD40] =	vst.add.f32.msk $0xffff, v3  }
0x96: {  	v3 =	vmul.f32 v24, v0;
	[tilespmem:s13+$0xBCF0] =	vst.add.f32.msk $0xffff, v1  }
0x97: {  	v1 =	vmul.f32 v19, v0;
	[tilespmem:s13+$0xBD60] =	vst.add.f32.msk $0xffff, v2  }
0x98: {  	v2 =	vmul.f32 v26, v0;
	[tilespmem:s13+$0xBD70] =	vst.add.f32.msk $0xffff, v3  }
0x99: {  	[tilespmem:s13+$0xBD20] =	vst.add.f32.msk $0xffff, v1;
	v1 =	vmul.f32 v22, v0  }
0x9a: {  	v3 =	vmul.f32 v27, v0;
	[tilespmem:s13+$0xBD90] =	vst.add.f32.msk $0xffff, v2  }
0x9b: {  	[tilespmem:s13+$0xBD50] =	vst.add.f32.msk $0xffff, v1;
	v1 =	vmul.f32 v25, v0  }
0x9c: {  	v2 =	vmul.f32 v29, v0;
	[tilespmem:s13+$0xBDA0] =	vst.add.f32.msk $0xffff, v3  }
0x9d: {  	[tilespmem:s13+$0xBD80] =	vst.add.f32.msk $0xffff, v1;
	v1 =	vmul.f32 v28, v0  }
0x9e: {  	v3 =	vmul.f32 v30, v0;
	[tilespmem:s13+$0xBDC0] =	vst.add.f32.msk $0xffff, v2  }
0x9f: {  	[tilespmem:s13+$0xBDB0] =	vst.add.f32.msk $0xffff, v1;
	v1 =	vmul.f32 v31, v0  }
0xa0: {  	s11 =	simm.s32 $0x800;
	s8 =	simm.s32 $0x0;
	[tilespmem:s13+$0xBDD0] =	vst.add.f32.msk $0xffff, v3  }
.LBB2_7:
0xa1: {  	s8 =	sadd.s32 $0x4, s8;
	[tilespmem:s13+$0xBDE0] =	vst.add.f32.msk $0xffff, v1;
	s13 =	sshra.s32 s11, $0x2  }
0xa2: {  	v1 =	vld [tilespmem:s13+$0x3DF0];
	p1 =	slt.u32 s8, $0x3C  }
0xa3: {  	v2 =	vld [tilespmem:s13+$0x3C00]  }
0xa4: {  	v3 =	vld [tilespmem:s13+$0x3C10]  }
0xa5: {  	v4 =	vld [tilespmem:s13+$0x3C20]  }
0xa6: {  	v5 =	vld [tilespmem:s13+$0x3C30]  }
0xa7: {  	v6 =	vld [tilespmem:s13+$0x3C40];
	v1 =	vmul.f32 v1, v0  }
0xa8: {  	v2 =	vmul.f32 v2, v0;
	v7 =	vld [tilespmem:s13+$0x3C50]  }
0xa9: {  	v3 =	vmul.f32 v3, v0;
	[tilespmem:s13+$0xBDF0] =	vst.add.f32.msk $0xffff, v1  }
0xaa: {  	v1 =	vmul.f32 v4, v0;
	v4 =	vld [tilespmem:s13+$0x3C60]  }
0xab: {  	v5 =	vmul.f32 v5, v0;
	v8 =	vld [tilespmem:s13+$0x3C70]  }
0xac: {  	v6 =	vmul.f32 v6, v0;
	v9 =	vld [tilespmem:s13+$0x3C80]  }
0xad: {  	v7 =	vmul.f32 v7, v0;
	v10 =	vld [tilespmem:s13+$0x3C90]  }
0xae: {  	v11 =	vld [tilespmem:s13+$0x3CA0]  }
0xaf: {  	v4 =	vmul.f32 v4, v0;
	v12 =	vld [tilespmem:s13+$0x3CB0]  }
0xb0: {  	v8 =	vmul.f32 v8, v0;
	v13 =	vld [tilespmem:s13+$0x3CC0]  }
0xb1: {  	v9 =	vmul.f32 v9, v0;
	v14 =	vld [tilespmem:s13+$0x3CD0]  }
0xb2: {  	v10 =	vmul.f32 v10, v0;
	v15 =	vld [tilespmem:s13+$0x3CE0]  }
0xb3: {  	v11 =	vmul.f32 v11, v0;
	v16 =	vld [tilespmem:s13+$0x3CF0]  }
0xb4: {  	v12 =	vmul.f32 v12, v0;
	v17 =	vld [tilespmem:s13+$0x3D00]  }
0xb5: {  	v13 =	vmul.f32 v13, v0;
	v18 =	vld [tilespmem:s13+$0x3D10]  }
0xb6: {  	v14 =	vmul.f32 v14, v0;
	v19 =	vld [tilespmem:s13+$0x3D20]  }
0xb7: {  	v15 =	vmul.f32 v15, v0;
	v20 =	vld [tilespmem:s13+$0x3D30]  }
0xb8: {  	v16 =	vmul.f32 v16, v0;
	v21 =	vld [tilespmem:s13+$0x3D40]  }
0xb9: {  	v17 =	vmul.f32 v17, v0;
	v22 =	vld [tilespmem:s13+$0x3D50]  }
0xba: {  	v18 =	vmul.f32 v18, v0;
	v23 =	vld [tilespmem:s13+$0x3D60]  }
0xbb: {  	v19 =	vmul.f32 v19, v0;
	v24 =	vld [tilespmem:s13+$0x3D70]  }
0xbc: {  	v20 =	vmul.f32 v20, v0;
	v25 =	vld [tilespmem:s13+$0x3D80]  }
0xbd: {  	v21 =	vmul.f32 v21, v0;
	v26 =	vld [tilespmem:s13+$0x3D90]  }
0xbe: {  	v22 =	vmul.f32 v22, v0;
	v27 =	vld [tilespmem:s13+$0x3DA0]  }
0xbf: {  	v23 =	vmul.f32 v23, v0;
	v28 =	vld [tilespmem:s13+$0x3DB0]  }
0xc0: {  	v24 =	vmul.f32 v24, v0;
	v29 =	vld [tilespmem:s13+$0x3DC0]  }
0xc1: {  	v25 =	vmul.f32 v25, v0;
	v30 =	vld [tilespmem:s13+$0x3DD0]  }
0xc2: {  	v26 =	vmul.f32 v26, v0;
	v31 =	vld [tilespmem:s13+$0x3DE0]  }
0xc3: {  	[tilespmem:s13+$0xBC00] =	vst.add.f32.msk $0xffff, v2;
	v2 =	vmul.f32 v27, v0  }
0xc4: {  	[tilespmem:s13+$0xBC10] =	vst.add.f32.msk $0xffff, v3;
	v3 =	vmul.f32 v28, v0  }
0xc5: {  	[tilespmem:s13+$0xBC20] =	vst.add.f32.msk $0xffff, v1;
	v27 =	vmul.f32 v29, v0  }
0xc6: {  	[tilespmem:s13+$0xBC30] =	vst.add.f32.msk $0xffff, v5;
	v5 =	vmul.f32 v30, v0  }
0xc7: {  	[tilespmem:s13+$0xBC40] =	vst.add.f32.msk $0xffff, v6;
	v1 =	vmul.f32 v31, v0  }
0xc8: {  	[tilespmem:s13+$0xBC50] =	vst.add.f32.msk $0xffff, v7  }
0xc9: {  	[tilespmem:s13+$0xBC60] =	vst.add.f32.msk $0xffff, v4  }
0xca: {  	[tilespmem:s13+$0xBC70] =	vst.add.f32.msk $0xffff, v8  }
0xcb: {  	[tilespmem:s13+$0xBC80] =	vst.add.f32.msk $0xffff, v9  }
0xcc: {  	[tilespmem:s13+$0xBC90] =	vst.add.f32.msk $0xffff, v10  }
0xcd: {  	[tilespmem:s13+$0xBCA0] =	vst.add.f32.msk $0xffff, v11  }
0xce: {  	[tilespmem:s13+$0xBCB0] =	vst.add.f32.msk $0xffff, v12  }
0xcf: {  	[tilespmem:s13+$0xBCC0] =	vst.add.f32.msk $0xffff, v13  }
0xd0: {  	[tilespmem:s13+$0xBCD0] =	vst.add.f32.msk $0xffff, v14  }
0xd1: {  	[tilespmem:s13+$0xBCE0] =	vst.add.f32.msk $0xffff, v15  }
0xd2: {  	[tilespmem:s13+$0xBCF0] =	vst.add.f32.msk $0xffff, v16  }
0xd3: {  	[tilespmem:s13+$0xBD00] =	vst.add.f32.msk $0xffff, v17  }
0xd4: {  	[tilespmem:s13+$0xBD10] =	vst.add.f32.msk $0xffff, v18  }
0xd5: {  	[tilespmem:s13+$0xBD20] =	vst.add.f32.msk $0xffff, v19  }
0xd6: {  	[tilespmem:s13+$0xBD30] =	vst.add.f32.msk $0xffff, v20  }
0xd7: {  	[tilespmem:s13+$0xBD40] =	vst.add.f32.msk $0xffff, v21  }
0xd8: {  	[tilespmem:s13+$0xBD50] =	vst.add.f32.msk $0xffff, v22  }
0xd9: {  	[tilespmem:s13+$0xBD60] =	vst.add.f32.msk $0xffff, v23  }
0xda: {  	[tilespmem:s13+$0xBD70] =	vst.add.f32.msk $0xffff, v24  }
0xdb: {  	[tilespmem:s13+$0xBD80] =	vst.add.f32.msk $0xffff, v25  }
.Ltmp2:
0xdc: {  	[tilespmem:s13+$0xBD90] =	vst.add.f32.msk $0xffff, v26;
	(pc) =	sbr.rel @p1 .LBB2_7-.Ltmp2, $4  }
0xdd: {  	[tilespmem:s13+$0xBDA0] =	vst.add.f32.msk $0xffff, v2  }
0xde: {  	[tilespmem:s13+$0xBDB0] =	vst.add.f32.msk $0xffff, v3  }
0xdf: {  	[tilespmem:s13+$0xBDC0] =	vst.add.f32.msk $0xffff, v27  }
0xe0: {  	s11 =	sadd.s32 $0x800, s11;
	[tilespmem:s13+$0xBDD0] =	vst.add.f32.msk $0xffff, v5  }
0xe1: {  	p1 =	sne.s32 s26, $0x0  }
.Ltmp3:
0xe2: {  	s6 =	sshll.u32 s26, $0xF;
	(pc) =	sbr.rel @!p1 .LBB2_9-.Ltmp3, $4  }
0xe3: {  	s6 =	sadd.s32 s21, s6  }
0xe4: {  	s6 =	sshrl.u32 s6, $0x3  }
0xe5: {  	[tilespmem:s13+$0xBDE0] =	vst.add.f32.msk $0xffff, v1;
	s7 =	simm.s32 $0xBC00;
	s6 =	sadd.s32 s3, s6  }
0xe6: {  	[hbm4b:s6+s5] =	stream.linear.scatter [tilespmem:s7], [sflag:$0x9], $0x2000, $0x38;
	[tilespmem:$0x1D8C8] =	vst v63  }
0xe7: {  	p2 =	seq.s32 s26, $0x31  }
.Ltmp4:
0xe8: {  	s6 =	simm.s32 $0xB;
	(pc) =	sbr.rel @p2 .LBB2_12-.Ltmp4, $4  }
.Ltmp5:
0xe9: {  	_ =	swait.ge [sflag:s6], $0x2000;
	(pc) =	sbr.rel @!p2 .LBB2_11-.Ltmp5, $4  }
0xea: {  	s13 =	sor.u32 $0x80, s31;
	s24 =	simm.s32 $0x40;
	[sflag:s6] =	ssyncset.done $0x0  }
0xeb: {  	s7 =	simm.s32 $0xFC00;
	p1 =	por $0x1, $0x1;
	[sflag:s6] =	ssyncadd.s32 $0xFFFFE000  }
0xec: {  	[tilespmem:s7], [sflag:$0x7] =	stream.indirect.gather [spmem:s4], $0x80, s13, s24, $0xb8;
	[tilespmem:$0x1D8C8] =	vst v63  }
0xed: {  	_ = 	snop  }
.LBB2_9:
0xee: {  	s13 =	simm.s32 $0x80;
	s6 =	simm.s32 $0x40;
	s7 =	simm.s32 $0xFC00  }
0xef: {  	[tilespmem:s7], [sflag:$0x7] =	stream.indirect.gather [spmem:s4], $0x80, s13, s6, $0xb8;
	[tilespmem:$0x1D8C8] =	vst v63  }
.LBB2_11:
0xf0: {  	s6 =	rddreg [dreg:$0xc]  }
0xf1: {  	s6 =	sadd.s32 s31, s6  }
0xf2: {  	s6 =	sshll.u32 s6, $0x4  }
0xf3: {  	s7 =	simm.s32 $0x3C00;
	p1 =	por $0x0, $0x0;
	s6 =	sadd.s32 s1, s6  }
0xf4: {  	[tilespmem:s7], [sflag:$0x1] =	stream.linear.gather [hbm4b:s6+s5], $0x2000, $0x38;
	[tilespmem:$0x1D8C8] =	vst v63  }
.LBB2_12:
0xf5: {  	_ =	swait.ge [sflag:s25], $0x2000  }
0xf6: {  	[sflag:s25] =	ssyncset.done $0x0  }
0xf7: {  	[sflag:s25] =	ssyncadd.s32 $0xFFFFE000  }
0xf8: {  	_ =	swait.ge [sflag:s10], $0x2000  }
0xf9: {  	[sflag:s10] =	ssyncset.done $0x0  }
0xfa: {  	s8 =	simm.s32 $0x0;
	[sflag:s10] =	ssyncadd.s32 $0xFFFFE000  }
0xfb: {  	v1 =	vld [tilespmem:s8+$0x5DF0]  }
0xfc: {  	v2 =	vld [tilespmem:s8+$0x5C00]  }
0xfd: {  	v3 =	vld [tilespmem:s8+$0x5C10]  }
0xfe: {  	v4 =	vld [tilespmem:s8+$0x5C20]  }
0xff: {  	v5 =	vld [tilespmem:s8+$0x5C30]  }
0x100: {  	v6 =	vld [tilespmem:s8+$0x5C40]  }
0x101: {  	v7 =	vld [tilespmem:s8+$0x5C50]  }
0x102: {  	v8 =	vld [tilespmem:s8+$0x5C70]  }
0x103: {  	v9 =	vld [tilespmem:s8+$0x5C80]  }
0x104: {  	v10 =	vld [tilespmem:s8+$0x5C90]  }
0x105: {  	v11 =	vld [tilespmem:s8+$0x5CA0]  }
0x106: {  	v12 =	vld [tilespmem:s8+$0x5CB0]  }
0x107: {  	v13 =	vld [tilespmem:s8+$0x5CC0]  }
0x108: {  	v14 =	vld [tilespmem:s8+$0x5CD0]  }
0x109: {  	v15 =	vld [tilespmem:s8+$0x5CE0]  }
0x10a: {  	v16 =	vld [tilespmem:s8+$0x5CF0]  }
0x10b: {  	v17 =	vld [tilespmem:s8+$0x5D00]  }
0x10c: {  	v18 =	vld [tilespmem:s8+$0x5D10]  }
0x10d: {  	v19 =	vld [tilespmem:s8+$0x5D20]  }
0x10e: {  	v20 =	vld [tilespmem:s8+$0x5D30]  }
0x10f: {  	v21 =	vld [tilespmem:s8+$0x5D40]  }
0x110: {  	v22 =	vld [tilespmem:s8+$0x5D50]  }
0x111: {  	v23 =	vld [tilespmem:s8+$0x5D60]  }
0x112: {  	v24 =	vld [tilespmem:s8+$0x5D70]  }
0x113: {  	v25 =	vld [tilespmem:s8+$0x5D80]  }
0x114: {  	v26 =	vld [tilespmem:s8+$0x5D90]  }
0x115: {  	v27 =	vld [tilespmem:s8+$0x5DA0]  }
0x116: {  	v28 =	vld [tilespmem:s8+$0x5DB0]  }
0x117: {  	v29 =	vld [tilespmem:s8+$0x5DC0]  }
0x118: {  	v30 =	vld [tilespmem:s8+$0x5DD0];
	v1 =	vmul.f32 v1, v0  }
0x119: {  	v31 =	vld [tilespmem:s8+$0x5DE0]  }
0x11a: {  	v2 =	vmul.f32 v2, v0;
	[tilespmem:s8+$0xDDF0] =	vst.add.f32.msk $0xffff, v1  }
0x11b: {  	v3 =	vmul.f32 v3, v0;
	v1 =	vld [tilespmem:s8+$0x5C60]  }
0x11c: {  	v4 =	vmul.f32 v4, v0;
	[tilespmem:s8+$0xDC00] =	vst.add.f32.msk $0xffff, v2  }
0x11d: {  	v63 =	vmul.f32 v7, v0;
	[tilespmem:s8+$0xDC10] =	vst.add.f32.msk $0xffff, v3  }
0x11e: {  	v2 =	vmul.f32 v5, v0;
	[tilespmem:s8+$0xDC20] =	vst.add.f32.msk $0xffff, v4  }
0x11f: {  	v3 =	vmul.f32 v6, v0;
	[tilespmem:s8+$0xDC50] =	vst.add.f32.msk $0xffff, v63  }
0x120: {  	[tilespmem:s8+$0xDC30] =	vst.add.f32.msk $0xffff, v2;
	v2 =	vmul.f32 v8, v0  }
0x121: {  	[tilespmem:s8+$0xDC40] =	vst.add.f32.msk $0xffff, v3;
	v3 =	vmul.f32 v9, v0  }
0x122: {  	[tilespmem:s8+$0xDC70] =	vst.add.f32.msk $0xffff, v2;
	v2 =	vmul.f32 v11, v0  }
0x123: {  	[tilespmem:s8+$0xDC80] =	vst.add.f32.msk $0xffff, v3;
	v3 =	vmul.f32 v12, v0  }
0x124: {  	v1 =	vmul.f32 v1, v0;
	[tilespmem:s8+$0xDCA0] =	vst.add.f32.msk $0xffff, v2  }
0x125: {  	v2 =	vmul.f32 v14, v0;
	[tilespmem:s8+$0xDCB0] =	vst.add.f32.msk $0xffff, v3  }
0x126: {  	v3 =	vmul.f32 v15, v0;
	[tilespmem:s8+$0xDC60] =	vst.add.f32.msk $0xffff, v1  }
0x127: {  	v1 =	vmul.f32 v10, v0;
	[tilespmem:s8+$0xDCD0] =	vst.add.f32.msk $0xffff, v2  }
0x128: {  	v2 =	vmul.f32 v17, v0;
	[tilespmem:s8+$0xDCE0] =	vst.add.f32.msk $0xffff, v3  }
0x129: {  	v3 =	vmul.f32 v18, v0;
	[tilespmem:s8+$0xDC90] =	vst.add.f32.msk $0xffff, v1  }
0x12a: {  	v1 =	vmul.f32 v13, v0;
	[tilespmem:s8+$0xDD00] =	vst.add.f32.msk $0xffff, v2  }
0x12b: {  	v2 =	vmul.f32 v20, v0;
	[tilespmem:s8+$0xDD10] =	vst.add.f32.msk $0xffff, v3  }
0x12c: {  	v3 =	vmul.f32 v21, v0;
	[tilespmem:s8+$0xDCC0] =	vst.add.f32.msk $0xffff, v1  }
0x12d: {  	v1 =	vmul.f32 v16, v0;
	[tilespmem:s8+$0xDD30] =	vst.add.f32.msk $0xffff, v2  }
0x12e: {  	v2 =	vmul.f32 v23, v0;
	[tilespmem:s8+$0xDD40] =	vst.add.f32.msk $0xffff, v3  }
0x12f: {  	v3 =	vmul.f32 v24, v0;
	[tilespmem:s8+$0xDCF0] =	vst.add.f32.msk $0xffff, v1  }
0x130: {  	v1 =	vmul.f32 v19, v0;
	[tilespmem:s8+$0xDD60] =	vst.add.f32.msk $0xffff, v2  }
0x131: {  	v2 =	vmul.f32 v26, v0;
	[tilespmem:s8+$0xDD70] =	vst.add.f32.msk $0xffff, v3  }
0x132: {  	[tilespmem:s8+$0xDD20] =	vst.add.f32.msk $0xffff, v1;
	v1 =	vmul.f32 v22, v0  }
0x133: {  	v3 =	vmul.f32 v27, v0;
	[tilespmem:s8+$0xDD90] =	vst.add.f32.msk $0xffff, v2  }
0x134: {  	[tilespmem:s8+$0xDD50] =	vst.add.f32.msk $0xffff, v1;
	v1 =	vmul.f32 v25, v0  }
0x135: {  	v2 =	vmul.f32 v29, v0;
	[tilespmem:s8+$0xDDA0] =	vst.add.f32.msk $0xffff, v3  }
0x136: {  	[tilespmem:s8+$0xDD80] =	vst.add.f32.msk $0xffff, v1;
	v1 =	vmul.f32 v28, v0  }
0x137: {  	v3 =	vmul.f32 v30, v0;
	[tilespmem:s8+$0xDDC0] =	vst.add.f32.msk $0xffff, v2  }
0x138: {  	[tilespmem:s8+$0xDDB0] =	vst.add.f32.msk $0xffff, v1;
	v1 =	vmul.f32 v31, v0  }
0x139: {  	s11 =	simm.s32 $0x0;
	s24 =	simm.s32 $0x800;
	[tilespmem:s8+$0xDDD0] =	vst.add.f32.msk $0xffff, v3  }
.LBB2_13:
0x13a: {  	s11 =	sadd.s32 $0x4, s11;
	[tilespmem:s8+$0xDDE0] =	vst.add.f32.msk $0xffff, v1;
	s8 =	sshra.s32 s24, $0x2  }
0x13b: {  	v1 =	vld [tilespmem:s8+$0x5DF0];
	p2 =	slt.u32 s11, $0x3C  }
0x13c: {  	v2 =	vld [tilespmem:s8+$0x5C00]  }
0x13d: {  	v3 =	vld [tilespmem:s8+$0x5C10]  }
0x13e: {  	v4 =	vld [tilespmem:s8+$0x5C20]  }
0x13f: {  	v5 =	vld [tilespmem:s8+$0x5C30]  }
0x140: {  	v6 =	vld [tilespmem:s8+$0x5C40];
	v1 =	vmul.f32 v1, v0  }
0x141: {  	v2 =	vmul.f32 v2, v0;
	v7 =	vld [tilespmem:s8+$0x5C50]  }
0x142: {  	v3 =	vmul.f32 v3, v0;
	[tilespmem:s8+$0xDDF0] =	vst.add.f32.msk $0xffff, v1  }
0x143: {  	v1 =	vmul.f32 v4, v0;
	v4 =	vld [tilespmem:s8+$0x5C60]  }
0x144: {  	v5 =	vmul.f32 v5, v0;
	v8 =	vld [tilespmem:s8+$0x5C70]  }
0x145: {  	v6 =	vmul.f32 v6, v0;
	v9 =	vld [tilespmem:s8+$0x5C80]  }
0x146: {  	v7 =	vmul.f32 v7, v0;
	v10 =	vld [tilespmem:s8+$0x5C90]  }
0x147: {  	v11 =	vld [tilespmem:s8+$0x5CA0]  }
0x148: {  	v4 =	vmul.f32 v4, v0;
	v12 =	vld [tilespmem:s8+$0x5CB0]  }
0x149: {  	v8 =	vmul.f32 v8, v0;
	v13 =	vld [tilespmem:s8+$0x5CC0]  }
0x14a: {  	v9 =	vmul.f32 v9, v0;
	v14 =	vld [tilespmem:s8+$0x5CD0]  }
0x14b: {  	v10 =	vmul.f32 v10, v0;
	v15 =	vld [tilespmem:s8+$0x5CE0]  }
0x14c: {  	v11 =	vmul.f32 v11, v0;
	v16 =	vld [tilespmem:s8+$0x5CF0]  }
0x14d: {  	v12 =	vmul.f32 v12, v0;
	v17 =	vld [tilespmem:s8+$0x5D00]  }
0x14e: {  	v13 =	vmul.f32 v13, v0;
	v18 =	vld [tilespmem:s8+$0x5D10]  }
0x14f: {  	v14 =	vmul.f32 v14, v0;
	v19 =	vld [tilespmem:s8+$0x5D20]  }
0x150: {  	v15 =	vmul.f32 v15, v0;
	v20 =	vld [tilespmem:s8+$0x5D30]  }
0x151: {  	v16 =	vmul.f32 v16, v0;
	v21 =	vld [tilespmem:s8+$0x5D40]  }
0x152: {  	v17 =	vmul.f32 v17, v0;
	v22 =	vld [tilespmem:s8+$0x5D50]  }
0x153: {  	v18 =	vmul.f32 v18, v0;
	v23 =	vld [tilespmem:s8+$0x5D60]  }
0x154: {  	v19 =	vmul.f32 v19, v0;
	v24 =	vld [tilespmem:s8+$0x5D70]  }
0x155: {  	v20 =	vmul.f32 v20, v0;
	v25 =	vld [tilespmem:s8+$0x5D80]  }
0x156: {  	v21 =	vmul.f32 v21, v0;
	v26 =	vld [tilespmem:s8+$0x5D90]  }
0x157: {  	v22 =	vmul.f32 v22, v0;
	v27 =	vld [tilespmem:s8+$0x5DA0]  }
0x158: {  	v23 =	vmul.f32 v23, v0;
	v28 =	vld [tilespmem:s8+$0x5DB0]  }
0x159: {  	v24 =	vmul.f32 v24, v0;
	v29 =	vld [tilespmem:s8+$0x5DC0]  }
0x15a: {  	v25 =	vmul.f32 v25, v0;
	v30 =	vld [tilespmem:s8+$0x5DD0]  }
0x15b: {  	v26 =	vmul.f32 v26, v0;
	v31 =	vld [tilespmem:s8+$0x5DE0]  }
0x15c: {  	[tilespmem:s8+$0xDC00] =	vst.add.f32.msk $0xffff, v2;
	v2 =	vmul.f32 v27, v0  }
0x15d: {  	[tilespmem:s8+$0xDC10] =	vst.add.f32.msk $0xffff, v3;
	v3 =	vmul.f32 v28, v0  }
0x15e: {  	[tilespmem:s8+$0xDC20] =	vst.add.f32.msk $0xffff, v1;
	v27 =	vmul.f32 v29, v0  }
0x15f: {  	[tilespmem:s8+$0xDC30] =	vst.add.f32.msk $0xffff, v5;
	v5 =	vmul.f32 v30, v0  }
0x160: {  	[tilespmem:s8+$0xDC40] =	vst.add.f32.msk $0xffff, v6;
	v1 =	vmul.f32 v31, v0  }
0x161: {  	[tilespmem:s8+$0xDC50] =	vst.add.f32.msk $0xffff, v7  }
0x162: {  	[tilespmem:s8+$0xDC60] =	vst.add.f32.msk $0xffff, v4  }
0x163: {  	[tilespmem:s8+$0xDC70] =	vst.add.f32.msk $0xffff, v8  }
0x164: {  	[tilespmem:s8+$0xDC80] =	vst.add.f32.msk $0xffff, v9  }
0x165: {  	[tilespmem:s8+$0xDC90] =	vst.add.f32.msk $0xffff, v10  }
0x166: {  	[tilespmem:s8+$0xDCA0] =	vst.add.f32.msk $0xffff, v11  }
0x167: {  	[tilespmem:s8+$0xDCB0] =	vst.add.f32.msk $0xffff, v12  }
0x168: {  	[tilespmem:s8+$0xDCC0] =	vst.add.f32.msk $0xffff, v13  }
0x169: {  	[tilespmem:s8+$0xDCD0] =	vst.add.f32.msk $0xffff, v14  }
0x16a: {  	[tilespmem:s8+$0xDCE0] =	vst.add.f32.msk $0xffff, v15  }
0x16b: {  	[tilespmem:s8+$0xDCF0] =	vst.add.f32.msk $0xffff, v16  }
0x16c: {  	[tilespmem:s8+$0xDD00] =	vst.add.f32.msk $0xffff, v17  }
0x16d: {  	[tilespmem:s8+$0xDD10] =	vst.add.f32.msk $0xffff, v18  }
0x16e: {  	[tilespmem:s8+$0xDD20] =	vst.add.f32.msk $0xffff, v19  }
0x16f: {  	[tilespmem:s8+$0xDD30] =	vst.add.f32.msk $0xffff, v20  }
0x170: {  	[tilespmem:s8+$0xDD40] =	vst.add.f32.msk $0xffff, v21  }
0x171: {  	[tilespmem:s8+$0xDD50] =	vst.add.f32.msk $0xffff, v22  }
0x172: {  	[tilespmem:s8+$0xDD60] =	vst.add.f32.msk $0xffff, v23  }
0x173: {  	[tilespmem:s8+$0xDD70] =	vst.add.f32.msk $0xffff, v24  }
0x174: {  	[tilespmem:s8+$0xDD80] =	vst.add.f32.msk $0xffff, v25  }
.Ltmp6:
0x175: {  	[tilespmem:s8+$0xDD90] =	vst.add.f32.msk $0xffff, v26;
	(pc) =	sbr.rel @p2 .LBB2_13-.Ltmp6, $4  }
0x176: {  	[tilespmem:s8+$0xDDA0] =	vst.add.f32.msk $0xffff, v2  }
0x177: {  	[tilespmem:s8+$0xDDB0] =	vst.add.f32.msk $0xffff, v3  }
0x178: {  	[tilespmem:s8+$0xDDC0] =	vst.add.f32.msk $0xffff, v27  }
0x179: {  	s24 =	sadd.s32 $0x800, s24;
	[tilespmem:s8+$0xDDD0] =	vst.add.f32.msk $0xffff, v5  }
0x17a: {  	s6 =	sadd.s32 s31, s22  }
0x17b: {  	s6 =	sshll.u32 s6, $0x4  }
0x17c: {  	[tilespmem:s8+$0xDDE0] =	vst.add.f32.msk $0xffff, v1;
	p2 =	seq.s32 s26, $0x0;
	s7 =	simm.s32 $0xDC00;
	s6 =	sadd.s32 s3, s6  }
0x17d: {  	[hbm4b:s6+s5] =	stream.linear.scatter [tilespmem:s7], [sflag:$0xA], $0x2000, $0x38;
	[tilespmem:$0x1D8C8] =	vst v63  }
0x17e: {  	s6 =	simm.s32 @!p2 $0xC  }
0x17f: {  	_ =	swait.ge @!p2 [sflag:s6], $0x2000  }
0x180: {  	[sflag:s6] =	ssyncset.done @!p2 $0x0  }
0x181: {  	s11 =	simm.s32 $0x40;
	s24 =	simm.s32 $0x11C00;
	[sflag:s6] =	ssyncadd.s32 @!p2 $0xFFFFE000  }
0x182: {  	[tilespmem:s24], [sflag:$0x8] =	stream.indirect.gather [spmem:s4], $0x80, s0, s11, $0xb8;
	[tilespmem:$0x1D8C8] =	vst v63  }
0x183: {  	s0 =	rddreg [dreg:$0xe]  }
0x184: {  	s0 =	sadd.s32 @!p1 s31, s0  }
0x185: {  	s0 =	sshll.u32 @!p1 s0, $0x4  }
0x186: {  	s7 =	simm.s32 @!p1 $0x5C00;
	s6 =	simm.s32 @!p1 $0x0;
	s0 =	sadd.s32 @!p1 s1, s0  }
0x187: {  	[tilespmem:s7], [sflag:$0x2] =	stream.linear.gather @!p1 [hbm4b:s0+s6], $0x2000, $0x38;
	[tilespmem:$0x1D8C8] =	vst v63  }
0x188: {  	_ =	swait.ge [sflag:s23], $0x2000  }
0x189: {  	[sflag:s23] =	ssyncset.done $0x0  }
0x18a: {  	[sflag:s23] =	ssyncadd.s32 $0xFFFFE000  }
0x18b: {  	_ =	swait.ge [sflag:s2], $0x2000  }
0x18c: {  	[sflag:s2] =	ssyncset.done $0x0  }
0x18d: {  	s0 =	simm.s32 $0x0;
	[sflag:s2] =	ssyncadd.s32 $0xFFFFE000  }
0x18e: {  	v1 =	vld [tilespmem:s0+$0x7DF0]  }
0x18f: {  	v2 =	vld [tilespmem:s0+$0x7C00]  }
0x190: {  	v3 =	vld [tilespmem:s0+$0x7C10]  }
0x191: {  	v4 =	vld [tilespmem:s0+$0x7C20]  }
0x192: {  	v5 =	vld [tilespmem:s0+$0x7C30]  }
0x193: {  	v6 =	vld [tilespmem:s0+$0x7C40]  }
0x194: {  	v7 =	vld [tilespmem:s0+$0x7C50]  }
0x195: {  	v8 =	vld [tilespmem:s0+$0x7C70]  }
0x196: {  	v9 =	vld [tilespmem:s0+$0x7C80]  }
0x197: {  	v10 =	vld [tilespmem:s0+$0x7C90]  }
0x198: {  	v11 =	vld [tilespmem:s0+$0x7CA0]  }
0x199: {  	v12 =	vld [tilespmem:s0+$0x7CB0]  }
0x19a: {  	v13 =	vld [tilespmem:s0+$0x7CC0]  }
0x19b: {  	v14 =	vld [tilespmem:s0+$0x7CD0]  }
0x19c: {  	v15 =	vld [tilespmem:s0+$0x7CE0]  }
0x19d: {  	v16 =	vld [tilespmem:s0+$0x7CF0]  }
0x19e: {  	v17 =	vld [tilespmem:s0+$0x7D00]  }
0x19f: {  	v18 =	vld [tilespmem:s0+$0x7D10]  }
0x1a0: {  	v19 =	vld [tilespmem:s0+$0x7D20]  }
0x1a1: {  	v20 =	vld [tilespmem:s0+$0x7D30]  }
0x1a2: {  	v21 =	vld [tilespmem:s0+$0x7D40]  }
0x1a3: {  	v22 =	vld [tilespmem:s0+$0x7D50]  }
0x1a4: {  	v23 =	vld [tilespmem:s0+$0x7D60]  }
0x1a5: {  	v24 =	vld [tilespmem:s0+$0x7D70]  }
0x1a6: {  	v25 =	vld [tilespmem:s0+$0x7D80]  }
0x1a7: {  	v26 =	vld [tilespmem:s0+$0x7D90]  }
0x1a8: {  	v27 =	vld [tilespmem:s0+$0x7DA0]  }
0x1a9: {  	v28 =	vld [tilespmem:s0+$0x7DB0]  }
0x1aa: {  	v29 =	vld [tilespmem:s0+$0x7DC0]  }
0x1ab: {  	v30 =	vld [tilespmem:s0+$0x7DD0];
	v1 =	vmul.f32 v1, v0  }
0x1ac: {  	v31 =	vld [tilespmem:s0+$0x7DE0]  }
0x1ad: {  	v2 =	vmul.f32 v2, v0;
	[tilespmem:s0+$0xFDF0] =	vst.add.f32.msk $0xffff, v1  }
0x1ae: {  	v3 =	vmul.f32 v3, v0;
	v1 =	vld [tilespmem:s0+$0x7C60]  }
0x1af: {  	v4 =	vmul.f32 v4, v0;
	[tilespmem:s0+$0xFC00] =	vst.add.f32.msk $0xffff, v2  }
0x1b0: {  	v63 =	vmul.f32 v7, v0;
	[tilespmem:s0+$0xFC10] =	vst.add.f32.msk $0xffff, v3  }
0x1b1: {  	v2 =	vmul.f32 v5, v0;
	[tilespmem:s0+$0xFC20] =	vst.add.f32.msk $0xffff, v4  }
0x1b2: {  	v3 =	vmul.f32 v6, v0;
	[tilespmem:s0+$0xFC50] =	vst.add.f32.msk $0xffff, v63  }
0x1b3: {  	[tilespmem:s0+$0xFC30] =	vst.add.f32.msk $0xffff, v2;
	v2 =	vmul.f32 v8, v0  }
0x1b4: {  	[tilespmem:s0+$0xFC40] =	vst.add.f32.msk $0xffff, v3;
	v3 =	vmul.f32 v9, v0  }
0x1b5: {  	[tilespmem:s0+$0xFC70] =	vst.add.f32.msk $0xffff, v2;
	v2 =	vmul.f32 v11, v0  }
0x1b6: {  	[tilespmem:s0+$0xFC80] =	vst.add.f32.msk $0xffff, v3;
	v3 =	vmul.f32 v12, v0  }
0x1b7: {  	v1 =	vmul.f32 v1, v0;
	[tilespmem:s0+$0xFCA0] =	vst.add.f32.msk $0xffff, v2  }
0x1b8: {  	v2 =	vmul.f32 v14, v0;
	[tilespmem:s0+$0xFCB0] =	vst.add.f32.msk $0xffff, v3  }
0x1b9: {  	v3 =	vmul.f32 v15, v0;
	[tilespmem:s0+$0xFC60] =	vst.add.f32.msk $0xffff, v1  }
0x1ba: {  	v1 =	vmul.f32 v10, v0;
	[tilespmem:s0+$0xFCD0] =	vst.add.f32.msk $0xffff, v2  }
0x1bb: {  	v2 =	vmul.f32 v17, v0;
	[tilespmem:s0+$0xFCE0] =	vst.add.f32.msk $0xffff, v3  }
0x1bc: {  	v3 =	vmul.f32 v18, v0;
	[tilespmem:s0+$0xFC90] =	vst.add.f32.msk $0xffff, v1  }
0x1bd: {  	v1 =	vmul.f32 v13, v0;
	[tilespmem:s0+$0xFD00] =	vst.add.f32.msk $0xffff, v2  }
0x1be: {  	v2 =	vmul.f32 v20, v0;
	[tilespmem:s0+$0xFD10] =	vst.add.f32.msk $0xffff, v3  }
0x1bf: {  	v3 =	vmul.f32 v21, v0;
	[tilespmem:s0+$0xFCC0] =	vst.add.f32.msk $0xffff, v1  }
0x1c0: {  	v1 =	vmul.f32 v16, v0;
	[tilespmem:s0+$0xFD30] =	vst.add.f32.msk $0xffff, v2  }
0x1c1: {  	v2 =	vmul.f32 v23, v0;
	[tilespmem:s0+$0xFD40] =	vst.add.f32.msk $0xffff, v3  }
0x1c2: {  	v3 =	vmul.f32 v24, v0;
	[tilespmem:s0+$0xFCF0] =	vst.add.f32.msk $0xffff, v1  }
0x1c3: {  	v1 =	vmul.f32 v19, v0;
	[tilespmem:s0+$0xFD60] =	vst.add.f32.msk $0xffff, v2  }
0x1c4: {  	v2 =	vmul.f32 v26, v0;
	[tilespmem:s0+$0xFD70] =	vst.add.f32.msk $0xffff, v3  }
0x1c5: {  	[tilespmem:s0+$0xFD20] =	vst.add.f32.msk $0xffff, v1;
	v1 =	vmul.f32 v22, v0  }
0x1c6: {  	v3 =	vmul.f32 v27, v0;
	[tilespmem:s0+$0xFD90] =	vst.add.f32.msk $0xffff, v2  }
0x1c7: {  	[tilespmem:s0+$0xFD50] =	vst.add.f32.msk $0xffff, v1;
	v1 =	vmul.f32 v25, v0  }
0x1c8: {  	v2 =	vmul.f32 v29, v0;
	[tilespmem:s0+$0xFDA0] =	vst.add.f32.msk $0xffff, v3  }
0x1c9: {  	[tilespmem:s0+$0xFD80] =	vst.add.f32.msk $0xffff, v1;
	v1 =	vmul.f32 v28, v0  }
0x1ca: {  	v3 =	vmul.f32 v30, v0;
	[tilespmem:s0+$0xFDC0] =	vst.add.f32.msk $0xffff, v2  }
0x1cb: {  	[tilespmem:s0+$0xFDB0] =	vst.add.f32.msk $0xffff, v1;
	v1 =	vmul.f32 v31, v0  }
0x1cc: {  	s8 =	simm.s32 $0x0;
	s11 =	simm.s32 $0x800;
	[tilespmem:s0+$0xFDD0] =	vst.add.f32.msk $0xffff, v3  }
.LBB2_15:
0x1cd: {  	s8 =	sadd.s32 $0x4, s8;
	[tilespmem:s0+$0xFDE0] =	vst.add.f32.msk $0xffff, v1;
	s0 =	sshra.s32 s11, $0x2  }
0x1ce: {  	v1 =	vld [tilespmem:s0+$0x7DF0];
	p2 =	slt.u32 s8, $0x3C  }
0x1cf: {  	v2 =	vld [tilespmem:s0+$0x7C00]  }
0x1d0: {  	v3 =	vld [tilespmem:s0+$0x7C10]  }
0x1d1: {  	v4 =	vld [tilespmem:s0+$0x7C20]  }
0x1d2: {  	v5 =	vld [tilespmem:s0+$0x7C30]  }
0x1d3: {  	v6 =	vld [tilespmem:s0+$0x7C40];
	v1 =	vmul.f32 v1, v0  }
0x1d4: {  	v2 =	vmul.f32 v2, v0;
	v7 =	vld [tilespmem:s0+$0x7C50]  }
0x1d5: {  	v3 =	vmul.f32 v3, v0;
	[tilespmem:s0+$0xFDF0] =	vst.add.f32.msk $0xffff, v1  }
0x1d6: {  	v1 =	vmul.f32 v4, v0;
	v4 =	vld [tilespmem:s0+$0x7C60]  }
0x1d7: {  	v5 =	vmul.f32 v5, v0;
	v8 =	vld [tilespmem:s0+$0x7C70]  }
0x1d8: {  	v6 =	vmul.f32 v6, v0;
	v9 =	vld [tilespmem:s0+$0x7C80]  }
0x1d9: {  	v7 =	vmul.f32 v7, v0;
	v10 =	vld [tilespmem:s0+$0x7C90]  }
0x1da: {  	v11 =	vld [tilespmem:s0+$0x7CA0]  }
0x1db: {  	v4 =	vmul.f32 v4, v0;
	v12 =	vld [tilespmem:s0+$0x7CB0]  }
0x1dc: {  	v8 =	vmul.f32 v8, v0;
	v13 =	vld [tilespmem:s0+$0x7CC0]  }
0x1dd: {  	v9 =	vmul.f32 v9, v0;
	v14 =	vld [tilespmem:s0+$0x7CD0]  }
0x1de: {  	v10 =	vmul.f32 v10, v0;
	v15 =	vld [tilespmem:s0+$0x7CE0]  }
0x1df: {  	v11 =	vmul.f32 v11, v0;
	v16 =	vld [tilespmem:s0+$0x7CF0]  }
0x1e0: {  	v12 =	vmul.f32 v12, v0;
	v17 =	vld [tilespmem:s0+$0x7D00]  }
0x1e1: {  	v13 =	vmul.f32 v13, v0;
	v18 =	vld [tilespmem:s0+$0x7D10]  }
0x1e2: {  	v14 =	vmul.f32 v14, v0;
	v19 =	vld [tilespmem:s0+$0x7D20]  }
0x1e3: {  	v15 =	vmul.f32 v15, v0;
	v20 =	vld [tilespmem:s0+$0x7D30]  }
0x1e4: {  	v16 =	vmul.f32 v16, v0;
	v21 =	vld [tilespmem:s0+$0x7D40]  }
0x1e5: {  	v17 =	vmul.f32 v17, v0;
	v22 =	vld [tilespmem:s0+$0x7D50]  }
0x1e6: {  	v18 =	vmul.f32 v18, v0;
	v23 =	vld [tilespmem:s0+$0x7D60]  }
0x1e7: {  	v19 =	vmul.f32 v19, v0;
	v24 =	vld [tilespmem:s0+$0x7D70]  }
0x1e8: {  	v20 =	vmul.f32 v20, v0;
	v25 =	vld [tilespmem:s0+$0x7D80]  }
0x1e9: {  	v21 =	vmul.f32 v21, v0;
	v26 =	vld [tilespmem:s0+$0x7D90]  }
0x1ea: {  	v22 =	vmul.f32 v22, v0;
	v27 =	vld [tilespmem:s0+$0x7DA0]  }
0x1eb: {  	v23 =	vmul.f32 v23, v0;
	v28 =	vld [tilespmem:s0+$0x7DB0]  }
0x1ec: {  	v24 =	vmul.f32 v24, v0;
	v29 =	vld [tilespmem:s0+$0x7DC0]  }
0x1ed: {  	v25 =	vmul.f32 v25, v0;
	v30 =	vld [tilespmem:s0+$0x7DD0]  }
0x1ee: {  	v26 =	vmul.f32 v26, v0;
	v31 =	vld [tilespmem:s0+$0x7DE0]  }
0x1ef: {  	[tilespmem:s0+$0xFC00] =	vst.add.f32.msk $0xffff, v2;
	v2 =	vmul.f32 v27, v0  }
0x1f0: {  	[tilespmem:s0+$0xFC10] =	vst.add.f32.msk $0xffff, v3;
	v3 =	vmul.f32 v28, v0  }
0x1f1: {  	[tilespmem:s0+$0xFC20] =	vst.add.f32.msk $0xffff, v1;
	v27 =	vmul.f32 v29, v0  }
0x1f2: {  	[tilespmem:s0+$0xFC30] =	vst.add.f32.msk $0xffff, v5;
	v5 =	vmul.f32 v30, v0  }
0x1f3: {  	[tilespmem:s0+$0xFC40] =	vst.add.f32.msk $0xffff, v6;
	v1 =	vmul.f32 v31, v0  }
0x1f4: {  	[tilespmem:s0+$0xFC50] =	vst.add.f32.msk $0xffff, v7  }
0x1f5: {  	[tilespmem:s0+$0xFC60] =	vst.add.f32.msk $0xffff, v4  }
0x1f6: {  	[tilespmem:s0+$0xFC70] =	vst.add.f32.msk $0xffff, v8  }
0x1f7: {  	[tilespmem:s0+$0xFC80] =	vst.add.f32.msk $0xffff, v9  }
0x1f8: {  	[tilespmem:s0+$0xFC90] =	vst.add.f32.msk $0xffff, v10  }
0x1f9: {  	[tilespmem:s0+$0xFCA0] =	vst.add.f32.msk $0xffff, v11  }
0x1fa: {  	[tilespmem:s0+$0xFCB0] =	vst.add.f32.msk $0xffff, v12  }
0x1fb: {  	[tilespmem:s0+$0xFCC0] =	vst.add.f32.msk $0xffff, v13  }
0x1fc: {  	[tilespmem:s0+$0xFCD0] =	vst.add.f32.msk $0xffff, v14  }
0x1fd: {  	[tilespmem:s0+$0xFCE0] =	vst.add.f32.msk $0xffff, v15  }
0x1fe: {  	[tilespmem:s0+$0xFCF0] =	vst.add.f32.msk $0xffff, v16  }
0x1ff: {  	[tilespmem:s0+$0xFD00] =	vst.add.f32.msk $0xffff, v17  }
0x200: {  	[tilespmem:s0+$0xFD10] =	vst.add.f32.msk $0xffff, v18  }
0x201: {  	[tilespmem:s0+$0xFD20] =	vst.add.f32.msk $0xffff, v19  }
0x202: {  	[tilespmem:s0+$0xFD30] =	vst.add.f32.msk $0xffff, v20  }
0x203: {  	[tilespmem:s0+$0xFD40] =	vst.add.f32.msk $0xffff, v21  }
0x204: {  	[tilespmem:s0+$0xFD50] =	vst.add.f32.msk $0xffff, v22  }
0x205: {  	[tilespmem:s0+$0xFD60] =	vst.add.f32.msk $0xffff, v23  }
0x206: {  	[tilespmem:s0+$0xFD70] =	vst.add.f32.msk $0xffff, v24  }
0x207: {  	[tilespmem:s0+$0xFD80] =	vst.add.f32.msk $0xffff, v25  }
.Ltmp7:
0x208: {  	[tilespmem:s0+$0xFD90] =	vst.add.f32.msk $0xffff, v26;
	(pc) =	sbr.rel @p2 .LBB2_15-.Ltmp7, $4  }
0x209: {  	[tilespmem:s0+$0xFDA0] =	vst.add.f32.msk $0xffff, v2  }
0x20a: {  	[tilespmem:s0+$0xFDB0] =	vst.add.f32.msk $0xffff, v3  }
0x20b: {  	[tilespmem:s0+$0xFDC0] =	vst.add.f32.msk $0xffff, v27  }
0x20c: {  	s11 =	sadd.s32 $0x800, s11;
	[tilespmem:s0+$0xFDD0] =	vst.add.f32.msk $0xffff, v5  }
0x20d: {  	s6 =	sadd.s32 s9, s13  }
0x20e: {  	s6 =	sshll.u32 s6, $0x4  }
0x20f: {  	[tilespmem:s0+$0xFDE0] =	vst.add.f32.msk $0xffff, v1;
	s24 =	simm.s32 $0xFC00;
	s13 =	sadd.s32 s3, s6  }
0x210: {  	[hbm4b:s13+s5] =	stream.linear.scatter [tilespmem:s24], [sflag:$0xB], $0x2000, $0x38;
	[tilespmem:$0x1D8C8] =	vst v63  }
0x211: {  	s0 =	sshll.u32 @!p1 s26, $0x8;
	_ =	swait.ge [sflag:s12], $0x2000  }
0x212: {  	s7 =	simm.s32 @!p1 $0x40;
	s0 =	sand.u32 @!p1 $0x3FFFFF00, s0;
	[sflag:s12] =	ssyncset.done $0x0  }
0x213: {  	s8 =	simm.s32 @!p1 $0xBC00;
	s6 =	sadd.s32 @!p1 $0x100, s0;
	[sflag:s12] =	ssyncadd.s32 $0xFFFFE000  }
0x214: {  	[tilespmem:s8], [sflag:$0x5] =	stream.indirect.gather @!p1 [spmem:s4], $0x80, s6, s7, $0xb8;
	[tilespmem:$0x1D8C8] =	vst v63  }
0x215: {  	s6 =	rddreg [dreg:$0xf]  }
0x216: {  	s6 =	sadd.s32 @!p1 s31, s6  }
0x217: {  	s6 =	sshll.u32 @!p1 s6, $0x4  }
0x218: {  	s7 =	simm.s32 @!p1 $0x0;
	s8 =	simm.s32 @!p1 $0x7C00;
	s6 =	sadd.s32 @!p1 s1, s6  }
0x219: {  	[tilespmem:s8], [sflag:$0x3] =	stream.linear.gather @!p1 [hbm4b:s6+s7], $0x2000, $0x38;
	[tilespmem:$0x1D8C8] =	vst v63  }
0x21a: {  	_ =	swait.ge [sflag:s15], $0x2000  }
0x21b: {  	[sflag:s15] =	ssyncset.done $0x0  }
0x21c: {  	[sflag:s15] =	ssyncadd.s32 $0xFFFFE000  }
0x21d: {  	_ =	swait.ge [sflag:s16], $0x2000  }
0x21e: {  	[sflag:s16] =	ssyncset.done $0x0  }
0x21f: {  	s8 =	simm.s32 $0x0;
	[sflag:s16] =	ssyncadd.s32 $0xFFFFE000  }
0x220: {  	v1 =	vld [tilespmem:s8+$0x9DF0]  }
0x221: {  	v2 =	vld [tilespmem:s8+$0x9C00]  }
0x222: {  	v3 =	vld [tilespmem:s8+$0x9C10]  }
0x223: {  	v4 =	vld [tilespmem:s8+$0x9C20]  }
0x224: {  	v5 =	vld [tilespmem:s8+$0x9C30]  }
0x225: {  	v6 =	vld [tilespmem:s8+$0x9C40]  }
0x226: {  	v7 =	vld [tilespmem:s8+$0x9C50]  }
0x227: {  	v8 =	vld [tilespmem:s8+$0x9C70]  }
0x228: {  	v9 =	vld [tilespmem:s8+$0x9C80]  }
0x229: {  	v10 =	vld [tilespmem:s8+$0x9C90]  }
0x22a: {  	v11 =	vld [tilespmem:s8+$0x9CA0]  }
0x22b: {  	v12 =	vld [tilespmem:s8+$0x9CB0]  }
0x22c: {  	v13 =	vld [tilespmem:s8+$0x9CC0]  }
0x22d: {  	v14 =	vld [tilespmem:s8+$0x9CD0]  }
0x22e: {  	v15 =	vld [tilespmem:s8+$0x9CE0]  }
0x22f: {  	v16 =	vld [tilespmem:s8+$0x9CF0]  }
0x230: {  	v17 =	vld [tilespmem:s8+$0x9D00]  }
0x231: {  	v18 =	vld [tilespmem:s8+$0x9D10]  }
0x232: {  	v19 =	vld [tilespmem:s8+$0x9D20]  }
0x233: {  	v20 =	vld [tilespmem:s8+$0x9D30]  }
0x234: {  	v21 =	vld [tilespmem:s8+$0x9D40]  }
0x235: {  	v22 =	vld [tilespmem:s8+$0x9D50]  }
0x236: {  	v23 =	vld [tilespmem:s8+$0x9D60]  }
0x237: {  	v24 =	vld [tilespmem:s8+$0x9D70]  }
0x238: {  	v25 =	vld [tilespmem:s8+$0x9D80]  }
0x239: {  	v26 =	vld [tilespmem:s8+$0x9D90]  }
0x23a: {  	v27 =	vld [tilespmem:s8+$0x9DA0]  }
0x23b: {  	v28 =	vld [tilespmem:s8+$0x9DB0]  }
0x23c: {  	v29 =	vld [tilespmem:s8+$0x9DC0]  }
0x23d: {  	v30 =	vld [tilespmem:s8+$0x9DD0];
	v1 =	vmul.f32 v1, v0  }
0x23e: {  	v31 =	vld [tilespmem:s8+$0x9DE0]  }
0x23f: {  	v2 =	vmul.f32 v2, v0;
	[tilespmem:s8+$0x11DF0] =	vst.add.f32.msk $0xffff, v1  }
0x240: {  	v3 =	vmul.f32 v3, v0;
	v1 =	vld [tilespmem:s8+$0x9C60]  }
0x241: {  	v4 =	vmul.f32 v4, v0;
	[tilespmem:s8+$0x11C00] =	vst.add.f32.msk $0xffff, v2  }
0x242: {  	v63 =	vmul.f32 v7, v0;
	[tilespmem:s8+$0x11C10] =	vst.add.f32.msk $0xffff, v3  }
0x243: {  	v2 =	vmul.f32 v5, v0;
	[tilespmem:s8+$0x11C20] =	vst.add.f32.msk $0xffff, v4  }
0x244: {  	v3 =	vmul.f32 v6, v0;
	[tilespmem:s8+$0x11C50] =	vst.add.f32.msk $0xffff, v63  }
0x245: {  	[tilespmem:s8+$0x11C30] =	vst.add.f32.msk $0xffff, v2;
	v2 =	vmul.f32 v8, v0  }
0x246: {  	[tilespmem:s8+$0x11C40] =	vst.add.f32.msk $0xffff, v3;
	v3 =	vmul.f32 v9, v0  }
0x247: {  	[tilespmem:s8+$0x11C70] =	vst.add.f32.msk $0xffff, v2;
	v2 =	vmul.f32 v11, v0  }
0x248: {  	[tilespmem:s8+$0x11C80] =	vst.add.f32.msk $0xffff, v3;
	v3 =	vmul.f32 v12, v0  }
0x249: {  	v1 =	vmul.f32 v1, v0;
	[tilespmem:s8+$0x11CA0] =	vst.add.f32.msk $0xffff, v2  }
0x24a: {  	v2 =	vmul.f32 v14, v0;
	[tilespmem:s8+$0x11CB0] =	vst.add.f32.msk $0xffff, v3  }
0x24b: {  	v3 =	vmul.f32 v15, v0;
	[tilespmem:s8+$0x11C60] =	vst.add.f32.msk $0xffff, v1  }
0x24c: {  	v1 =	vmul.f32 v10, v0;
	[tilespmem:s8+$0x11CD0] =	vst.add.f32.msk $0xffff, v2  }
0x24d: {  	v2 =	vmul.f32 v17, v0;
	[tilespmem:s8+$0x11CE0] =	vst.add.f32.msk $0xffff, v3  }
0x24e: {  	v3 =	vmul.f32 v18, v0;
	[tilespmem:s8+$0x11C90] =	vst.add.f32.msk $0xffff, v1  }
0x24f: {  	v1 =	vmul.f32 v13, v0;
	[tilespmem:s8+$0x11D00] =	vst.add.f32.msk $0xffff, v2  }
0x250: {  	v2 =	vmul.f32 v20, v0;
	[tilespmem:s8+$0x11D10] =	vst.add.f32.msk $0xffff, v3  }
0x251: {  	v3 =	vmul.f32 v21, v0;
	[tilespmem:s8+$0x11CC0] =	vst.add.f32.msk $0xffff, v1  }
0x252: {  	v1 =	vmul.f32 v16, v0;
	[tilespmem:s8+$0x11D30] =	vst.add.f32.msk $0xffff, v2  }
0x253: {  	v2 =	vmul.f32 v23, v0;
	[tilespmem:s8+$0x11D40] =	vst.add.f32.msk $0xffff, v3  }
0x254: {  	v3 =	vmul.f32 v24, v0;
	[tilespmem:s8+$0x11CF0] =	vst.add.f32.msk $0xffff, v1  }
0x255: {  	v1 =	vmul.f32 v19, v0;
	[tilespmem:s8+$0x11D60] =	vst.add.f32.msk $0xffff, v2  }
0x256: {  	v2 =	vmul.f32 v26, v0;
	[tilespmem:s8+$0x11D70] =	vst.add.f32.msk $0xffff, v3  }
0x257: {  	[tilespmem:s8+$0x11D20] =	vst.add.f32.msk $0xffff, v1;
	v1 =	vmul.f32 v22, v0  }
0x258: {  	v3 =	vmul.f32 v27, v0;
	[tilespmem:s8+$0x11D90] =	vst.add.f32.msk $0xffff, v2  }
0x259: {  	[tilespmem:s8+$0x11D50] =	vst.add.f32.msk $0xffff, v1;
	v1 =	vmul.f32 v25, v0  }
0x25a: {  	v2 =	vmul.f32 v29, v0;
	[tilespmem:s8+$0x11DA0] =	vst.add.f32.msk $0xffff, v3  }
0x25b: {  	[tilespmem:s8+$0x11D80] =	vst.add.f32.msk $0xffff, v1;
	v1 =	vmul.f32 v28, v0  }
0x25c: {  	v3 =	vmul.f32 v30, v0;
	[tilespmem:s8+$0x11DC0] =	vst.add.f32.msk $0xffff, v2  }
0x25d: {  	[tilespmem:s8+$0x11DB0] =	vst.add.f32.msk $0xffff, v1;
	v1 =	vmul.f32 v31, v0  }
0x25e: {  	s11 =	simm.s32 $0x0;
	s13 =	simm.s32 $0x800;
	[tilespmem:s8+$0x11DD0] =	vst.add.f32.msk $0xffff, v3  }
.LBB2_17:
0x25f: {  	s11 =	sadd.s32 $0x4, s11;
	[tilespmem:s8+$0x11DE0] =	vst.add.f32.msk $0xffff, v1;
	s8 =	sshra.s32 s13, $0x2  }
0x260: {  	v1 =	vld [tilespmem:s8+$0x9DF0];
	p2 =	slt.u32 s11, $0x3C  }
0x261: {  	v2 =	vld [tilespmem:s8+$0x9C00]  }
0x262: {  	v3 =	vld [tilespmem:s8+$0x9C10]  }
0x263: {  	v4 =	vld [tilespmem:s8+$0x9C20]  }
0x264: {  	v5 =	vld [tilespmem:s8+$0x9C30]  }
0x265: {  	v6 =	vld [tilespmem:s8+$0x9C40];
	v1 =	vmul.f32 v1, v0  }
0x266: {  	v2 =	vmul.f32 v2, v0;
	v7 =	vld [tilespmem:s8+$0x9C50]  }
0x267: {  	v3 =	vmul.f32 v3, v0;
	[tilespmem:s8+$0x11DF0] =	vst.add.f32.msk $0xffff, v1  }
0x268: {  	v1 =	vmul.f32 v4, v0;
	v4 =	vld [tilespmem:s8+$0x9C60]  }
0x269: {  	v5 =	vmul.f32 v5, v0;
	v8 =	vld [tilespmem:s8+$0x9C70]  }
0x26a: {  	v6 =	vmul.f32 v6, v0;
	v9 =	vld [tilespmem:s8+$0x9C80]  }
0x26b: {  	v7 =	vmul.f32 v7, v0;
	v10 =	vld [tilespmem:s8+$0x9C90]  }
0x26c: {  	v11 =	vld [tilespmem:s8+$0x9CA0]  }
0x26d: {  	v4 =	vmul.f32 v4, v0;
	v12 =	vld [tilespmem:s8+$0x9CB0]  }
0x26e: {  	v8 =	vmul.f32 v8, v0;
	v13 =	vld [tilespmem:s8+$0x9CC0]  }
0x26f: {  	v9 =	vmul.f32 v9, v0;
	v14 =	vld [tilespmem:s8+$0x9CD0]  }
0x270: {  	v10 =	vmul.f32 v10, v0;
	v15 =	vld [tilespmem:s8+$0x9CE0]  }
0x271: {  	v11 =	vmul.f32 v11, v0;
	v16 =	vld [tilespmem:s8+$0x9CF0]  }
0x272: {  	v12 =	vmul.f32 v12, v0;
	v17 =	vld [tilespmem:s8+$0x9D00]  }
0x273: {  	v13 =	vmul.f32 v13, v0;
	v18 =	vld [tilespmem:s8+$0x9D10]  }
0x274: {  	v14 =	vmul.f32 v14, v0;
	v19 =	vld [tilespmem:s8+$0x9D20]  }
0x275: {  	v15 =	vmul.f32 v15, v0;
	v20 =	vld [tilespmem:s8+$0x9D30]  }
0x276: {  	v16 =	vmul.f32 v16, v0;
	v21 =	vld [tilespmem:s8+$0x9D40]  }
0x277: {  	v17 =	vmul.f32 v17, v0;
	v22 =	vld [tilespmem:s8+$0x9D50]  }
0x278: {  	v18 =	vmul.f32 v18, v0;
	v23 =	vld [tilespmem:s8+$0x9D60]  }
0x279: {  	v19 =	vmul.f32 v19, v0;
	v24 =	vld [tilespmem:s8+$0x9D70]  }
0x27a: {  	v20 =	vmul.f32 v20, v0;
	v25 =	vld [tilespmem:s8+$0x9D80]  }
0x27b: {  	v21 =	vmul.f32 v21, v0;
	v26 =	vld [tilespmem:s8+$0x9D90]  }
0x27c: {  	v22 =	vmul.f32 v22, v0;
	v27 =	vld [tilespmem:s8+$0x9DA0]  }
0x27d: {  	v23 =	vmul.f32 v23, v0;
	v28 =	vld [tilespmem:s8+$0x9DB0]  }
0x27e: {  	v24 =	vmul.f32 v24, v0;
	v29 =	vld [tilespmem:s8+$0x9DC0]  }
0x27f: {  	v25 =	vmul.f32 v25, v0;
	v30 =	vld [tilespmem:s8+$0x9DD0]  }
0x280: {  	v26 =	vmul.f32 v26, v0;
	v31 =	vld [tilespmem:s8+$0x9DE0]  }
0x281: {  	[tilespmem:s8+$0x11C00] =	vst.add.f32.msk $0xffff, v2;
	v2 =	vmul.f32 v27, v0  }
0x282: {  	[tilespmem:s8+$0x11C10] =	vst.add.f32.msk $0xffff, v3;
	v3 =	vmul.f32 v28, v0  }
0x283: {  	[tilespmem:s8+$0x11C20] =	vst.add.f32.msk $0xffff, v1;
	v27 =	vmul.f32 v29, v0  }
0x284: {  	[tilespmem:s8+$0x11C30] =	vst.add.f32.msk $0xffff, v5;
	v5 =	vmul.f32 v30, v0  }
0x285: {  	[tilespmem:s8+$0x11C40] =	vst.add.f32.msk $0xffff, v6;
	v1 =	vmul.f32 v31, v0  }
0x286: {  	[tilespmem:s8+$0x11C50] =	vst.add.f32.msk $0xffff, v7  }
0x287: {  	[tilespmem:s8+$0x11C60] =	vst.add.f32.msk $0xffff, v4  }
0x288: {  	[tilespmem:s8+$0x11C70] =	vst.add.f32.msk $0xffff, v8  }
0x289: {  	[tilespmem:s8+$0x11C80] =	vst.add.f32.msk $0xffff, v9  }
0x28a: {  	[tilespmem:s8+$0x11C90] =	vst.add.f32.msk $0xffff, v10  }
0x28b: {  	[tilespmem:s8+$0x11CA0] =	vst.add.f32.msk $0xffff, v11  }
0x28c: {  	[tilespmem:s8+$0x11CB0] =	vst.add.f32.msk $0xffff, v12  }
0x28d: {  	[tilespmem:s8+$0x11CC0] =	vst.add.f32.msk $0xffff, v13  }
0x28e: {  	[tilespmem:s8+$0x11CD0] =	vst.add.f32.msk $0xffff, v14  }
0x28f: {  	[tilespmem:s8+$0x11CE0] =	vst.add.f32.msk $0xffff, v15  }
0x290: {  	[tilespmem:s8+$0x11CF0] =	vst.add.f32.msk $0xffff, v16  }
0x291: {  	[tilespmem:s8+$0x11D00] =	vst.add.f32.msk $0xffff, v17  }
0x292: {  	[tilespmem:s8+$0x11D10] =	vst.add.f32.msk $0xffff, v18  }
0x293: {  	[tilespmem:s8+$0x11D20] =	vst.add.f32.msk $0xffff, v19  }
0x294: {  	[tilespmem:s8+$0x11D30] =	vst.add.f32.msk $0xffff, v20  }
0x295: {  	[tilespmem:s8+$0x11D40] =	vst.add.f32.msk $0xffff, v21  }
0x296: {  	[tilespmem:s8+$0x11D50] =	vst.add.f32.msk $0xffff, v22  }
0x297: {  	[tilespmem:s8+$0x11D60] =	vst.add.f32.msk $0xffff, v23  }
0x298: {  	[tilespmem:s8+$0x11D70] =	vst.add.f32.msk $0xffff, v24  }
0x299: {  	[tilespmem:s8+$0x11D80] =	vst.add.f32.msk $0xffff, v25  }
.Ltmp8:
0x29a: {  	[tilespmem:s8+$0x11D90] =	vst.add.f32.msk $0xffff, v26;
	(pc) =	sbr.rel @p2 .LBB2_17-.Ltmp8, $4  }
0x29b: {  	[tilespmem:s8+$0x11DA0] =	vst.add.f32.msk $0xffff, v2  }
0x29c: {  	[tilespmem:s8+$0x11DB0] =	vst.add.f32.msk $0xffff, v3  }
0x29d: {  	[tilespmem:s8+$0x11DC0] =	vst.add.f32.msk $0xffff, v27  }
0x29e: {  	s13 =	sadd.s32 $0x800, s13;
	[tilespmem:s8+$0x11DD0] =	vst.add.f32.msk $0xffff, v5  }
0x29f: {  	[tilespmem:s8+$0x11DE0] =	vst.add.f32.msk $0xffff, v1;
	s6 =	sadd.s32 s3, s28;
	s7 =	simm.s32 $0x11C00  }
0x2a0: {  	[hbm4b:s6+s5] =	stream.linear.scatter [tilespmem:s7], [sflag:$0xC], $0x2000, $0x38;
	[tilespmem:$0x1D8C8] =	vst v63  }
0x2a1: {  	_ =	swait.ge [sflag:s18], $0x2000  }
0x2a2: {  	s0 =	sadd.s32 @!p1 $0x140, s0;
	s26 =	sadd.s32 $0x1, s26;
	[sflag:s18] =	ssyncset.done $0x0  }
0x2a3: {  	s6 =	simm.s32 @!p1 $0x40;
	s7 =	simm.s32 @!p1 $0xDC00;
	[sflag:s18] =	ssyncadd.s32 $0xFFFFE000  }
0x2a4: {  	[tilespmem:s7], [sflag:$0x6] =	stream.indirect.gather @!p1 [spmem:s4], $0x80, s0, s6, $0xb8;
	[tilespmem:$0x1D8C8] =	vst v63  }
0x2a5: {  	p1 =	sne.s32 s26, $0x32  }
.Ltmp9:
0x2a6: {  	_ = 	snop;
	(pc) =	sbr.rel @p1 .LBB2_6-.Ltmp9, $1  }
0x2a7: {  	_ =	sdelay $0x3  }
0x2a8: {  	s0 =	simm.s32 $0xB  }
0x2a9: {  	_ =	swait.ge [sflag:s0], $0x2000  }
0x2aa: {  	[sflag:s0] =	ssyncset.done $0x0  }
0x2ab: {  	s31 =	simm.s32 $0xC;
	[sflag:s0] =	ssyncadd.s32 $0xFFFFE000  }
0x2ac: {  	_ =	swait.ge [sflag:s31], $0x2000  }
0x2ad: {  	s8 =	simm.s32 $0x0;
	[sflag:s31] =	ssyncset.done $0x0  }
0x2ae: {  	s11 =	simm.s32 $0x0;
	s0 =	simm.s32 $0x0;
	[sflag:s31] =	ssyncadd.s32 $0xFFFFE000  }
.LBB2_20:
0x2af: {  	s6 =	smul.u32 $0x500, s11;
	_ =	sdelay $0x1  }
0x2b0: {  	s6 =	sadd.s32 s17, s6  }
0x2b1: {  	s6 =	sshrl.u32 s6, $0x3  }
0x2b2: {  	s13 =	simm.s32 $0x3200;
	s7 =	sadd.s32 s29, s6  }
0x2b3: {  	[tilespmem:s13], [sflag:$0xD] =	stream.linear.gather [hbm4b:s7+s0], $0x500, $0x38;
	[tilespmem:$0x1D8C8] =	vst v63  }
0x2b4: {  	_ =	swait.ge [sflag:s30], $0x500  }
0x2b5: {  	[sflag:s30] =	ssyncset.done $0x0  }
0x2b6: {  	s26 =	simm.s32 $0x3700;
	s6 =	sadd.s32 s14, s6;
	[sflag:s30] =	ssyncadd.s32 $0xFFFFFB00  }
0x2b7: {  	[tilespmem:s26], [sflag:$0xD] =	stream.linear.gather [hbm4b:s6+s0], $0x500, $0x38;
	[tilespmem:$0x1D8C8] =	vst v63  }
0x2b8: {  	_ =	swait.ge [sflag:s30], $0x500  }
0x2b9: {  	[sflag:s30] =	ssyncset.done $0x0  }
0x2ba: {  	s7 =	simm.s32 $0x3220;
	[sflag:s30] =	ssyncadd.s32 $0xFFFFFB00  }
0x2bb: {  	s13 =	simm.s32 $0x3720;
	v6 =	vld [tilespmem:s7+$0x10]  }
0x2bc: {  	v7 =	vld [tilespmem:s13+$0x10]  }
0x2bd: {  	v3 =	vld [tilespmem:s7+$0xFFFFFFF0]  }
0x2be: {  	s9 =	smov.u32 s29;
	v1 =	vld [tilespmem:s7+$0x0]  }
0x2bf: {  	s24 =	simm.s32 $0x0;
	s22 =	simm.s32 $0x10;
	s21 =	simm.s32 $0x30;
	v2 =	vld [tilespmem:s7+$0xFFFFFFE0]  }
0x2c0: {  	s31 =	simm.s32 $0x3260;
	s29 =	smov.u32 s14;
	s14 =	sadd.s32 $0x0, s8;
	v4 =	vld [tilespmem:s13+$0xFFFFFFE0];
	vm0 =	vlt.s32 v6, $0x1388  }
0x2c1: {  	s28 =	simm.s32 $0x0;
	s21 =	sand.u32 $0x70, s21;
	s26 =	sand.u32 $0xFF80, s14;
	v5 =	vld [tilespmem:s13+$0xFFFFFFF0];
	vm1 =	veq.s32 v7, $0x0;
	v8 =	vnsel vm0, $0x1388, v6  }
0x2c2: {  	s6 =	simm.s32 $0x20;
	s7 =	sand.u32 $0x50, s22;
	s22 =	sor.u32 s21, s26;
	vm0 =	vlt.s32 v3, $0x1388;
	v6 =	vld [tilespmem:s13+$0x0];
	v7 =	vnsel vm1, $0x1388, v8  }
.LBB2_21:
0x2c3: {  	v8 =	vld [tilespmem:s31+$0x10];
	s24 =	sadd.s32 $0x4, s24;
	v9 =	vnsel vm0, $0x1388, v3;
	vm0 =	vlt.s32 v1, $0x1388;
	s6 =	sand.u32 $0x60, s6;
	[tilespmem:s22+$0x0] =	vst v7;
	s13 =	sadd.s32 $0x40, s13  }
0x2c4: {  	s21 =	sand.u32 $0x40, s28;
	s7 =	sor.u32 s7, s26;
	v7 =	vld [tilespmem:s13+$0x10];
	p1 =	slt.u32 s24, $0x4C;
	vm1 =	vlt.s32 v2, $0x1388;
	v10 =	vnsel vm0, $0x1388, v1  }
0x2c5: {  	s21 =	sor.u32 s21, s26;
	s22 =	sor.u32 s6, s26;
	v3 =	vld [tilespmem:s31+$0xFFFFFFF0];
	v2 =	vnsel vm1, $0x1388, v2;
	vm0 =	veq.s32 v4, $0x0  }
.Ltmp10:
0x2c6: {  	v1 =	vld [tilespmem:s31+$0x0];
	v4 =	vnsel vm0, $0x1388, v2;
	vm0 =	veq.s32 v5, $0x0;
	(pc) =	sbr.rel @p1 .LBB2_21-.Ltmp10, $4  }
0x2c7: {  	s28 =	sadd.s32 $0x40, s28;
	v2 =	vld [tilespmem:s31+$0xFFFFFFE0];
	[tilespmem:s21+$0x0] =	vst v4;
	v5 =	vnsel vm0, $0x1388, v9;
	vm0 =	veq.s32 v6, $0x0  }
0x2c8: {  	s6 =	sadd.s32 s28, s8;
	s14 =	sadd.s32 $0x30, s28;
	s21 =	sadd.s32 $0x10, s28;
	v4 =	vld [tilespmem:s13+$0xFFFFFFE0];
	vm1 =	vlt.s32 v8, $0x1388;
	[tilespmem:s7+$0x0] =	vst v5;
	v6 =	vnsel vm0, $0x1388, v10  }
0x2c9: {  	s26 =	sand.u32 $0xFF80, s6;
	s6 =	sadd.s32 $0x20, s28;
	s14 =	sand.u32 $0x70, s14;
	v5 =	vld [tilespmem:s13+$0xFFFFFFF0];
	v8 =	vnsel vm1, $0x1388, v8;
	vm1 =	veq.s32 v7, $0x0;
	[tilespmem:s22+$0x0] =	vst v6  }
0x2ca: {  	s31 =	sadd.s32 $0x40, s31;
	s7 =	sand.u32 $0x50, s21;
	s22 =	sor.u32 s14, s26;
	vm0 =	vlt.s32 v3, $0x1388;
	v6 =	vld [tilespmem:s13+$0x0];
	v7 =	vnsel vm1, $0x1388, v8  }
0x2cb: {  	s11 =	sadd.s32 $0x1, s11  }
0x2cc: {  	vm1 =	vlt.s32 v2, $0x1388;
	p1 =	sne.s32 s11, $0xA  }
.Ltmp11:
0x2cd: {  	v3 =	vnsel vm0, $0x1388, v3;
	s13 =	sand.u32 $0x40, s28;
	v2 =	vnsel vm1, $0x1388, v2;
	vm12 =	veq.s32 v4, $0x0;
	(pc) =	sbr.rel @p1 .LBB2_20-.Ltmp11, $4  }
0x2ce: {  	vm13 =	vlt.s32 v1, $0x1388;
	[tilespmem:s22+$0x0] =	vst v7;
	s13 =	sor.u32 s13, s26;
	v2 =	vnsel vm12, $0x1388, v2;
	vm14 =	veq.s32 v5, $0x0  }
0x2cf: {  	s6 =	sand.u32 $0x60, s6;
	s7 =	sor.u32 s7, s26;
	v1 =	vnsel vm13, $0x1388, v1;
	[tilespmem:s13+$0x0] =	vst v2;
	v2 =	vnsel vm14, $0x1388, v3;
	vm15 =	veq.s32 v6, $0x0  }
0x2d0: {  	s6 =	sor.u32 s6, s26;
	[tilespmem:s7+$0x0] =	vst v2;
	v1 =	vnsel vm15, $0x1388, v1  }
0x2d1: {  	s8 =	sadd.s32 $0x500, s8;
	s14 =	smov.u32 s29;
	s29 =	smov.u32 s9;
	[tilespmem:s6+$0x0] =	vst v1  }
0x2d2: {  	s7 =	simm.s32 $0x0;
	s0 =	rddreg [dreg:$0x10];
	s6 =	simm.s32 $0x3C00  }
0x2d3: {  	[tilespmem:s6], [sflag:$0x1] =	stream.linear.gather [hbm4b:s0+s7], $0x2000, $0x38;
	[tilespmem:$0x1D8C8] =	vst v63  }
0x2d4: {  	s13 =	rddreg [dreg:$0x11];
	s21 =	simm.s32 $0x5C00  }
0x2d5: {  	[tilespmem:s21], [sflag:$0x2] =	stream.linear.gather [hbm4b:s13+s7], $0x2000, $0x38;
	[tilespmem:$0x1D8C8] =	vst v63  }
0x2d6: {  	s22 =	rddreg [dreg:$0x12];
	s24 =	simm.s32 $0x7C00  }
0x2d7: {  	[tilespmem:s24], [sflag:$0x3] =	stream.linear.gather [hbm4b:s22+s7], $0x2000, $0x38;
	[tilespmem:$0x1D8C8] =	vst v63  }
0x2d8: {  	s26 =	simm.s32 $0x40;
	s28 =	simm.s32 $0xBC00  }
0x2d9: {  	[tilespmem:s28], [sflag:$0x5] =	stream.indirect.gather [spmem:s4], $0x80, s7, s26, $0xb8;
	[tilespmem:$0x1D8C8] =	vst v63  }
0x2da: {  	s31 =	simm.s32 $0xDC00;
	s9 =	rddreg [dreg:$0x7]  }
0x2db: {  	[tilespmem:s31], [sflag:$0x6] =	stream.indirect.gather [spmem:s4], $0x80, s26, s26, $0xb8;
	[tilespmem:$0x1D8C8] =	vst v63  }
0x2dc: {  	s21 =	simm.s32 $0x0;
	s22 =	simm.s32 $0x40;
	s26 =	simm.s32 $0x0  }
.LBB2_24:
0x2dd: {  	s31 =	sshll.u32 s26, $0x8  }
0x2de: {  	s0 =	sor.u32 $0xC0, s31  }
0x2df: {  	s6 =	sadd.s32 s17, s0  }
0x2e0: {  	s28 =	sshll.u32 s6, $0x4  }
0x2e1: {  	s7 =	simm.s32 $0x9C00;
	s6 =	sadd.s32 s1, s28  }
0x2e2: {  	[tilespmem:s7], [sflag:$0x4] =	stream.linear.gather [hbm4b:s6+s21], $0x2000, $0x38;
	[tilespmem:$0x1D8C8] =	vst v63  }
0x2e3: {  	_ =	swait.ge [sflag:s19], $0x2000  }
0x2e4: {  	[sflag:s19] =	ssyncset.done $0x0  }
0x2e5: {  	[sflag:s19] =	ssyncadd.s32 $0xFFFFE000  }
0x2e6: {  	_ =	swait.ge [sflag:s20], $0x2000  }
0x2e7: {  	[sflag:s20] =	ssyncset.done $0x0  }
0x2e8: {  	s8 =	simm.s32 $0x0;
	[sflag:s20] =	ssyncadd.s32 $0xFFFFE000  }
0x2e9: {  	v1 =	vld [tilespmem:s8+$0x3DF0]  }
0x2ea: {  	v2 =	vld [tilespmem:s8+$0x3C00]  }
0x2eb: {  	v3 =	vld [tilespmem:s8+$0x3C10]  }
0x2ec: {  	v4 =	vld [tilespmem:s8+$0x3C20]  }
0x2ed: {  	v5 =	vld [tilespmem:s8+$0x3C30]  }
0x2ee: {  	v6 =	vld [tilespmem:s8+$0x3C40]  }
0x2ef: {  	v7 =	vld [tilespmem:s8+$0x3C50]  }
0x2f0: {  	v8 =	vld [tilespmem:s8+$0x3C70]  }
0x2f1: {  	v9 =	vld [tilespmem:s8+$0x3C80]  }
0x2f2: {  	v10 =	vld [tilespmem:s8+$0x3C90]  }
0x2f3: {  	v11 =	vld [tilespmem:s8+$0x3CA0]  }
0x2f4: {  	v12 =	vld [tilespmem:s8+$0x3CB0]  }
0x2f5: {  	v13 =	vld [tilespmem:s8+$0x3CC0]  }
0x2f6: {  	v14 =	vld [tilespmem:s8+$0x3CD0]  }
0x2f7: {  	v15 =	vld [tilespmem:s8+$0x3CE0]  }
0x2f8: {  	v16 =	vld [tilespmem:s8+$0x3CF0]  }
0x2f9: {  	v17 =	vld [tilespmem:s8+$0x3D00]  }
0x2fa: {  	v18 =	vld [tilespmem:s8+$0x3D10]  }
0x2fb: {  	v19 =	vld [tilespmem:s8+$0x3D20]  }
0x2fc: {  	v20 =	vld [tilespmem:s8+$0x3D30]  }
0x2fd: {  	v21 =	vld [tilespmem:s8+$0x3D40]  }
0x2fe: {  	v22 =	vld [tilespmem:s8+$0x3D50]  }
0x2ff: {  	v23 =	vld [tilespmem:s8+$0x3D60]  }
0x300: {  	v24 =	vld [tilespmem:s8+$0x3D70]  }
0x301: {  	v25 =	vld [tilespmem:s8+$0x3D80]  }
0x302: {  	v26 =	vld [tilespmem:s8+$0x3D90]  }
0x303: {  	v27 =	vld [tilespmem:s8+$0x3DA0]  }
0x304: {  	v28 =	vld [tilespmem:s8+$0x3DB0]  }
0x305: {  	v29 =	vld [tilespmem:s8+$0x3DC0]  }
0x306: {  	v30 =	vld [tilespmem:s8+$0x3DD0];
	v1 =	vmul.f32 v1, v0  }
0x307: {  	v31 =	vld [tilespmem:s8+$0x3DE0]  }
0x308: {  	v2 =	vmul.f32 v2, v0;
	[tilespmem:s8+$0xBDF0] =	vst.add.f32.msk $0xffff, v1  }
0x309: {  	v3 =	vmul.f32 v3, v0;
	v1 =	vld [tilespmem:s8+$0x3C60]  }
0x30a: {  	v4 =	vmul.f32 v4, v0;
	[tilespmem:s8+$0xBC00] =	vst.add.f32.msk $0xffff, v2  }
0x30b: {  	v63 =	vmul.f32 v7, v0;
	[tilespmem:s8+$0xBC10] =	vst.add.f32.msk $0xffff, v3  }
0x30c: {  	v2 =	vmul.f32 v5, v0;
	[tilespmem:s8+$0xBC20] =	vst.add.f32.msk $0xffff, v4  }
0x30d: {  	v3 =	vmul.f32 v6, v0;
	[tilespmem:s8+$0xBC50] =	vst.add.f32.msk $0xffff, v63  }
0x30e: {  	[tilespmem:s8+$0xBC30] =	vst.add.f32.msk $0xffff, v2;
	v2 =	vmul.f32 v8, v0  }
0x30f: {  	[tilespmem:s8+$0xBC40] =	vst.add.f32.msk $0xffff, v3;
	v3 =	vmul.f32 v9, v0  }
0x310: {  	[tilespmem:s8+$0xBC70] =	vst.add.f32.msk $0xffff, v2;
	v2 =	vmul.f32 v11, v0  }
0x311: {  	[tilespmem:s8+$0xBC80] =	vst.add.f32.msk $0xffff, v3;
	v3 =	vmul.f32 v12, v0  }
0x312: {  	v1 =	vmul.f32 v1, v0;
	[tilespmem:s8+$0xBCA0] =	vst.add.f32.msk $0xffff, v2  }
0x313: {  	v2 =	vmul.f32 v14, v0;
	[tilespmem:s8+$0xBCB0] =	vst.add.f32.msk $0xffff, v3  }
0x314: {  	v3 =	vmul.f32 v15, v0;
	[tilespmem:s8+$0xBC60] =	vst.add.f32.msk $0xffff, v1  }
0x315: {  	v1 =	vmul.f32 v10, v0;
	[tilespmem:s8+$0xBCD0] =	vst.add.f32.msk $0xffff, v2  }
0x316: {  	v2 =	vmul.f32 v17, v0;
	[tilespmem:s8+$0xBCE0] =	vst.add.f32.msk $0xffff, v3  }
0x317: {  	v3 =	vmul.f32 v18, v0;
	[tilespmem:s8+$0xBC90] =	vst.add.f32.msk $0xffff, v1  }
0x318: {  	v1 =	vmul.f32 v13, v0;
	[tilespmem:s8+$0xBD00] =	vst.add.f32.msk $0xffff, v2  }
0x319: {  	v2 =	vmul.f32 v20, v0;
	[tilespmem:s8+$0xBD10] =	vst.add.f32.msk $0xffff, v3  }
0x31a: {  	v3 =	vmul.f32 v21, v0;
	[tilespmem:s8+$0xBCC0] =	vst.add.f32.msk $0xffff, v1  }
0x31b: {  	v1 =	vmul.f32 v16, v0;
	[tilespmem:s8+$0xBD30] =	vst.add.f32.msk $0xffff, v2  }
0x31c: {  	v2 =	vmul.f32 v23, v0;
	[tilespmem:s8+$0xBD40] =	vst.add.f32.msk $0xffff, v3  }
0x31d: {  	v3 =	vmul.f32 v24, v0;
	[tilespmem:s8+$0xBCF0] =	vst.add.f32.msk $0xffff, v1  }
0x31e: {  	v1 =	vmul.f32 v19, v0;
	[tilespmem:s8+$0xBD60] =	vst.add.f32.msk $0xffff, v2  }
0x31f: {  	v2 =	vmul.f32 v26, v0;
	[tilespmem:s8+$0xBD70] =	vst.add.f32.msk $0xffff, v3  }
0x320: {  	[tilespmem:s8+$0xBD20] =	vst.add.f32.msk $0xffff, v1;
	v1 =	vmul.f32 v22, v0  }
0x321: {  	v3 =	vmul.f32 v27, v0;
	[tilespmem:s8+$0xBD90] =	vst.add.f32.msk $0xffff, v2  }
0x322: {  	[tilespmem:s8+$0xBD50] =	vst.add.f32.msk $0xffff, v1;
	v1 =	vmul.f32 v25, v0  }
0x323: {  	v2 =	vmul.f32 v29, v0;
	[tilespmem:s8+$0xBDA0] =	vst.add.f32.msk $0xffff, v3  }
0x324: {  	[tilespmem:s8+$0xBD80] =	vst.add.f32.msk $0xffff, v1;
	v1 =	vmul.f32 v28, v0  }
0x325: {  	v3 =	vmul.f32 v30, v0;
	[tilespmem:s8+$0xBDC0] =	vst.add.f32.msk $0xffff, v2  }
0x326: {  	[tilespmem:s8+$0xBDB0] =	vst.add.f32.msk $0xffff, v1;
	v1 =	vmul.f32 v31, v0  }
0x327: {  	s11 =	simm.s32 $0x0;
	s13 =	simm.s32 $0x800;
	[tilespmem:s8+$0xBDD0] =	vst.add.f32.msk $0xffff, v3  }
.LBB2_25:
0x328: {  	s11 =	sadd.s32 $0x4, s11;
	[tilespmem:s8+$0xBDE0] =	vst.add.f32.msk $0xffff, v1;
	s8 =	sshra.s32 s13, $0x2  }
0x329: {  	v1 =	vld [tilespmem:s8+$0x3DF0];
	p1 =	slt.u32 s11, $0x3C  }
0x32a: {  	v2 =	vld [tilespmem:s8+$0x3C00]  }
0x32b: {  	v3 =	vld [tilespmem:s8+$0x3C10]  }
0x32c: {  	v4 =	vld [tilespmem:s8+$0x3C20]  }
0x32d: {  	v5 =	vld [tilespmem:s8+$0x3C30]  }
0x32e: {  	v6 =	vld [tilespmem:s8+$0x3C40];
	v1 =	vmul.f32 v1, v0  }
0x32f: {  	v2 =	vmul.f32 v2, v0;
	v7 =	vld [tilespmem:s8+$0x3C50]  }
0x330: {  	v3 =	vmul.f32 v3, v0;
	[tilespmem:s8+$0xBDF0] =	vst.add.f32.msk $0xffff, v1  }
0x331: {  	v1 =	vmul.f32 v4, v0;
	v4 =	vld [tilespmem:s8+$0x3C60]  }
0x332: {  	v5 =	vmul.f32 v5, v0;
	v8 =	vld [tilespmem:s8+$0x3C70]  }
0x333: {  	v6 =	vmul.f32 v6, v0;
	v9 =	vld [tilespmem:s8+$0x3C80]  }
0x334: {  	v7 =	vmul.f32 v7, v0;
	v10 =	vld [tilespmem:s8+$0x3C90]  }
0x335: {  	v11 =	vld [tilespmem:s8+$0x3CA0]  }
0x336: {  	v4 =	vmul.f32 v4, v0;
	v12 =	vld [tilespmem:s8+$0x3CB0]  }
0x337: {  	v8 =	vmul.f32 v8, v0;
	v13 =	vld [tilespmem:s8+$0x3CC0]  }
0x338: {  	v9 =	vmul.f32 v9, v0;
	v14 =	vld [tilespmem:s8+$0x3CD0]  }
0x339: {  	v10 =	vmul.f32 v10, v0;
	v15 =	vld [tilespmem:s8+$0x3CE0]  }
0x33a: {  	v11 =	vmul.f32 v11, v0;
	v16 =	vld [tilespmem:s8+$0x3CF0]  }
0x33b: {  	v12 =	vmul.f32 v12, v0;
	v17 =	vld [tilespmem:s8+$0x3D00]  }
0x33c: {  	v13 =	vmul.f32 v13, v0;
	v18 =	vld [tilespmem:s8+$0x3D10]  }
0x33d: {  	v14 =	vmul.f32 v14, v0;
	v19 =	vld [tilespmem:s8+$0x3D20]  }
0x33e: {  	v15 =	vmul.f32 v15, v0;
	v20 =	vld [tilespmem:s8+$0x3D30]  }
0x33f: {  	v16 =	vmul.f32 v16, v0;
	v21 =	vld [tilespmem:s8+$0x3D40]  }
0x340: {  	v17 =	vmul.f32 v17, v0;
	v22 =	vld [tilespmem:s8+$0x3D50]  }
0x341: {  	v18 =	vmul.f32 v18, v0;
	v23 =	vld [tilespmem:s8+$0x3D60]  }
0x342: {  	v19 =	vmul.f32 v19, v0;
	v24 =	vld [tilespmem:s8+$0x3D70]  }
0x343: {  	v20 =	vmul.f32 v20, v0;
	v25 =	vld [tilespmem:s8+$0x3D80]  }
0x344: {  	v21 =	vmul.f32 v21, v0;
	v26 =	vld [tilespmem:s8+$0x3D90]  }
0x345: {  	v22 =	vmul.f32 v22, v0;
	v27 =	vld [tilespmem:s8+$0x3DA0]  }
0x346: {  	v23 =	vmul.f32 v23, v0;
	v28 =	vld [tilespmem:s8+$0x3DB0]  }
0x347: {  	v24 =	vmul.f32 v24, v0;
	v29 =	vld [tilespmem:s8+$0x3DC0]  }
0x348: {  	v25 =	vmul.f32 v25, v0;
	v30 =	vld [tilespmem:s8+$0x3DD0]  }
0x349: {  	v26 =	vmul.f32 v26, v0;
	v31 =	vld [tilespmem:s8+$0x3DE0]  }
0x34a: {  	[tilespmem:s8+$0xBC00] =	vst.add.f32.msk $0xffff, v2;
	v2 =	vmul.f32 v27, v0  }
0x34b: {  	[tilespmem:s8+$0xBC10] =	vst.add.f32.msk $0xffff, v3;
	v3 =	vmul.f32 v28, v0  }
0x34c: {  	[tilespmem:s8+$0xBC20] =	vst.add.f32.msk $0xffff, v1;
	v27 =	vmul.f32 v29, v0  }
0x34d: {  	[tilespmem:s8+$0xBC30] =	vst.add.f32.msk $0xffff, v5;
	v5 =	vmul.f32 v30, v0  }
0x34e: {  	[tilespmem:s8+$0xBC40] =	vst.add.f32.msk $0xffff, v6;
	v1 =	vmul.f32 v31, v0  }
0x34f: {  	[tilespmem:s8+$0xBC50] =	vst.add.f32.msk $0xffff, v7  }
0x350: {  	[tilespmem:s8+$0xBC60] =	vst.add.f32.msk $0xffff, v4  }
0x351: {  	[tilespmem:s8+$0xBC70] =	vst.add.f32.msk $0xffff, v8  }
0x352: {  	[tilespmem:s8+$0xBC80] =	vst.add.f32.msk $0xffff, v9  }
0x353: {  	[tilespmem:s8+$0xBC90] =	vst.add.f32.msk $0xffff, v10  }
0x354: {  	[tilespmem:s8+$0xBCA0] =	vst.add.f32.msk $0xffff, v11  }
0x355: {  	[tilespmem:s8+$0xBCB0] =	vst.add.f32.msk $0xffff, v12  }
0x356: {  	[tilespmem:s8+$0xBCC0] =	vst.add.f32.msk $0xffff, v13  }
0x357: {  	[tilespmem:s8+$0xBCD0] =	vst.add.f32.msk $0xffff, v14  }
0x358: {  	[tilespmem:s8+$0xBCE0] =	vst.add.f32.msk $0xffff, v15  }
0x359: {  	[tilespmem:s8+$0xBCF0] =	vst.add.f32.msk $0xffff, v16  }
0x35a: {  	[tilespmem:s8+$0xBD00] =	vst.add.f32.msk $0xffff, v17  }
0x35b: {  	[tilespmem:s8+$0xBD10] =	vst.add.f32.msk $0xffff, v18  }
0x35c: {  	[tilespmem:s8+$0xBD20] =	vst.add.f32.msk $0xffff, v19  }
0x35d: {  	[tilespmem:s8+$0xBD30] =	vst.add.f32.msk $0xffff, v20  }
0x35e: {  	[tilespmem:s8+$0xBD40] =	vst.add.f32.msk $0xffff, v21  }
0x35f: {  	[tilespmem:s8+$0xBD50] =	vst.add.f32.msk $0xffff, v22  }
0x360: {  	[tilespmem:s8+$0xBD60] =	vst.add.f32.msk $0xffff, v23  }
0x361: {  	[tilespmem:s8+$0xBD70] =	vst.add.f32.msk $0xffff, v24  }
0x362: {  	[tilespmem:s8+$0xBD80] =	vst.add.f32.msk $0xffff, v25  }
.Ltmp12:
0x363: {  	[tilespmem:s8+$0xBD90] =	vst.add.f32.msk $0xffff, v26;
	(pc) =	sbr.rel @p1 .LBB2_25-.Ltmp12, $4  }
0x364: {  	[tilespmem:s8+$0xBDA0] =	vst.add.f32.msk $0xffff, v2  }
0x365: {  	[tilespmem:s8+$0xBDB0] =	vst.add.f32.msk $0xffff, v3  }
0x366: {  	[tilespmem:s8+$0xBDC0] =	vst.add.f32.msk $0xffff, v27  }
0x367: {  	s13 =	sadd.s32 $0x800, s13;
	[tilespmem:s8+$0xBDD0] =	vst.add.f32.msk $0xffff, v5  }
0x368: {  	p1 =	sne.s32 s26, $0x0  }
.Ltmp13:
0x369: {  	_ = 	snop;
	(pc) =	sbr.rel @!p1 .LBB2_27-.Ltmp13, $4  }
0x36a: {  	[tilespmem:s8+$0xBDE0] =	vst.add.f32.msk $0xffff, v1  }
0x36b: {  	s6 =	sshll.u32 s26, $0xC;
	s7 =	rddreg [dreg:$0x13]  }
0x36c: {  	s24 =	simm.s32 $0xBC00;
	s6 =	sadd.s32 s6, s7  }
0x36d: {  	[hbm4b:s6+s5] =	stream.linear.scatter [tilespmem:s24], [sflag:$0x9], $0x2000, $0x38;
	[tilespmem:$0x1D8C8] =	vst v63  }
0x36e: {  	p2 =	seq.s32 s26, $0x31  }
.Ltmp14:
0x36f: {  	s6 =	simm.s32 $0xB;
	(pc) =	sbr.rel @p2 .LBB2_30-.Ltmp14, $4  }
.Ltmp15:
0x370: {  	_ =	swait.ge [sflag:s6], $0x2000;
	(pc) =	sbr.rel @!p2 .LBB2_29-.Ltmp15, $4  }
0x371: {  	s13 =	sor.u32 $0x80, s31;
	[sflag:s6] =	ssyncset.done $0x0  }
0x372: {  	s24 =	simm.s32 $0xFC00;
	p1 =	por $0x1, $0x1;
	[sflag:s6] =	ssyncadd.s32 $0xFFFFE000  }
0x373: {  	[tilespmem:s24], [sflag:$0x7] =	stream.indirect.gather [spmem:s4], $0x80, s13, s22, $0xb8;
	[tilespmem:$0x1D8C8] =	vst v63  }
0x374: {  	_ = 	snop  }
.LBB2_27:
0x375: {  	s13 =	simm.s32 $0x80;
	s6 =	simm.s32 $0xFC00  }
0x376: {  	[tilespmem:s6], [sflag:$0x7] =	stream.indirect.gather [spmem:s4], $0x80, s13, s22, $0xb8;
	[tilespmem:$0x1D8C8] =	vst v63  }
.LBB2_29:
0x377: {  	s6 =	rddreg [dreg:$0x14]  }
0x378: {  	s6 =	sadd.s32 s31, s6  }
0x379: {  	s6 =	sshll.u32 s6, $0x4  }
0x37a: {  	s7 =	simm.s32 $0x3C00;
	p1 =	por $0x0, $0x0;
	s6 =	sadd.s32 s1, s6  }
0x37b: {  	[tilespmem:s7], [sflag:$0x1] =	stream.linear.gather [hbm4b:s6+s5], $0x2000, $0x38;
	[tilespmem:$0x1D8C8] =	vst v63  }
.LBB2_30:
0x37c: {  	_ =	swait.ge [sflag:s25], $0x2000  }
0x37d: {  	[sflag:s25] =	ssyncset.done $0x0  }
0x37e: {  	[sflag:s25] =	ssyncadd.s32 $0xFFFFE000  }
0x37f: {  	_ =	swait.ge [sflag:s10], $0x2000  }
0x380: {  	[sflag:s10] =	ssyncset.done $0x0  }
0x381: {  	s8 =	simm.s32 $0x0;
	[sflag:s10] =	ssyncadd.s32 $0xFFFFE000  }
0x382: {  	v1 =	vld [tilespmem:s8+$0x5DF0]  }
0x383: {  	v2 =	vld [tilespmem:s8+$0x5C00]  }
0x384: {  	v3 =	vld [tilespmem:s8+$0x5C10]  }
0x385: {  	v4 =	vld [tilespmem:s8+$0x5C20]  }
0x386: {  	v5 =	vld [tilespmem:s8+$0x5C30]  }
0x387: {  	v6 =	vld [tilespmem:s8+$0x5C40]  }
0x388: {  	v7 =	vld [tilespmem:s8+$0x5C50]  }
0x389: {  	v8 =	vld [tilespmem:s8+$0x5C70]  }
0x38a: {  	v9 =	vld [tilespmem:s8+$0x5C80]  }
0x38b: {  	v10 =	vld [tilespmem:s8+$0x5C90]  }
0x38c: {  	v11 =	vld [tilespmem:s8+$0x5CA0]  }
0x38d: {  	v12 =	vld [tilespmem:s8+$0x5CB0]  }
0x38e: {  	v13 =	vld [tilespmem:s8+$0x5CC0]  }
0x38f: {  	v14 =	vld [tilespmem:s8+$0x5CD0]  }
0x390: {  	v15 =	vld [tilespmem:s8+$0x5CE0]  }
0x391: {  	v16 =	vld [tilespmem:s8+$0x5CF0]  }
0x392: {  	v17 =	vld [tilespmem:s8+$0x5D00]  }
0x393: {  	v18 =	vld [tilespmem:s8+$0x5D10]  }
0x394: {  	v19 =	vld [tilespmem:s8+$0x5D20]  }
0x395: {  	v20 =	vld [tilespmem:s8+$0x5D30]  }
0x396: {  	v21 =	vld [tilespmem:s8+$0x5D40]  }
0x397: {  	v22 =	vld [tilespmem:s8+$0x5D50]  }
0x398: {  	v23 =	vld [tilespmem:s8+$0x5D60]  }
0x399: {  	v24 =	vld [tilespmem:s8+$0x5D70]  }
0x39a: {  	v25 =	vld [tilespmem:s8+$0x5D80]  }
0x39b: {  	v26 =	vld [tilespmem:s8+$0x5D90]  }
0x39c: {  	v27 =	vld [tilespmem:s8+$0x5DA0]  }
0x39d: {  	v28 =	vld [tilespmem:s8+$0x5DB0]  }
0x39e: {  	v29 =	vld [tilespmem:s8+$0x5DC0]  }
0x39f: {  	v30 =	vld [tilespmem:s8+$0x5DD0];
	v1 =	vmul.f32 v1, v0  }
0x3a0: {  	v31 =	vld [tilespmem:s8+$0x5DE0]  }
0x3a1: {  	v2 =	vmul.f32 v2, v0;
	[tilespmem:s8+$0xDDF0] =	vst.add.f32.msk $0xffff, v1  }
0x3a2: {  	v3 =	vmul.f32 v3, v0;
	v1 =	vld [tilespmem:s8+$0x5C60]  }
0x3a3: {  	v4 =	vmul.f32 v4, v0;
	[tilespmem:s8+$0xDC00] =	vst.add.f32.msk $0xffff, v2  }
0x3a4: {  	v63 =	vmul.f32 v7, v0;
	[tilespmem:s8+$0xDC10] =	vst.add.f32.msk $0xffff, v3  }
0x3a5: {  	v2 =	vmul.f32 v5, v0;
	[tilespmem:s8+$0xDC20] =	vst.add.f32.msk $0xffff, v4  }
0x3a6: {  	v3 =	vmul.f32 v6, v0;
	[tilespmem:s8+$0xDC50] =	vst.add.f32.msk $0xffff, v63  }
0x3a7: {  	[tilespmem:s8+$0xDC30] =	vst.add.f32.msk $0xffff, v2;
	v2 =	vmul.f32 v8, v0  }
0x3a8: {  	[tilespmem:s8+$0xDC40] =	vst.add.f32.msk $0xffff, v3;
	v3 =	vmul.f32 v9, v0  }
0x3a9: {  	[tilespmem:s8+$0xDC70] =	vst.add.f32.msk $0xffff, v2;
	v2 =	vmul.f32 v11, v0  }
0x3aa: {  	[tilespmem:s8+$0xDC80] =	vst.add.f32.msk $0xffff, v3;
	v3 =	vmul.f32 v12, v0  }
0x3ab: {  	v1 =	vmul.f32 v1, v0;
	[tilespmem:s8+$0xDCA0] =	vst.add.f32.msk $0xffff, v2  }
0x3ac: {  	v2 =	vmul.f32 v14, v0;
	[tilespmem:s8+$0xDCB0] =	vst.add.f32.msk $0xffff, v3  }
0x3ad: {  	v3 =	vmul.f32 v15, v0;
	[tilespmem:s8+$0xDC60] =	vst.add.f32.msk $0xffff, v1  }
0x3ae: {  	v1 =	vmul.f32 v10, v0;
	[tilespmem:s8+$0xDCD0] =	vst.add.f32.msk $0xffff, v2  }
0x3af: {  	v2 =	vmul.f32 v17, v0;
	[tilespmem:s8+$0xDCE0] =	vst.add.f32.msk $0xffff, v3  }
0x3b0: {  	v3 =	vmul.f32 v18, v0;
	[tilespmem:s8+$0xDC90] =	vst.add.f32.msk $0xffff, v1  }
0x3b1: {  	v1 =	vmul.f32 v13, v0;
	[tilespmem:s8+$0xDD00] =	vst.add.f32.msk $0xffff, v2  }
0x3b2: {  	v2 =	vmul.f32 v20, v0;
	[tilespmem:s8+$0xDD10] =	vst.add.f32.msk $0xffff, v3  }
0x3b3: {  	v3 =	vmul.f32 v21, v0;
	[tilespmem:s8+$0xDCC0] =	vst.add.f32.msk $0xffff, v1  }
0x3b4: {  	v1 =	vmul.f32 v16, v0;
	[tilespmem:s8+$0xDD30] =	vst.add.f32.msk $0xffff, v2  }
0x3b5: {  	v2 =	vmul.f32 v23, v0;
	[tilespmem:s8+$0xDD40] =	vst.add.f32.msk $0xffff, v3  }
0x3b6: {  	v3 =	vmul.f32 v24, v0;
	[tilespmem:s8+$0xDCF0] =	vst.add.f32.msk $0xffff, v1  }
0x3b7: {  	v1 =	vmul.f32 v19, v0;
	[tilespmem:s8+$0xDD60] =	vst.add.f32.msk $0xffff, v2  }
0x3b8: {  	v2 =	vmul.f32 v26, v0;
	[tilespmem:s8+$0xDD70] =	vst.add.f32.msk $0xffff, v3  }
0x3b9: {  	[tilespmem:s8+$0xDD20] =	vst.add.f32.msk $0xffff, v1;
	v1 =	vmul.f32 v22, v0  }
0x3ba: {  	v3 =	vmul.f32 v27, v0;
	[tilespmem:s8+$0xDD90] =	vst.add.f32.msk $0xffff, v2  }
0x3bb: {  	[tilespmem:s8+$0xDD50] =	vst.add.f32.msk $0xffff, v1;
	v1 =	vmul.f32 v25, v0  }
0x3bc: {  	v2 =	vmul.f32 v29, v0;
	[tilespmem:s8+$0xDDA0] =	vst.add.f32.msk $0xffff, v3  }
0x3bd: {  	[tilespmem:s8+$0xDD80] =	vst.add.f32.msk $0xffff, v1;
	v1 =	vmul.f32 v28, v0  }
0x3be: {  	v3 =	vmul.f32 v30, v0;
	[tilespmem:s8+$0xDDC0] =	vst.add.f32.msk $0xffff, v2  }
0x3bf: {  	[tilespmem:s8+$0xDDB0] =	vst.add.f32.msk $0xffff, v1;
	v1 =	vmul.f32 v31, v0  }
0x3c0: {  	s11 =	simm.s32 $0x0;
	s24 =	simm.s32 $0x800;
	[tilespmem:s8+$0xDDD0] =	vst.add.f32.msk $0xffff, v3  }
.LBB2_31:
0x3c1: {  	s11 =	sadd.s32 $0x4, s11;
	[tilespmem:s8+$0xDDE0] =	vst.add.f32.msk $0xffff, v1;
	s8 =	sshra.s32 s24, $0x2  }
0x3c2: {  	v1 =	vld [tilespmem:s8+$0x5DF0];
	p2 =	slt.u32 s11, $0x3C  }
0x3c3: {  	v2 =	vld [tilespmem:s8+$0x5C00]  }
0x3c4: {  	v3 =	vld [tilespmem:s8+$0x5C10]  }
0x3c5: {  	v4 =	vld [tilespmem:s8+$0x5C20]  }
0x3c6: {  	v5 =	vld [tilespmem:s8+$0x5C30]  }
0x3c7: {  	v6 =	vld [tilespmem:s8+$0x5C40];
	v1 =	vmul.f32 v1, v0  }
0x3c8: {  	v2 =	vmul.f32 v2, v0;
	v7 =	vld [tilespmem:s8+$0x5C50]  }
0x3c9: {  	v3 =	vmul.f32 v3, v0;
	[tilespmem:s8+$0xDDF0] =	vst.add.f32.msk $0xffff, v1  }
0x3ca: {  	v1 =	vmul.f32 v4, v0;
	v4 =	vld [tilespmem:s8+$0x5C60]  }
0x3cb: {  	v5 =	vmul.f32 v5, v0;
	v8 =	vld [tilespmem:s8+$0x5C70]  }
0x3cc: {  	v6 =	vmul.f32 v6, v0;
	v9 =	vld [tilespmem:s8+$0x5C80]  }
0x3cd: {  	v7 =	vmul.f32 v7, v0;
	v10 =	vld [tilespmem:s8+$0x5C90]  }
0x3ce: {  	v11 =	vld [tilespmem:s8+$0x5CA0]  }
0x3cf: {  	v4 =	vmul.f32 v4, v0;
	v12 =	vld [tilespmem:s8+$0x5CB0]  }
0x3d0: {  	v8 =	vmul.f32 v8, v0;
	v13 =	vld [tilespmem:s8+$0x5CC0]  }
0x3d1: {  	v9 =	vmul.f32 v9, v0;
	v14 =	vld [tilespmem:s8+$0x5CD0]  }
0x3d2: {  	v10 =	vmul.f32 v10, v0;
	v15 =	vld [tilespmem:s8+$0x5CE0]  }
0x3d3: {  	v11 =	vmul.f32 v11, v0;
	v16 =	vld [tilespmem:s8+$0x5CF0]  }
0x3d4: {  	v12 =	vmul.f32 v12, v0;
	v17 =	vld [tilespmem:s8+$0x5D00]  }
0x3d5: {  	v13 =	vmul.f32 v13, v0;
	v18 =	vld [tilespmem:s8+$0x5D10]  }
0x3d6: {  	v14 =	vmul.f32 v14, v0;
	v19 =	vld [tilespmem:s8+$0x5D20]  }
0x3d7: {  	v15 =	vmul.f32 v15, v0;
	v20 =	vld [tilespmem:s8+$0x5D30]  }
0x3d8: {  	v16 =	vmul.f32 v16, v0;
	v21 =	vld [tilespmem:s8+$0x5D40]  }
0x3d9: {  	v17 =	vmul.f32 v17, v0;
	v22 =	vld [tilespmem:s8+$0x5D50]  }
0x3da: {  	v18 =	vmul.f32 v18, v0;
	v23 =	vld [tilespmem:s8+$0x5D60]  }
0x3db: {  	v19 =	vmul.f32 v19, v0;
	v24 =	vld [tilespmem:s8+$0x5D70]  }
0x3dc: {  	v20 =	vmul.f32 v20, v0;
	v25 =	vld [tilespmem:s8+$0x5D80]  }
0x3dd: {  	v21 =	vmul.f32 v21, v0;
	v26 =	vld [tilespmem:s8+$0x5D90]  }
0x3de: {  	v22 =	vmul.f32 v22, v0;
	v27 =	vld [tilespmem:s8+$0x5DA0]  }
0x3df: {  	v23 =	vmul.f32 v23, v0;
	v28 =	vld [tilespmem:s8+$0x5DB0]  }
0x3e0: {  	v24 =	vmul.f32 v24, v0;
	v29 =	vld [tilespmem:s8+$0x5DC0]  }
0x3e1: {  	v25 =	vmul.f32 v25, v0;
	v30 =	vld [tilespmem:s8+$0x5DD0]  }
0x3e2: {  	v26 =	vmul.f32 v26, v0;
	v31 =	vld [tilespmem:s8+$0x5DE0]  }
0x3e3: {  	[tilespmem:s8+$0xDC00] =	vst.add.f32.msk $0xffff, v2;
	v2 =	vmul.f32 v27, v0  }
0x3e4: {  	[tilespmem:s8+$0xDC10] =	vst.add.f32.msk $0xffff, v3;
	v3 =	vmul.f32 v28, v0  }
0x3e5: {  	[tilespmem:s8+$0xDC20] =	vst.add.f32.msk $0xffff, v1;
	v27 =	vmul.f32 v29, v0  }
0x3e6: {  	[tilespmem:s8+$0xDC30] =	vst.add.f32.msk $0xffff, v5;
	v5 =	vmul.f32 v30, v0  }
0x3e7: {  	[tilespmem:s8+$0xDC40] =	vst.add.f32.msk $0xffff, v6;
	v1 =	vmul.f32 v31, v0  }
0x3e8: {  	[tilespmem:s8+$0xDC50] =	vst.add.f32.msk $0xffff, v7  }
0x3e9: {  	[tilespmem:s8+$0xDC60] =	vst.add.f32.msk $0xffff, v4  }
0x3ea: {  	[tilespmem:s8+$0xDC70] =	vst.add.f32.msk $0xffff, v8  }
0x3eb: {  	[tilespmem:s8+$0xDC80] =	vst.add.f32.msk $0xffff, v9  }
0x3ec: {  	[tilespmem:s8+$0xDC90] =	vst.add.f32.msk $0xffff, v10  }
0x3ed: {  	[tilespmem:s8+$0xDCA0] =	vst.add.f32.msk $0xffff, v11  }
0x3ee: {  	[tilespmem:s8+$0xDCB0] =	vst.add.f32.msk $0xffff, v12  }
0x3ef: {  	[tilespmem:s8+$0xDCC0] =	vst.add.f32.msk $0xffff, v13  }
0x3f0: {  	[tilespmem:s8+$0xDCD0] =	vst.add.f32.msk $0xffff, v14  }
0x3f1: {  	[tilespmem:s8+$0xDCE0] =	vst.add.f32.msk $0xffff, v15  }
0x3f2: {  	[tilespmem:s8+$0xDCF0] =	vst.add.f32.msk $0xffff, v16  }
0x3f3: {  	[tilespmem:s8+$0xDD00] =	vst.add.f32.msk $0xffff, v17  }
0x3f4: {  	[tilespmem:s8+$0xDD10] =	vst.add.f32.msk $0xffff, v18  }
0x3f5: {  	[tilespmem:s8+$0xDD20] =	vst.add.f32.msk $0xffff, v19  }
0x3f6: {  	[tilespmem:s8+$0xDD30] =	vst.add.f32.msk $0xffff, v20  }
0x3f7: {  	[tilespmem:s8+$0xDD40] =	vst.add.f32.msk $0xffff, v21  }
0x3f8: {  	[tilespmem:s8+$0xDD50] =	vst.add.f32.msk $0xffff, v22  }
0x3f9: {  	[tilespmem:s8+$0xDD60] =	vst.add.f32.msk $0xffff, v23  }
0x3fa: {  	[tilespmem:s8+$0xDD70] =	vst.add.f32.msk $0xffff, v24  }
0x3fb: {  	[tilespmem:s8+$0xDD80] =	vst.add.f32.msk $0xffff, v25  }
.Ltmp16:
0x3fc: {  	[tilespmem:s8+$0xDD90] =	vst.add.f32.msk $0xffff, v26;
	(pc) =	sbr.rel @p2 .LBB2_31-.Ltmp16, $4  }
0x3fd: {  	[tilespmem:s8+$0xDDA0] =	vst.add.f32.msk $0xffff, v2  }
0x3fe: {  	[tilespmem:s8+$0xDDB0] =	vst.add.f32.msk $0xffff, v3  }
0x3ff: {  	[tilespmem:s8+$0xDDC0] =	vst.add.f32.msk $0xffff, v27  }
0x400: {  	s24 =	sadd.s32 $0x800, s24;
	[tilespmem:s8+$0xDDD0] =	vst.add.f32.msk $0xffff, v5  }
0x401: {  	s6 =	rddreg [dreg:$0x15]  }
0x402: {  	s6 =	sadd.s32 s31, s6  }
0x403: {  	s6 =	sshll.u32 s6, $0x4  }
0x404: {  	[tilespmem:s8+$0xDDE0] =	vst.add.f32.msk $0xffff, v1;
	p2 =	seq.s32 s26, $0x0;
	s7 =	simm.s32 $0xDC00;
	s6 =	sadd.s32 s3, s6  }
0x405: {  	[hbm4b:s6+s5] =	stream.linear.scatter [tilespmem:s7], [sflag:$0xA], $0x2000, $0x38;
	[tilespmem:$0x1D8C8] =	vst v63  }
0x406: {  	s6 =	simm.s32 @!p2 $0xC  }
0x407: {  	_ =	swait.ge @!p2 [sflag:s6], $0x2000  }
0x408: {  	[sflag:s6] =	ssyncset.done @!p2 $0x0  }
0x409: {  	s24 =	simm.s32 $0x11C00;
	[sflag:s6] =	ssyncadd.s32 @!p2 $0xFFFFE000  }
0x40a: {  	[tilespmem:s24], [sflag:$0x8] =	stream.indirect.gather [spmem:s4], $0x80, s0, s22, $0xb8;
	[tilespmem:$0x1D8C8] =	vst v63  }
0x40b: {  	s0 =	rddreg [dreg:$0x17]  }
0x40c: {  	s0 =	sadd.s32 @!p1 s31, s0  }
0x40d: {  	s0 =	sshll.u32 @!p1 s0, $0x4  }
0x40e: {  	s7 =	simm.s32 @!p1 $0x5C00;
	s6 =	simm.s32 @!p1 $0x0;
	s0 =	sadd.s32 @!p1 s1, s0  }
0x40f: {  	[tilespmem:s7], [sflag:$0x2] =	stream.linear.gather @!p1 [hbm4b:s0+s6], $0x2000, $0x38;
	[tilespmem:$0x1D8C8] =	vst v63  }
0x410: {  	_ =	swait.ge [sflag:s23], $0x2000  }
0x411: {  	[sflag:s23] =	ssyncset.done $0x0  }
0x412: {  	[sflag:s23] =	ssyncadd.s32 $0xFFFFE000  }
0x413: {  	_ =	swait.ge [sflag:s2], $0x2000  }
0x414: {  	[sflag:s2] =	ssyncset.done $0x0  }
0x415: {  	s0 =	simm.s32 $0x0;
	[sflag:s2] =	ssyncadd.s32 $0xFFFFE000  }
0x416: {  	v1 =	vld [tilespmem:s0+$0x7DF0]  }
0x417: {  	v2 =	vld [tilespmem:s0+$0x7C00]  }
0x418: {  	v3 =	vld [tilespmem:s0+$0x7C10]  }
0x419: {  	v4 =	vld [tilespmem:s0+$0x7C20]  }
0x41a: {  	v5 =	vld [tilespmem:s0+$0x7C30]  }
0x41b: {  	v6 =	vld [tilespmem:s0+$0x7C40]  }
0x41c: {  	v7 =	vld [tilespmem:s0+$0x7C50]  }
0x41d: {  	v8 =	vld [tilespmem:s0+$0x7C70]  }
0x41e: {  	v9 =	vld [tilespmem:s0+$0x7C80]  }
0x41f: {  	v10 =	vld [tilespmem:s0+$0x7C90]  }
0x420: {  	v11 =	vld [tilespmem:s0+$0x7CA0]  }
0x421: {  	v12 =	vld [tilespmem:s0+$0x7CB0]  }
0x422: {  	v13 =	vld [tilespmem:s0+$0x7CC0]  }
0x423: {  	v14 =	vld [tilespmem:s0+$0x7CD0]  }
0x424: {  	v15 =	vld [tilespmem:s0+$0x7CE0]  }
0x425: {  	v16 =	vld [tilespmem:s0+$0x7CF0]  }
0x426: {  	v17 =	vld [tilespmem:s0+$0x7D00]  }
0x427: {  	v18 =	vld [tilespmem:s0+$0x7D10]  }
0x428: {  	v19 =	vld [tilespmem:s0+$0x7D20]  }
0x429: {  	v20 =	vld [tilespmem:s0+$0x7D30]  }
0x42a: {  	v21 =	vld [tilespmem:s0+$0x7D40]  }
0x42b: {  	v22 =	vld [tilespmem:s0+$0x7D50]  }
0x42c: {  	v23 =	vld [tilespmem:s0+$0x7D60]  }
0x42d: {  	v24 =	vld [tilespmem:s0+$0x7D70]  }
0x42e: {  	v25 =	vld [tilespmem:s0+$0x7D80]  }
0x42f: {  	v26 =	vld [tilespmem:s0+$0x7D90]  }
0x430: {  	v27 =	vld [tilespmem:s0+$0x7DA0]  }
0x431: {  	v28 =	vld [tilespmem:s0+$0x7DB0]  }
0x432: {  	v29 =	vld [tilespmem:s0+$0x7DC0]  }
0x433: {  	v30 =	vld [tilespmem:s0+$0x7DD0];
	v1 =	vmul.f32 v1, v0  }
0x434: {  	v31 =	vld [tilespmem:s0+$0x7DE0]  }
0x435: {  	v2 =	vmul.f32 v2, v0;
	[tilespmem:s0+$0xFDF0] =	vst.add.f32.msk $0xffff, v1  }
0x436: {  	v3 =	vmul.f32 v3, v0;
	v1 =	vld [tilespmem:s0+$0x7C60]  }
0x437: {  	v4 =	vmul.f32 v4, v0;
	[tilespmem:s0+$0xFC00] =	vst.add.f32.msk $0xffff, v2  }
0x438: {  	v63 =	vmul.f32 v7, v0;
	[tilespmem:s0+$0xFC10] =	vst.add.f32.msk $0xffff, v3  }
0x439: {  	v2 =	vmul.f32 v5, v0;
	[tilespmem:s0+$0xFC20] =	vst.add.f32.msk $0xffff, v4  }
0x43a: {  	v3 =	vmul.f32 v6, v0;
	[tilespmem:s0+$0xFC50] =	vst.add.f32.msk $0xffff, v63  }
0x43b: {  	[tilespmem:s0+$0xFC30] =	vst.add.f32.msk $0xffff, v2;
	v2 =	vmul.f32 v8, v0  }
0x43c: {  	[tilespmem:s0+$0xFC40] =	vst.add.f32.msk $0xffff, v3;
	v3 =	vmul.f32 v9, v0  }
0x43d: {  	[tilespmem:s0+$0xFC70] =	vst.add.f32.msk $0xffff, v2;
	v2 =	vmul.f32 v11, v0  }
0x43e: {  	[tilespmem:s0+$0xFC80] =	vst.add.f32.msk $0xffff, v3;
	v3 =	vmul.f32 v12, v0  }
0x43f: {  	v1 =	vmul.f32 v1, v0;
	[tilespmem:s0+$0xFCA0] =	vst.add.f32.msk $0xffff, v2  }
0x440: {  	v2 =	vmul.f32 v14, v0;
	[tilespmem:s0+$0xFCB0] =	vst.add.f32.msk $0xffff, v3  }
0x441: {  	v3 =	vmul.f32 v15, v0;
	[tilespmem:s0+$0xFC60] =	vst.add.f32.msk $0xffff, v1  }
0x442: {  	v1 =	vmul.f32 v10, v0;
	[tilespmem:s0+$0xFCD0] =	vst.add.f32.msk $0xffff, v2  }
0x443: {  	v2 =	vmul.f32 v17, v0;
	[tilespmem:s0+$0xFCE0] =	vst.add.f32.msk $0xffff, v3  }
0x444: {  	v3 =	vmul.f32 v18, v0;
	[tilespmem:s0+$0xFC90] =	vst.add.f32.msk $0xffff, v1  }
0x445: {  	v1 =	vmul.f32 v13, v0;
	[tilespmem:s0+$0xFD00] =	vst.add.f32.msk $0xffff, v2  }
0x446: {  	v2 =	vmul.f32 v20, v0;
	[tilespmem:s0+$0xFD10] =	vst.add.f32.msk $0xffff, v3  }
0x447: {  	v3 =	vmul.f32 v21, v0;
	[tilespmem:s0+$0xFCC0] =	vst.add.f32.msk $0xffff, v1  }
0x448: {  	v1 =	vmul.f32 v16, v0;
	[tilespmem:s0+$0xFD30] =	vst.add.f32.msk $0xffff, v2  }
0x449: {  	v2 =	vmul.f32 v23, v0;
	[tilespmem:s0+$0xFD40] =	vst.add.f32.msk $0xffff, v3  }
0x44a: {  	v3 =	vmul.f32 v24, v0;
	[tilespmem:s0+$0xFCF0] =	vst.add.f32.msk $0xffff, v1  }
0x44b: {  	v1 =	vmul.f32 v19, v0;
	[tilespmem:s0+$0xFD60] =	vst.add.f32.msk $0xffff, v2  }
0x44c: {  	v2 =	vmul.f32 v26, v0;
	[tilespmem:s0+$0xFD70] =	vst.add.f32.msk $0xffff, v3  }
0x44d: {  	[tilespmem:s0+$0xFD20] =	vst.add.f32.msk $0xffff, v1;
	v1 =	vmul.f32 v22, v0  }
0x44e: {  	v3 =	vmul.f32 v27, v0;
	[tilespmem:s0+$0xFD90] =	vst.add.f32.msk $0xffff, v2  }
0x44f: {  	[tilespmem:s0+$0xFD50] =	vst.add.f32.msk $0xffff, v1;
	v1 =	vmul.f32 v25, v0  }
0x450: {  	v2 =	vmul.f32 v29, v0;
	[tilespmem:s0+$0xFDA0] =	vst.add.f32.msk $0xffff, v3  }
0x451: {  	[tilespmem:s0+$0xFD80] =	vst.add.f32.msk $0xffff, v1;
	v1 =	vmul.f32 v28, v0  }
0x452: {  	v3 =	vmul.f32 v30, v0;
	[tilespmem:s0+$0xFDC0] =	vst.add.f32.msk $0xffff, v2  }
0x453: {  	[tilespmem:s0+$0xFDB0] =	vst.add.f32.msk $0xffff, v1;
	v1 =	vmul.f32 v31, v0  }
0x454: {  	s8 =	simm.s32 $0x0;
	s11 =	simm.s32 $0x800;
	[tilespmem:s0+$0xFDD0] =	vst.add.f32.msk $0xffff, v3  }
.LBB2_33:
0x455: {  	s8 =	sadd.s32 $0x4, s8;
	[tilespmem:s0+$0xFDE0] =	vst.add.f32.msk $0xffff, v1;
	s0 =	sshra.s32 s11, $0x2  }
0x456: {  	v1 =	vld [tilespmem:s0+$0x7DF0];
	p2 =	slt.u32 s8, $0x3C  }
0x457: {  	v2 =	vld [tilespmem:s0+$0x7C00]  }
0x458: {  	v3 =	vld [tilespmem:s0+$0x7C10]  }
0x459: {  	v4 =	vld [tilespmem:s0+$0x7C20]  }
0x45a: {  	v5 =	vld [tilespmem:s0+$0x7C30]  }
0x45b: {  	v6 =	vld [tilespmem:s0+$0x7C40];
	v1 =	vmul.f32 v1, v0  }
0x45c: {  	v2 =	vmul.f32 v2, v0;
	v7 =	vld [tilespmem:s0+$0x7C50]  }
0x45d: {  	v3 =	vmul.f32 v3, v0;
	[tilespmem:s0+$0xFDF0] =	vst.add.f32.msk $0xffff, v1  }
0x45e: {  	v1 =	vmul.f32 v4, v0;
	v4 =	vld [tilespmem:s0+$0x7C60]  }
0x45f: {  	v5 =	vmul.f32 v5, v0;
	v8 =	vld [tilespmem:s0+$0x7C70]  }
0x460: {  	v6 =	vmul.f32 v6, v0;
	v9 =	vld [tilespmem:s0+$0x7C80]  }
0x461: {  	v7 =	vmul.f32 v7, v0;
	v10 =	vld [tilespmem:s0+$0x7C90]  }
0x462: {  	v11 =	vld [tilespmem:s0+$0x7CA0]  }
0x463: {  	v4 =	vmul.f32 v4, v0;
	v12 =	vld [tilespmem:s0+$0x7CB0]  }
0x464: {  	v8 =	vmul.f32 v8, v0;
	v13 =	vld [tilespmem:s0+$0x7CC0]  }
0x465: {  	v9 =	vmul.f32 v9, v0;
	v14 =	vld [tilespmem:s0+$0x7CD0]  }
0x466: {  	v10 =	vmul.f32 v10, v0;
	v15 =	vld [tilespmem:s0+$0x7CE0]  }
0x467: {  	v11 =	vmul.f32 v11, v0;
	v16 =	vld [tilespmem:s0+$0x7CF0]  }
0x468: {  	v12 =	vmul.f32 v12, v0;
	v17 =	vld [tilespmem:s0+$0x7D00]  }
0x469: {  	v13 =	vmul.f32 v13, v0;
	v18 =	vld [tilespmem:s0+$0x7D10]  }
0x46a: {  	v14 =	vmul.f32 v14, v0;
	v19 =	vld [tilespmem:s0+$0x7D20]  }
0x46b: {  	v15 =	vmul.f32 v15, v0;
	v20 =	vld [tilespmem:s0+$0x7D30]  }
0x46c: {  	v16 =	vmul.f32 v16, v0;
	v21 =	vld [tilespmem:s0+$0x7D40]  }
0x46d: {  	v17 =	vmul.f32 v17, v0;
	v22 =	vld [tilespmem:s0+$0x7D50]  }
0x46e: {  	v18 =	vmul.f32 v18, v0;
	v23 =	vld [tilespmem:s0+$0x7D60]  }
0x46f: {  	v19 =	vmul.f32 v19, v0;
	v24 =	vld [tilespmem:s0+$0x7D70]  }
0x470: {  	v20 =	vmul.f32 v20, v0;
	v25 =	vld [tilespmem:s0+$0x7D80]  }
0x471: {  	v21 =	vmul.f32 v21, v0;
	v26 =	vld [tilespmem:s0+$0x7D90]  }
0x472: {  	v22 =	vmul.f32 v22, v0;
	v27 =	vld [tilespmem:s0+$0x7DA0]  }
0x473: {  	v23 =	vmul.f32 v23, v0;
	v28 =	vld [tilespmem:s0+$0x7DB0]  }
0x474: {  	v24 =	vmul.f32 v24, v0;
	v29 =	vld [tilespmem:s0+$0x7DC0]  }
0x475: {  	v25 =	vmul.f32 v25, v0;
	v30 =	vld [tilespmem:s0+$0x7DD0]  }
0x476: {  	v26 =	vmul.f32 v26, v0;
	v31 =	vld [tilespmem:s0+$0x7DE0]  }
0x477: {  	[tilespmem:s0+$0xFC00] =	vst.add.f32.msk $0xffff, v2;
	v2 =	vmul.f32 v27, v0  }
0x478: {  	[tilespmem:s0+$0xFC10] =	vst.add.f32.msk $0xffff, v3;
	v3 =	vmul.f32 v28, v0  }
0x479: {  	[tilespmem:s0+$0xFC20] =	vst.add.f32.msk $0xffff, v1;
	v27 =	vmul.f32 v29, v0  }
0x47a: {  	[tilespmem:s0+$0xFC30] =	vst.add.f32.msk $0xffff, v5;
	v5 =	vmul.f32 v30, v0  }
0x47b: {  	[tilespmem:s0+$0xFC40] =	vst.add.f32.msk $0xffff, v6;
	v1 =	vmul.f32 v31, v0  }
0x47c: {  	[tilespmem:s0+$0xFC50] =	vst.add.f32.msk $0xffff, v7  }
0x47d: {  	[tilespmem:s0+$0xFC60] =	vst.add.f32.msk $0xffff, v4  }
0x47e: {  	[tilespmem:s0+$0xFC70] =	vst.add.f32.msk $0xffff, v8  }
0x47f: {  	[tilespmem:s0+$0xFC80] =	vst.add.f32.msk $0xffff, v9  }
0x480: {  	[tilespmem:s0+$0xFC90] =	vst.add.f32.msk $0xffff, v10  }
0x481: {  	[tilespmem:s0+$0xFCA0] =	vst.add.f32.msk $0xffff, v11  }
0x482: {  	[tilespmem:s0+$0xFCB0] =	vst.add.f32.msk $0xffff, v12  }
0x483: {  	[tilespmem:s0+$0xFCC0] =	vst.add.f32.msk $0xffff, v13  }
0x484: {  	[tilespmem:s0+$0xFCD0] =	vst.add.f32.msk $0xffff, v14  }
0x485: {  	[tilespmem:s0+$0xFCE0] =	vst.add.f32.msk $0xffff, v15  }
0x486: {  	[tilespmem:s0+$0xFCF0] =	vst.add.f32.msk $0xffff, v16  }
0x487: {  	[tilespmem:s0+$0xFD00] =	vst.add.f32.msk $0xffff, v17  }
0x488: {  	[tilespmem:s0+$0xFD10] =	vst.add.f32.msk $0xffff, v18  }
0x489: {  	[tilespmem:s0+$0xFD20] =	vst.add.f32.msk $0xffff, v19  }
0x48a: {  	[tilespmem:s0+$0xFD30] =	vst.add.f32.msk $0xffff, v20  }
0x48b: {  	[tilespmem:s0+$0xFD40] =	vst.add.f32.msk $0xffff, v21  }
0x48c: {  	[tilespmem:s0+$0xFD50] =	vst.add.f32.msk $0xffff, v22  }
0x48d: {  	[tilespmem:s0+$0xFD60] =	vst.add.f32.msk $0xffff, v23  }
0x48e: {  	[tilespmem:s0+$0xFD70] =	vst.add.f32.msk $0xffff, v24  }
0x48f: {  	[tilespmem:s0+$0xFD80] =	vst.add.f32.msk $0xffff, v25  }
.Ltmp17:
0x490: {  	[tilespmem:s0+$0xFD90] =	vst.add.f32.msk $0xffff, v26;
	(pc) =	sbr.rel @p2 .LBB2_33-.Ltmp17, $4  }
0x491: {  	[tilespmem:s0+$0xFDA0] =	vst.add.f32.msk $0xffff, v2  }
0x492: {  	[tilespmem:s0+$0xFDB0] =	vst.add.f32.msk $0xffff, v3  }
0x493: {  	[tilespmem:s0+$0xFDC0] =	vst.add.f32.msk $0xffff, v27  }
0x494: {  	s11 =	sadd.s32 $0x800, s11;
	[tilespmem:s0+$0xFDD0] =	vst.add.f32.msk $0xffff, v5  }
0x495: {  	s6 =	sadd.s32 s17, s13  }
0x496: {  	s6 =	sshll.u32 s6, $0x4  }
0x497: {  	[tilespmem:s0+$0xFDE0] =	vst.add.f32.msk $0xffff, v1;
	s24 =	simm.s32 $0xFC00;
	s13 =	sadd.s32 s3, s6  }
0x498: {  	[hbm4b:s13+s5] =	stream.linear.scatter [tilespmem:s24], [sflag:$0xB], $0x2000, $0x38;
	[tilespmem:$0x1D8C8] =	vst v63  }
0x499: {  	s0 =	sshll.u32 @!p1 s26, $0x8;
	_ =	swait.ge [sflag:s12], $0x2000  }
0x49a: {  	s7 =	simm.s32 @!p1 $0x40;
	s0 =	sand.u32 @!p1 $0x3FFFFF00, s0;
	[sflag:s12] =	ssyncset.done $0x0  }
0x49b: {  	s8 =	simm.s32 @!p1 $0xBC00;
	s6 =	sadd.s32 @!p1 $0x100, s0;
	[sflag:s12] =	ssyncadd.s32 $0xFFFFE000  }
0x49c: {  	[tilespmem:s8], [sflag:$0x5] =	stream.indirect.gather @!p1 [spmem:s4], $0x80, s6, s7, $0xb8;
	[tilespmem:$0x1D8C8] =	vst v63  }
0x49d: {  	s6 =	rddreg [dreg:$0x18]  }
0x49e: {  	s6 =	sadd.s32 @!p1 s31, s6  }
0x49f: {  	s6 =	sshll.u32 @!p1 s6, $0x4  }
0x4a0: {  	s7 =	simm.s32 @!p1 $0x0;
	s8 =	simm.s32 @!p1 $0x7C00;
	s6 =	sadd.s32 @!p1 s1, s6  }
0x4a1: {  	[tilespmem:s8], [sflag:$0x3] =	stream.linear.gather @!p1 [hbm4b:s6+s7], $0x2000, $0x38;
	[tilespmem:$0x1D8C8] =	vst v63  }
0x4a2: {  	_ =	swait.ge [sflag:s15], $0x2000  }
0x4a3: {  	[sflag:s15] =	ssyncset.done $0x0  }
0x4a4: {  	[sflag:s15] =	ssyncadd.s32 $0xFFFFE000  }
0x4a5: {  	_ =	swait.ge [sflag:s16], $0x2000  }
0x4a6: {  	[sflag:s16] =	ssyncset.done $0x0  }
0x4a7: {  	s8 =	simm.s32 $0x0;
	[sflag:s16] =	ssyncadd.s32 $0xFFFFE000  }
0x4a8: {  	v1 =	vld [tilespmem:s8+$0x9DF0]  }
0x4a9: {  	v2 =	vld [tilespmem:s8+$0x9C00]  }
0x4aa: {  	v3 =	vld [tilespmem:s8+$0x9C10]  }
0x4ab: {  	v4 =	vld [tilespmem:s8+$0x9C20]  }
0x4ac: {  	v5 =	vld [tilespmem:s8+$0x9C30]  }
0x4ad: {  	v6 =	vld [tilespmem:s8+$0x9C40]  }
0x4ae: {  	v7 =	vld [tilespmem:s8+$0x9C50]  }
0x4af: {  	v8 =	vld [tilespmem:s8+$0x9C70]  }
0x4b0: {  	v9 =	vld [tilespmem:s8+$0x9C80]  }
0x4b1: {  	v10 =	vld [tilespmem:s8+$0x9C90]  }
0x4b2: {  	v11 =	vld [tilespmem:s8+$0x9CA0]  }
0x4b3: {  	v12 =	vld [tilespmem:s8+$0x9CB0]  }
0x4b4: {  	v13 =	vld [tilespmem:s8+$0x9CC0]  }
0x4b5: {  	v14 =	vld [tilespmem:s8+$0x9CD0]  }
0x4b6: {  	v15 =	vld [tilespmem:s8+$0x9CE0]  }
0x4b7: {  	v16 =	vld [tilespmem:s8+$0x9CF0]  }
0x4b8: {  	v17 =	vld [tilespmem:s8+$0x9D00]  }
0x4b9: {  	v18 =	vld [tilespmem:s8+$0x9D10]  }
0x4ba: {  	v19 =	vld [tilespmem:s8+$0x9D20]  }
0x4bb: {  	v20 =	vld [tilespmem:s8+$0x9D30]  }
0x4bc: {  	v21 =	vld [tilespmem:s8+$0x9D40]  }
0x4bd: {  	v22 =	vld [tilespmem:s8+$0x9D50]  }
0x4be: {  	v23 =	vld [tilespmem:s8+$0x9D60]  }
0x4bf: {  	v24 =	vld [tilespmem:s8+$0x9D70]  }
0x4c0: {  	v25 =	vld [tilespmem:s8+$0x9D80]  }
0x4c1: {  	v26 =	vld [tilespmem:s8+$0x9D90]  }
0x4c2: {  	v27 =	vld [tilespmem:s8+$0x9DA0]  }
0x4c3: {  	v28 =	vld [tilespmem:s8+$0x9DB0]  }
0x4c4: {  	v29 =	vld [tilespmem:s8+$0x9DC0]  }
0x4c5: {  	v30 =	vld [tilespmem:s8+$0x9DD0];
	v1 =	vmul.f32 v1, v0  }
0x4c6: {  	v31 =	vld [tilespmem:s8+$0x9DE0]  }
0x4c7: {  	v2 =	vmul.f32 v2, v0;
	[tilespmem:s8+$0x11DF0] =	vst.add.f32.msk $0xffff, v1  }
0x4c8: {  	v3 =	vmul.f32 v3, v0;
	v1 =	vld [tilespmem:s8+$0x9C60]  }
0x4c9: {  	v4 =	vmul.f32 v4, v0;
	[tilespmem:s8+$0x11C00] =	vst.add.f32.msk $0xffff, v2  }
0x4ca: {  	v63 =	vmul.f32 v7, v0;
	[tilespmem:s8+$0x11C10] =	vst.add.f32.msk $0xffff, v3  }
0x4cb: {  	v2 =	vmul.f32 v5, v0;
	[tilespmem:s8+$0x11C20] =	vst.add.f32.msk $0xffff, v4  }
0x4cc: {  	v3 =	vmul.f32 v6, v0;
	[tilespmem:s8+$0x11C50] =	vst.add.f32.msk $0xffff, v63  }
0x4cd: {  	[tilespmem:s8+$0x11C30] =	vst.add.f32.msk $0xffff, v2;
	v2 =	vmul.f32 v8, v0  }
0x4ce: {  	[tilespmem:s8+$0x11C40] =	vst.add.f32.msk $0xffff, v3;
	v3 =	vmul.f32 v9, v0  }
0x4cf: {  	[tilespmem:s8+$0x11C70] =	vst.add.f32.msk $0xffff, v2;
	v2 =	vmul.f32 v11, v0  }
0x4d0: {  	[tilespmem:s8+$0x11C80] =	vst.add.f32.msk $0xffff, v3;
	v3 =	vmul.f32 v12, v0  }
0x4d1: {  	v1 =	vmul.f32 v1, v0;
	[tilespmem:s8+$0x11CA0] =	vst.add.f32.msk $0xffff, v2  }
0x4d2: {  	v2 =	vmul.f32 v14, v0;
	[tilespmem:s8+$0x11CB0] =	vst.add.f32.msk $0xffff, v3  }
0x4d3: {  	v3 =	vmul.f32 v15, v0;
	[tilespmem:s8+$0x11C60] =	vst.add.f32.msk $0xffff, v1  }
0x4d4: {  	v1 =	vmul.f32 v10, v0;
	[tilespmem:s8+$0x11CD0] =	vst.add.f32.msk $0xffff, v2  }
0x4d5: {  	v2 =	vmul.f32 v17, v0;
	[tilespmem:s8+$0x11CE0] =	vst.add.f32.msk $0xffff, v3  }
0x4d6: {  	v3 =	vmul.f32 v18, v0;
	[tilespmem:s8+$0x11C90] =	vst.add.f32.msk $0xffff, v1  }
0x4d7: {  	v1 =	vmul.f32 v13, v0;
	[tilespmem:s8+$0x11D00] =	vst.add.f32.msk $0xffff, v2  }
0x4d8: {  	v2 =	vmul.f32 v20, v0;
	[tilespmem:s8+$0x11D10] =	vst.add.f32.msk $0xffff, v3  }
0x4d9: {  	v3 =	vmul.f32 v21, v0;
	[tilespmem:s8+$0x11CC0] =	vst.add.f32.msk $0xffff, v1  }
0x4da: {  	v1 =	vmul.f32 v16, v0;
	[tilespmem:s8+$0x11D30] =	vst.add.f32.msk $0xffff, v2  }
0x4db: {  	v2 =	vmul.f32 v23, v0;
	[tilespmem:s8+$0x11D40] =	vst.add.f32.msk $0xffff, v3  }
0x4dc: {  	v3 =	vmul.f32 v24, v0;
	[tilespmem:s8+$0x11CF0] =	vst.add.f32.msk $0xffff, v1  }
0x4dd: {  	v1 =	vmul.f32 v19, v0;
	[tilespmem:s8+$0x11D60] =	vst.add.f32.msk $0xffff, v2  }
0x4de: {  	v2 =	vmul.f32 v26, v0;
	[tilespmem:s8+$0x11D70] =	vst.add.f32.msk $0xffff, v3  }
0x4df: {  	[tilespmem:s8+$0x11D20] =	vst.add.f32.msk $0xffff, v1;
	v1 =	vmul.f32 v22, v0  }
0x4e0: {  	v3 =	vmul.f32 v27, v0;
	[tilespmem:s8+$0x11D90] =	vst.add.f32.msk $0xffff, v2  }
0x4e1: {  	[tilespmem:s8+$0x11D50] =	vst.add.f32.msk $0xffff, v1;
	v1 =	vmul.f32 v25, v0  }
0x4e2: {  	v2 =	vmul.f32 v29, v0;
	[tilespmem:s8+$0x11DA0] =	vst.add.f32.msk $0xffff, v3  }
0x4e3: {  	[tilespmem:s8+$0x11D80] =	vst.add.f32.msk $0xffff, v1;
	v1 =	vmul.f32 v28, v0  }
0x4e4: {  	v3 =	vmul.f32 v30, v0;
	[tilespmem:s8+$0x11DC0] =	vst.add.f32.msk $0xffff, v2  }
0x4e5: {  	[tilespmem:s8+$0x11DB0] =	vst.add.f32.msk $0xffff, v1;
	v1 =	vmul.f32 v31, v0  }
0x4e6: {  	s11 =	simm.s32 $0x0;
	s13 =	simm.s32 $0x800;
	[tilespmem:s8+$0x11DD0] =	vst.add.f32.msk $0xffff, v3  }
.LBB2_35:
0x4e7: {  	s11 =	sadd.s32 $0x4, s11;
	[tilespmem:s8+$0x11DE0] =	vst.add.f32.msk $0xffff, v1;
	s8 =	sshra.s32 s13, $0x2  }
0x4e8: {  	v1 =	vld [tilespmem:s8+$0x9DF0];
	p2 =	slt.u32 s11, $0x3C  }
0x4e9: {  	v2 =	vld [tilespmem:s8+$0x9C00]  }
0x4ea: {  	v3 =	vld [tilespmem:s8+$0x9C10]  }
0x4eb: {  	v4 =	vld [tilespmem:s8+$0x9C20]  }
0x4ec: {  	v5 =	vld [tilespmem:s8+$0x9C30]  }
0x4ed: {  	v6 =	vld [tilespmem:s8+$0x9C40];
	v1 =	vmul.f32 v1, v0  }
0x4ee: {  	v2 =	vmul.f32 v2, v0;
	v7 =	vld [tilespmem:s8+$0x9C50]  }
0x4ef: {  	v3 =	vmul.f32 v3, v0;
	[tilespmem:s8+$0x11DF0] =	vst.add.f32.msk $0xffff, v1  }
0x4f0: {  	v1 =	vmul.f32 v4, v0;
	v4 =	vld [tilespmem:s8+$0x9C60]  }
0x4f1: {  	v5 =	vmul.f32 v5, v0;
	v8 =	vld [tilespmem:s8+$0x9C70]  }
0x4f2: {  	v6 =	vmul.f32 v6, v0;
	v9 =	vld [tilespmem:s8+$0x9C80]  }
0x4f3: {  	v7 =	vmul.f32 v7, v0;
	v10 =	vld [tilespmem:s8+$0x9C90]  }
0x4f4: {  	v11 =	vld [tilespmem:s8+$0x9CA0]  }
0x4f5: {  	v4 =	vmul.f32 v4, v0;
	v12 =	vld [tilespmem:s8+$0x9CB0]  }
0x4f6: {  	v8 =	vmul.f32 v8, v0;
	v13 =	vld [tilespmem:s8+$0x9CC0]  }
0x4f7: {  	v9 =	vmul.f32 v9, v0;
	v14 =	vld [tilespmem:s8+$0x9CD0]  }
0x4f8: {  	v10 =	vmul.f32 v10, v0;
	v15 =	vld [tilespmem:s8+$0x9CE0]  }
0x4f9: {  	v11 =	vmul.f32 v11, v0;
	v16 =	vld [tilespmem:s8+$0x9CF0]  }
0x4fa: {  	v12 =	vmul.f32 v12, v0;
	v17 =	vld [tilespmem:s8+$0x9D00]  }
0x4fb: {  	v13 =	vmul.f32 v13, v0;
	v18 =	vld [tilespmem:s8+$0x9D10]  }
0x4fc: {  	v14 =	vmul.f32 v14, v0;
	v19 =	vld [tilespmem:s8+$0x9D20]  }
0x4fd: {  	v15 =	vmul.f32 v15, v0;
	v20 =	vld [tilespmem:s8+$0x9D30]  }
0x4fe: {  	v16 =	vmul.f32 v16, v0;
	v21 =	vld [tilespmem:s8+$0x9D40]  }
0x4ff: {  	v17 =	vmul.f32 v17, v0;
	v22 =	vld [tilespmem:s8+$0x9D50]  }
0x500: {  	v18 =	vmul.f32 v18, v0;
	v23 =	vld [tilespmem:s8+$0x9D60]  }
0x501: {  	v19 =	vmul.f32 v19, v0;
	v24 =	vld [tilespmem:s8+$0x9D70]  }
0x502: {  	v20 =	vmul.f32 v20, v0;
	v25 =	vld [tilespmem:s8+$0x9D80]  }
0x503: {  	v21 =	vmul.f32 v21, v0;
	v26 =	vld [tilespmem:s8+$0x9D90]  }
0x504: {  	v22 =	vmul.f32 v22, v0;
	v27 =	vld [tilespmem:s8+$0x9DA0]  }
0x505: {  	v23 =	vmul.f32 v23, v0;
	v28 =	vld [tilespmem:s8+$0x9DB0]  }
0x506: {  	v24 =	vmul.f32 v24, v0;
	v29 =	vld [tilespmem:s8+$0x9DC0]  }
0x507: {  	v25 =	vmul.f32 v25, v0;
	v30 =	vld [tilespmem:s8+$0x9DD0]  }
0x508: {  	v26 =	vmul.f32 v26, v0;
	v31 =	vld [tilespmem:s8+$0x9DE0]  }
0x509: {  	[tilespmem:s8+$0x11C00] =	vst.add.f32.msk $0xffff, v2;
	v2 =	vmul.f32 v27, v0  }
0x50a: {  	[tilespmem:s8+$0x11C10] =	vst.add.f32.msk $0xffff, v3;
	v3 =	vmul.f32 v28, v0  }
0x50b: {  	[tilespmem:s8+$0x11C20] =	vst.add.f32.msk $0xffff, v1;
	v27 =	vmul.f32 v29, v0  }
0x50c: {  	[tilespmem:s8+$0x11C30] =	vst.add.f32.msk $0xffff, v5;
	v5 =	vmul.f32 v30, v0  }
0x50d: {  	[tilespmem:s8+$0x11C40] =	vst.add.f32.msk $0xffff, v6;
	v1 =	vmul.f32 v31, v0  }
0x50e: {  	[tilespmem:s8+$0x11C50] =	vst.add.f32.msk $0xffff, v7  }
0x50f: {  	[tilespmem:s8+$0x11C60] =	vst.add.f32.msk $0xffff, v4  }
0x510: {  	[tilespmem:s8+$0x11C70] =	vst.add.f32.msk $0xffff, v8  }
0x511: {  	[tilespmem:s8+$0x11C80] =	vst.add.f32.msk $0xffff, v9  }
0x512: {  	[tilespmem:s8+$0x11C90] =	vst.add.f32.msk $0xffff, v10  }
0x513: {  	[tilespmem:s8+$0x11CA0] =	vst.add.f32.msk $0xffff, v11  }
0x514: {  	[tilespmem:s8+$0x11CB0] =	vst.add.f32.msk $0xffff, v12  }
0x515: {  	[tilespmem:s8+$0x11CC0] =	vst.add.f32.msk $0xffff, v13  }
0x516: {  	[tilespmem:s8+$0x11CD0] =	vst.add.f32.msk $0xffff, v14  }
0x517: {  	[tilespmem:s8+$0x11CE0] =	vst.add.f32.msk $0xffff, v15  }
0x518: {  	[tilespmem:s8+$0x11CF0] =	vst.add.f32.msk $0xffff, v16  }
0x519: {  	[tilespmem:s8+$0x11D00] =	vst.add.f32.msk $0xffff, v17  }
0x51a: {  	[tilespmem:s8+$0x11D10] =	vst.add.f32.msk $0xffff, v18  }
0x51b: {  	[tilespmem:s8+$0x11D20] =	vst.add.f32.msk $0xffff, v19  }
0x51c: {  	[tilespmem:s8+$0x11D30] =	vst.add.f32.msk $0xffff, v20  }
0x51d: {  	[tilespmem:s8+$0x11D40] =	vst.add.f32.msk $0xffff, v21  }
0x51e: {  	[tilespmem:s8+$0x11D50] =	vst.add.f32.msk $0xffff, v22  }
0x51f: {  	[tilespmem:s8+$0x11D60] =	vst.add.f32.msk $0xffff, v23  }
0x520: {  	[tilespmem:s8+$0x11D70] =	vst.add.f32.msk $0xffff, v24  }
0x521: {  	[tilespmem:s8+$0x11D80] =	vst.add.f32.msk $0xffff, v25  }
.Ltmp18:
0x522: {  	[tilespmem:s8+$0x11D90] =	vst.add.f32.msk $0xffff, v26;
	(pc) =	sbr.rel @p2 .LBB2_35-.Ltmp18, $4  }
0x523: {  	[tilespmem:s8+$0x11DA0] =	vst.add.f32.msk $0xffff, v2  }
0x524: {  	[tilespmem:s8+$0x11DB0] =	vst.add.f32.msk $0xffff, v3  }
0x525: {  	[tilespmem:s8+$0x11DC0] =	vst.add.f32.msk $0xffff, v27  }
0x526: {  	s13 =	sadd.s32 $0x800, s13;
	[tilespmem:s8+$0x11DD0] =	vst.add.f32.msk $0xffff, v5  }
0x527: {  	[tilespmem:s8+$0x11DE0] =	vst.add.f32.msk $0xffff, v1;
	s6 =	sadd.s32 s3, s28;
	s7 =	simm.s32 $0x11C00  }
0x528: {  	[hbm4b:s6+s5] =	stream.linear.scatter [tilespmem:s7], [sflag:$0xC], $0x2000, $0x38;
	[tilespmem:$0x1D8C8] =	vst v63  }
0x529: {  	_ =	swait.ge [sflag:s18], $0x2000  }
0x52a: {  	s0 =	sadd.s32 @!p1 $0x140, s0;
	s26 =	sadd.s32 $0x1, s26;
	[sflag:s18] =	ssyncset.done $0x0  }
0x52b: {  	s6 =	simm.s32 @!p1 $0x40;
	s7 =	simm.s32 @!p1 $0xDC00;
	[sflag:s18] =	ssyncadd.s32 $0xFFFFE000  }
0x52c: {  	[tilespmem:s7], [sflag:$0x6] =	stream.indirect.gather @!p1 [spmem:s4], $0x80, s0, s6, $0xb8;
	[tilespmem:$0x1D8C8] =	vst v63  }
0x52d: {  	p1 =	sne.s32 s26, $0x32  }
.Ltmp19:
0x52e: {  	_ = 	snop;
	(pc) =	sbr.rel @p1 .LBB2_24-.Ltmp19, $1  }
0x52f: {  	_ =	sdelay $0x3  }
0x530: {  	s0 =	simm.s32 $0xB  }
0x531: {  	_ =	swait.ge [sflag:s0], $0x2000  }
0x532: {  	[sflag:s0] =	ssyncset.done $0x0  }
0x533: {  	s6 =	simm.s32 $0xC;
	[sflag:s0] =	ssyncadd.s32 $0xFFFFE000  }
0x534: {  	_ =	swait.ge [sflag:s6], $0x2000  }
0x535: {  	s7 =	rddreg [dreg:$0x19]  }
0x536: {  	s31 =	rddreg [dreg:$0x16];
	s7 =	sadd.s32 $0x1, s7  }
0x537: {  	p1 =	sne.s32 s7, s31  }
.Ltmp20:
0x538: {  	_ = 	snop;
	(pc) =	sbr.rel @p1 .LBB2_1-.Ltmp20, $3  }
0x539: {  	_ =	sdelay $0x1  }
0x53a: {  	[sflag:s6] =	ssyncset.done $0x0  }
0x53b: {  	[sflag:s6] =	ssyncadd.s32 $0xFFFFE000  }
0x53c: {  	_ =	sfence.sel $0x180000  }
0x53d: {  	[bflag:$0x0] =	sbarrier.arrive $0xFFFF  }
0x53e: {  	_ =	strace $0x90000047  }
0x53f: {  	[bflag:$0x2] =	sbarrier.arrive $0xFFFF  }
0x540: {  	s0 =	rddreg [dreg:$0x5]  }
0x541: {  	s0 =	sadd.s32 @!p0 $0x100000, s0  }
0x542: {  	[sflag:s0] =	ssyncadd.tile.s32 @!p0 $0x1;
	_ =	shalt  }
.Lfunc_end2:
_tile_overlayer_lowered:
.L_overlay_start_2:
0x543: {  	(tag) =	ssettag $0x2  }
0x544: {  	s0 =	rddreg [dreg:$0x0];
	s2 =	stileid.u32  }
0x545: {  	s1 =	rddreg [dreg:$0x1];
	p0 =	sne.s32 s2, $0x0  }
0x546: {  	s3 =	rddreg [dreg:$0x2];
	[bflag:$0x3] =	sbarrier.arrive $0xFFFF;
	s2 =	simm.s32 @!p0 $0x1C0D  }
0x547: {  	[timem:s3], [sflag:s2] =	dma.local @!p0 [hbm:s0], s1  }
0x548: {  	s0 =	simm.s32 @!p0 $0xD  }
0x549: {  	_ =	swait.ge @!p0 [sflag:s0], s1  }
0x54a: {  	s1 =	ssub.s32 @!p0 $0x0, s1;
	[sflag:s0] =	ssyncset.done @!p0 $0x0  }
0x54b: {  	[sflag:s0] =	ssyncadd.s32 @!p0 s1  }
0x54c: {  	[bflag:$0x3] =	sbarrier.arrive $0xFFFF  }
0x54d: {  	_ =	shalt  }

</sc_bundles>
